<compile_context>
chip_gen: v7x
topology: tpu7x:2x2x1
jax: 0.10.2.dev20260603
libtpu: 0.0.44.dev20260713+nightly
codegen_flags: <defaults>
</compile_context>

<pallas_src>
import jax
import jax.numpy as jnp
from jax import lax
from jax.experimental import pallas as pl
from jax.experimental.pallas import tpu as pltpu
from jax.experimental.pallas import tpu_sc as plsc

ALPHA = 1.0
GAMMA = 2.0
N_ROWS = 16384
N_CLS = 1000
BLK = 2048
NW = 32
BPW = N_ROWS // NW


def _sc_gather_body(x_hbm, t_hbm, out_hbm, t_v, g8_v, out_v, sem):
    c_id = lax.axis_index("c")
    s_id = lax.axis_index("s")
    wid = s_id * 2 + c_id
    base = wid * BPW
    pltpu.sync_copy(t_hbm.at[pl.ds(base, BPW)], t_v)
    for k in range(BPW // 128):
        pltpu.make_async_copy(
            x_hbm.at[t_v.at[pl.ds(k * 128, 128)], pl.ds(base + k * 128, 128)],
            g8_v.at[pl.ds(k * 128, 128)],
            sem,
        ).start()
    pltpu.make_async_copy(
        x_hbm.at[pl.ds(0, BPW), pl.ds(0, 128)], g8_v, sem
    ).wait()

    lanes = lax.broadcasted_iota(jnp.int32, (16,), 0)
    for g in range(BPW // 16):
        rows = g * 16 + lanes
        cols = rows & 127
        out_v[pl.ds(g * 16, 16)] = plsc.load_gather(g8_v, [rows, cols])
    pltpu.sync_copy(out_v, out_hbm.at[pl.ds(base, BPW)])


_sc_gather = pl.kernel(
    _sc_gather_body,
    out_type=jax.ShapeDtypeStruct((N_ROWS,), jnp.float32),
    mesh=plsc.VectorSubcoreMesh(core_axis_name="c", subcore_axis_name="s"),
    scratch_types=[
        pltpu.VMEM((BPW,), jnp.int32),
        pltpu.VMEM((BPW, 128), jnp.float32),
        pltpu.VMEM((BPW,), jnp.float32),
        pltpu.SemaphoreType.DMA,
    ],
    compiler_params=pltpu.CompilerParams(
        use_tc_tiling_on_sc=True, needs_layout_passes=False
    ),
)


def _stats_body(x_ref, out_ref):
    x = x_ref[...]
    m = jnp.max(x, axis=0, keepdims=True)
    s = jnp.sum(jnp.exp(x - m), axis=0, keepdims=True)
    out_ref[...] = jnp.concatenate([m, s], axis=0)


def _combine_body(ms_ref, xt_ref, out_ref):
    m = ms_ref[0:1, :]
    s = ms_ref[1:2, :]
    xt = xt_ref[...]
    logpt = (xt - m) - jnp.log(s)
    pt = jnp.exp(logpt)
    loss = -ALPHA * (1.0 - pt) * (1.0 - pt) * logpt
    out_ref[0, 0] = jnp.sum(loss) * (1.0 / N_ROWS)


def kernel(inputs, targets):
    xT = inputs.T
    t = targets.astype(jnp.int32)
    xt_vec = _sc_gather(xT, t)
    ms = pl.pallas_call(
        _stats_body,
        grid=(N_ROWS // BLK,),
        in_specs=[pl.BlockSpec((N_CLS, BLK), lambda i: (0, i))],
        out_specs=pl.BlockSpec((2, BLK), lambda i: (0, i)),
        out_shape=jax.ShapeDtypeStruct((2, N_ROWS), jnp.float32),
        compiler_params=pltpu.CompilerParams(
            dimension_semantics=("arbitrary",),
        ),
    )(xT)
    out = pl.pallas_call(
        _combine_body,
        in_specs=[
            pl.BlockSpec((2, N_ROWS), lambda: (0, 0)),
            pl.BlockSpec((1, N_ROWS), lambda: (0, 0)),
        ],
        out_specs=pl.BlockSpec((1, 1), memory_space=pltpu.SMEM),
        out_shape=jax.ShapeDtypeStruct((1, 1), jnp.float32),
    )(ms, xt_vec.reshape(1, N_ROWS))
    return out[0, 0]

# --- scband reference (transcript-rebuilt; emitter-appended) ---
"""Pipeline reference for scband-focal-loss-43705587204697 (READ-ONLY COPY).

The authoritative reference and input builder live on the scoring server;
editing this copy changes nothing except your own understanding.
"""

import jax, jax.numpy as jnp
import numpy as np

ALPHA = 1.0
GAMMA = 2.0

def setup_inputs(seed: int = 0) -> dict:
    key = jax.random.key(seed)
    k1, k2 = jax.random.split(key)
    inputs = jax.random.normal(k1, (16384, 1000), dtype=jnp.float32)
    targets = jax.random.randint(k2, (16384,), 0, 1000, dtype=jnp.int64 if jax.config.read('jax_enable_x64') else jnp.int32)
    return {"inputs": inputs, "targets": targets}

def reference(inputs, targets):
    # softmax over class dim
    res_softmax = jax.nn.softmax(inputs, axis=1)
    # gather probability of the correct class (equivalent to masked_select with one-hot mask)
    pt = jnp.take_along_axis(res_softmax, targets[:, None].astype(jnp.int32), axis=1)[:, 0]
    loss = -ALPHA * (1.0 - pt) ** GAMMA * jnp.log(pt)
    return jnp.mean(loss)

if __name__ == "__main__":
    import jax
    _d = setup_inputs()
    print(jax.jit(kernel)(*tuple(_d.values())))

</pallas_src>

<mosaic_0001>
#map = affine_map<(d0, d1) -> (0, 0)>
#map1 = affine_map<(d0, d1) -> (0)>
module attributes {stable_mosaic.version = 14 : i64} {
  func.func @_sc_gather_body(%arg0: i32, %arg1: i32, %arg2: memref<1000x16384xf32, #tpu.memory_space<hbm>>, %arg3: memref<16384xi32, #tpu.memory_space<hbm>>, %arg4: memref<16384xf32, #tpu.memory_space<hbm>>, %arg5: memref<512xi32, #tpu.memory_space<vmem>>, %arg6: memref<512x128xf32, #tpu.memory_space<vmem>>, %arg7: memref<512xf32, #tpu.memory_space<vmem>>, %arg8: memref<!tpu.dma_semaphore, #tpu.memory_space<semaphore_mem>>) attributes {dimension_semantics = [#tpu.dimension_semantics<core_parallel>, #tpu.dimension_semantics<subcore_parallel>], iteration_bounds = array<i64: 2, 16>, scalar_prefetch = 0 : i64, scratch_operands = 4 : i64, tpu.core_type = #tpu.core_type<sc_vector_subcore>, window_params = [{transform_indices = #map}, {transform_indices = #map1}, {transform_indices = #map1}]} {
    %mul3A = arith.constant 2 : i32
    %mul3A_0 = arith.muli %arg1, %mul3A : i32
    %add3A = arith.addi %mul3A_0, %arg0 : i32
    %mul3A_1 = arith.constant 512 : i32
    %mul3A_2 = arith.muli %add3A, %mul3A_1 : i32
    "tpu.region"() ({
      %run_scoped3A = tpu.sem_alloc : memref<!tpu.dma_semaphore, #tpu.memory_space<semaphore_mem>>
      %dma_start3A_328 = tpu.memref_slice %arg3[%mul3A_2] : memref<16384xi32, #tpu.memory_space<hbm>> -> memref<512xi32, #tpu.memory_space<hbm>>
      %dma_start3A_329 = tpu.memref_slice %arg3[%mul3A_2] : memref<16384xi32, #tpu.memory_space<hbm>> -> memref<512xi32, #tpu.memory_space<hbm>>
      tpu.enqueue_dma source(%dma_start3A_329 : memref<512xi32, #tpu.memory_space<hbm>>) target(%arg5 : memref<512xi32, #tpu.memory_space<vmem>>) target_semaphore(%run_scoped3A : memref<!tpu.dma_semaphore, #tpu.memory_space<semaphore_mem>>)
      %dma_wait3A_330 = tpu.memref_slice %arg3[%mul3A_2] : memref<16384xi32, #tpu.memory_space<hbm>> -> memref<512xi32, #tpu.memory_space<hbm>>
      %dma_wait3A_331 = tpu.memref_slice %arg3[%mul3A_2] : memref<16384xi32, #tpu.memory_space<hbm>> -> memref<512xi32, #tpu.memory_space<hbm>>
      tpu.wait_dma2 semaphore(%run_scoped3A : memref<!tpu.dma_semaphore, #tpu.memory_space<semaphore_mem>>) src(%dma_wait3A_331 : memref<512xi32, #tpu.memory_space<hbm>>) dst(%arg5 : memref<512xi32, #tpu.memory_space<vmem>>)
      tpu.yield
    }) : () -> ()
    %add3A_3 = arith.constant 0 : i32
    %add3A_4 = arith.addi %mul3A_2, %add3A_3 : i32
    %dma_start3A = arith.constant 0 : i32
    %dma_start3A_5 = arith.constant 0 : i32
    %dma_start3A_6 = tpu.memref_slice %arg6[%dma_start3A, %dma_start3A_5] : memref<512x128xf32, #tpu.memory_space<vmem>> -> memref<128x128xf32, #tpu.memory_space<vmem>>
    %dma_start3A_7 = arith.constant 0 : i32
    %dma_start3A_8 = tpu.memref_slice %arg5[%dma_start3A_7] : memref<512xi32, #tpu.memory_space<vmem>> -> memref<128xi32, #tpu.memory_space<vmem>>
    %dma_start3A_9 = arith.constant 0 : i32
    %dma_start3A_10 = tpu.memref_slice %arg2[%dma_start3A_9, %add3A_4] : memref<1000x16384xf32, #tpu.memory_space<hbm>> -> memref<1000x128xf32, #tpu.memory_space<hbm>>
    tpu.enqueue_indirect_dma source(%dma_start3A_10 : memref<1000x128xf32, #tpu.memory_space<hbm>>) target(%dma_start3A_6 : memref<128x128xf32, #tpu.memory_space<vmem>>) offsets(%dma_start3A_8 : memref<128xi32, #tpu.memory_space<vmem>>) semaphore(%arg8 : memref<!tpu.dma_semaphore, #tpu.memory_space<semaphore_mem>>)
    %add3A_11 = arith.constant 128 : i32
    %add3A_12 = arith.addi %mul3A_2, %add3A_11 : i32
    %dma_start3A_13 = arith.constant 128 : i32
    %dma_start3A_14 = arith.constant 0 : i32
    %dma_start3A_15 = tpu.memref_slice %arg6[%dma_start3A_13, %dma_start3A_14] : memref<512x128xf32, #tpu.memory_space<vmem>> -> memref<128x128xf32, #tpu.memory_space<vmem>>
    %dma_start3A_16 = arith.constant 128 : i32
    %dma_start3A_17 = tpu.memref_slice %arg5[%dma_start3A_16] : memref<512xi32, #tpu.memory_space<vmem>> -> memref<128xi32, #tpu.memory_space<vmem>>
    %dma_start3A_18 = arith.constant 0 : i32
    %dma_start3A_19 = tpu.memref_slice %arg2[%dma_start3A_18, %add3A_12] : memref<1000x16384xf32, #tpu.memory_space<hbm>> -> memref<1000x128xf32, #tpu.memory_space<hbm>>
    tpu.enqueue_indirect_dma source(%dma_start3A_19 : memref<1000x128xf32, #tpu.memory_space<hbm>>) target(%dma_start3A_15 : memref<128x128xf32, #tpu.memory_space<vmem>>) offsets(%dma_start3A_17 : memref<128xi32, #tpu.memory_space<vmem>>) semaphore(%arg8 : memref<!tpu.dma_semaphore, #tpu.memory_space<semaphore_mem>>)
    %add3A_20 = arith.constant 256 : i32
    %add3A_21 = arith.addi %mul3A_2, %add3A_20 : i32
    %dma_start3A_22 = arith.constant 256 : i32
    %dma_start3A_23 = arith.constant 0 : i32
    %dma_start3A_24 = tpu.memref_slice %arg6[%dma_start3A_22, %dma_start3A_23] : memref<512x128xf32, #tpu.memory_space<vmem>> -> memref<128x128xf32, #tpu.memory_space<vmem>>
    %dma_start3A_25 = arith.constant 256 : i32
    %dma_start3A_26 = tpu.memref_slice %arg5[%dma_start3A_25] : memref<512xi32, #tpu.memory_space<vmem>> -> memref<128xi32, #tpu.memory_space<vmem>>
    %dma_start3A_27 = arith.constant 0 : i32
    %dma_start3A_28 = tpu.memref_slice %arg2[%dma_start3A_27, %add3A_21] : memref<1000x16384xf32, #tpu.memory_space<hbm>> -> memref<1000x128xf32, #tpu.memory_space<hbm>>
    tpu.enqueue_indirect_dma source(%dma_start3A_28 : memref<1000x128xf32, #tpu.memory_space<hbm>>) target(%dma_start3A_24 : memref<128x128xf32, #tpu.memory_space<vmem>>) offsets(%dma_start3A_26 : memref<128xi32, #tpu.memory_space<vmem>>) semaphore(%arg8 : memref<!tpu.dma_semaphore, #tpu.memory_space<semaphore_mem>>)
    %add3A_29 = arith.constant 384 : i32
    %add3A_30 = arith.addi %mul3A_2, %add3A_29 : i32
    %dma_start3A_31 = arith.constant 384 : i32
    %dma_start3A_32 = arith.constant 0 : i32
    %dma_start3A_33 = tpu.memref_slice %arg6[%dma_start3A_31, %dma_start3A_32] : memref<512x128xf32, #tpu.memory_space<vmem>> -> memref<128x128xf32, #tpu.memory_space<vmem>>
    %dma_start3A_34 = arith.constant 384 : i32
    %dma_start3A_35 = tpu.memref_slice %arg5[%dma_start3A_34] : memref<512xi32, #tpu.memory_space<vmem>> -> memref<128xi32, #tpu.memory_space<vmem>>
    %dma_start3A_36 = arith.constant 0 : i32
    %dma_start3A_37 = tpu.memref_slice %arg2[%dma_start3A_36, %add3A_30] : memref<1000x16384xf32, #tpu.memory_space<hbm>> -> memref<1000x128xf32, #tpu.memory_space<hbm>>
    tpu.enqueue_indirect_dma source(%dma_start3A_37 : memref<1000x128xf32, #tpu.memory_space<hbm>>) target(%dma_start3A_33 : memref<128x128xf32, #tpu.memory_space<vmem>>) offsets(%dma_start3A_35 : memref<128xi32, #tpu.memory_space<vmem>>) semaphore(%arg8 : memref<!tpu.dma_semaphore, #tpu.memory_space<semaphore_mem>>)
    %dma_wait3A = arith.constant 0 : i32
    %dma_wait3A_38 = arith.constant 0 : i32
    %dma_wait3A_39 = tpu.memref_slice %arg2[%dma_wait3A, %dma_wait3A_38] : memref<1000x16384xf32, #tpu.memory_space<hbm>> -> memref<512x128xf32, #tpu.memory_space<hbm>>
    %dma_wait3A_40 = arith.constant 0 : i32
    %dma_wait3A_41 = arith.constant 0 : i32
    %dma_wait3A_42 = tpu.memref_slice %arg2[%dma_wait3A_40, %dma_wait3A_41] : memref<1000x16384xf32, #tpu.memory_space<hbm>> -> memref<512x128xf32, #tpu.memory_space<hbm>>
    tpu.wait_dma2 semaphore(%arg8 : memref<!tpu.dma_semaphore, #tpu.memory_space<semaphore_mem>>) src(%dma_wait3A_42 : memref<512x128xf32, #tpu.memory_space<hbm>>) dst(%arg6 : memref<512x128xf32, #tpu.memory_space<vmem>>)
    %iota3A = tpu.iota {dimensions = array<i32: 0>} : vector<16xi32>
    %add3A_43 = arith.constant 0 : i32
    %add3A_44 = vector.broadcast %add3A_43 : i32 to vector<16xi32>
    %add3A_45 = arith.addi %add3A_44, %iota3A : vector<16xi32>
    %and3A = arith.constant 127 : i32
    %and3A_46 = vector.broadcast %and3A : i32 to vector<16xi32>
    %and3A_47 = arith.andi %add3A_45, %and3A_46 : vector<16xi32>
    %gather3A = tpu.vector_load_idx %arg6[%add3A_45, %and3A_47] : memref<512x128xf32, #tpu.memory_space<vmem>>[vector<16xi32>, vector<16xi32>], vector<16xf32>,
    %swap3A = arith.constant 0 : index
    %swap3A_48 = tpu.vector_load %arg7[%swap3A] {strides = array<i32>} : memref<512xf32, #tpu.memory_space<vmem>>, vector<16xf32>,
    tpu.vector_store %arg7[%swap3A], %gather3A {strides = array<i32>} : memref<512xf32, #tpu.memory_space<vmem>>, vector<16xf32>,
    %add3A_49 = arith.constant 16 : i32
    %add3A_50 = vector.broadcast %add3A_49 : i32 to vector<16xi32>
    %add3A_51 = arith.addi %add3A_50, %iota3A : vector<16xi32>
    %and3A_52 = arith.constant 127 : i32
    %and3A_53 = vector.broadcast %and3A_52 : i32 to vector<16xi32>
    %and3A_54 = arith.andi %add3A_51, %and3A_53 : vector<16xi32>
    %gather3A_55 = tpu.vector_load_idx %arg6[%add3A_51, %and3A_54] : memref<512x128xf32, #tpu.memory_space<vmem>>[vector<16xi32>, vector<16xi32>], vector<16xf32>,
    %swap3A_56 = arith.constant 16 : index
    %swap3A_57 = tpu.vector_load %arg7[%swap3A_56] {strides = array<i32>} : memref<512xf32, #tpu.memory_space<vmem>>, vector<16xf32>,
    tpu.vector_store %arg7[%swap3A_56], %gather3A_55 {strides = array<i32>} : memref<512xf32, #tpu.memory_space<vmem>>, vector<16xf32>,
    %add3A_58 = arith.constant 32 : i32
    %add3A_59 = vector.broadcast %add3A_58 : i32 to vector<16xi32>
    %add3A_60 = arith.addi %add3A_59, %iota3A : vector<16xi32>
    %and3A_61 = arith.constant 127 : i32
    %and3A_62 = vector.broadcast %and3A_61 : i32 to vector<16xi32>
    %and3A_63 = arith.andi %add3A_60, %and3A_62 : vector<16xi32>
    %gather3A_64 = tpu.vector_load_idx %arg6[%add3A_60, %and3A_63] : memref<512x128xf32, #tpu.memory_space<vmem>>[vector<16xi32>, vector<16xi32>], vector<16xf32>,
    %swap3A_65 = arith.constant 32 : index
    %swap3A_66 = tpu.vector_load %arg7[%swap3A_65] {strides = array<i32>} : memref<512xf32, #tpu.memory_space<vmem>>, vector<16xf32>,
    tpu.vector_store %arg7[%swap3A_65], %gather3A_64 {strides = array<i32>} : memref<512xf32, #tpu.memory_space<vmem>>, vector<16xf32>,
    %add3A_67 = arith.constant 48 : i32
    %add3A_68 = vector.broadcast %add3A_67 : i32 to vector<16xi32>
    %add3A_69 = arith.addi %add3A_68, %iota3A : vector<16xi32>
    %and3A_70 = arith.constant 127 : i32
    %and3A_71 = vector.broadcast %and3A_70 : i32 to vector<16xi32>
    %and3A_72 = arith.andi %add3A_69, %and3A_71 : vector<16xi32>
    %gather3A_73 = tpu.vector_load_idx %arg6[%add3A_69, %and3A_72] : memref<512x128xf32, #tpu.memory_space<vmem>>[vector<16xi32>, vector<16xi32>], vector<16xf32>,
    %swap3A_74 = arith.constant 48 : index
    %swap3A_75 = tpu.vector_load %arg7[%swap3A_74] {strides = array<i32>} : memref<512xf32, #tpu.memory_space<vmem>>, vector<16xf32>,
    tpu.vector_store %arg7[%swap3A_74], %gather3A_73 {strides = array<i32>} : memref<512xf32, #tpu.memory_space<vmem>>, vector<16xf32>,
    %add3A_76 = arith.constant 64 : i32
    %add3A_77 = vector.broadcast %add3A_76 : i32 to vector<16xi32>
    %add3A_78 = arith.addi %add3A_77, %iota3A : vector<16xi32>
    %and3A_79 = arith.constant 127 : i32
    %and3A_80 = vector.broadcast %and3A_79 : i32 to vector<16xi32>
    %and3A_81 = arith.andi %add3A_78, %and3A_80 : vector<16xi32>
    %gather3A_82 = tpu.vector_load_idx %arg6[%add3A_78, %and3A_81] : memref<512x128xf32, #tpu.memory_space<vmem>>[vector<16xi32>, vector<16xi32>], vector<16xf32>,
    %swap3A_83 = arith.constant 64 : index
    %swap3A_84 = tpu.vector_load %arg7[%swap3A_83] {strides = array<i32>} : memref<512xf32, #tpu.memory_space<vmem>>, vector<16xf32>,
    tpu.vector_store %arg7[%swap3A_83], %gather3A_82 {strides = array<i32>} : memref<512xf32, #tpu.memory_space<vmem>>, vector<16xf32>,
    %add3A_85 = arith.constant 80 : i32
    %add3A_86 = vector.broadcast %add3A_85 : i32 to vector<16xi32>
    %add3A_87 = arith.addi %add3A_86, %iota3A : vector<16xi32>
    %and3A_88 = arith.constant 127 : i32
    %and3A_89 = vector.broadcast %and3A_88 : i32 to vector<16xi32>
    %and3A_90 = arith.andi %add3A_87, %and3A_89 : vector<16xi32>
    %gather3A_91 = tpu.vector_load_idx %arg6[%add3A_87, %and3A_90] : memref<512x128xf32, #tpu.memory_space<vmem>>[vector<16xi32>, vector<16xi32>], vector<16xf32>,
    %swap3A_92 = arith.constant 80 : index
    %swap3A_93 = tpu.vector_load %arg7[%swap3A_92] {strides = array<i32>} : memref<512xf32, #tpu.memory_space<vmem>>, vector<16xf32>,
    tpu.vector_store %arg7[%swap3A_92], %gather3A_91 {strides = array<i32>} : memref<512xf32, #tpu.memory_space<vmem>>, vector<16xf32>,
    %add3A_94 = arith.constant 96 : i32
    %add3A_95 = vector.broadcast %add3A_94 : i32 to vector<16xi32>
    %add3A_96 = arith.addi %add3A_95, %iota3A : vector<16xi32>
    %and3A_97 = arith.constant 127 : i32
    %and3A_98 = vector.broadcast %and3A_97 : i32 to vector<16xi32>
    %and3A_99 = arith.andi %add3A_96, %and3A_98 : vector<16xi32>
    %gather3A_100 = tpu.vector_load_idx %arg6[%add3A_96, %and3A_99] : memref<512x128xf32, #tpu.memory_space<vmem>>[vector<16xi32>, vector<16xi32>], vector<16xf32>,
    %swap3A_101 = arith.constant 96 : index
    %swap3A_102 = tpu.vector_load %arg7[%swap3A_101] {strides = array<i32>} : memref<512xf32, #tpu.memory_space<vmem>>, vector<16xf32>,
    tpu.vector_store %arg7[%swap3A_101], %gather3A_100 {strides = array<i32>} : memref<512xf32, #tpu.memory_space<vmem>>, vector<16xf32>,
    %add3A_103 = arith.constant 112 : i32
    %add3A_104 = vector.broadcast %add3A_103 : i32 to vector<16xi32>
    %add3A_105 = arith.addi %add3A_104, %iota3A : vector<16xi32>
    %and3A_106 = arith.constant 127 : i32
    %and3A_107 = vector.broadcast %and3A_106 : i32 to vector<16xi32>
    %and3A_108 = arith.andi %add3A_105, %and3A_107 : vector<16xi32>
    %gather3A_109 = tpu.vector_load_idx %arg6[%add3A_105, %and3A_108] : memref<512x128xf32, #tpu.memory_space<vmem>>[vector<16xi32>, vector<16xi32>], vector<16xf32>,
    %swap3A_110 = arith.constant 112 : index
    %swap3A_111 = tpu.vector_load %arg7[%swap3A_110] {strides = array<i32>} : memref<512xf32, #tpu.memory_space<vmem>>, vector<16xf32>,
    tpu.vector_store %arg7[%swap3A_110], %gather3A_109 {strides = array<i32>} : memref<512xf32, #tpu.memory_space<vmem>>, vector<16xf32>,
    %add3A_112 = arith.constant 128 : i32
    %add3A_113 = vector.broadcast %add3A_112 : i32 to vector<16xi32>
    %add3A_114 = arith.addi %add3A_113, %iota3A : vector<16xi32>
    %and3A_115 = arith.constant 127 : i32
    %and3A_116 = vector.broadcast %and3A_115 : i32 to vector<16xi32>
    %and3A_117 = arith.andi %add3A_114, %and3A_116 : vector<16xi32>
    %gather3A_118 = tpu.vector_load_idx %arg6[%add3A_114, %and3A_117] : memref<512x128xf32, #tpu.memory_space<vmem>>[vector<16xi32>, vector<16xi32>], vector<16xf32>,
    %swap3A_119 = arith.constant 128 : index
    %swap3A_120 = tpu.vector_load %arg7[%swap3A_119] {strides = array<i32>} : memref<512xf32, #tpu.memory_space<vmem>>, vector<16xf32>,
    tpu.vector_store %arg7[%swap3A_119], %gather3A_118 {strides = array<i32>} : memref<512xf32, #tpu.memory_space<vmem>>, vector<16xf32>,
    %add3A_121 = arith.constant 144 : i32
    %add3A_122 = vector.broadcast %add3A_121 : i32 to vector<16xi32>
    %add3A_123 = arith.addi %add3A_122, %iota3A : vector<16xi32>
    %and3A_124 = arith.constant 127 : i32
    %and3A_125 = vector.broadcast %and3A_124 : i32 to vector<16xi32>
    %and3A_126 = arith.andi %add3A_123, %and3A_125 : vector<16xi32>
    %gather3A_127 = tpu.vector_load_idx %arg6[%add3A_123, %and3A_126] : memref<512x128xf32, #tpu.memory_space<vmem>>[vector<16xi32>, vector<16xi32>], vector<16xf32>,
    %swap3A_128 = arith.constant 144 : index
    %swap3A_129 = tpu.vector_load %arg7[%swap3A_128] {strides = array<i32>} : memref<512xf32, #tpu.memory_space<vmem>>, vector<16xf32>,
    tpu.vector_store %arg7[%swap3A_128], %gather3A_127 {strides = array<i32>} : memref<512xf32, #tpu.memory_space<vmem>>, vector<16xf32>,
    %add3A_130 = arith.constant 160 : i32
    %add3A_131 = vector.broadcast %add3A_130 : i32 to vector<16xi32>
    %add3A_132 = arith.addi %add3A_131, %iota3A : vector<16xi32>
    %and3A_133 = arith.constant 127 : i32
    %and3A_134 = vector.broadcast %and3A_133 : i32 to vector<16xi32>
    %and3A_135 = arith.andi %add3A_132, %and3A_134 : vector<16xi32>
    %gather3A_136 = tpu.vector_load_idx %arg6[%add3A_132, %and3A_135] : memref<512x128xf32, #tpu.memory_space<vmem>>[vector<16xi32>, vector<16xi32>], vector<16xf32>,
    %swap3A_137 = arith.constant 160 : index
    %swap3A_138 = tpu.vector_load %arg7[%swap3A_137] {strides = array<i32>} : memref<512xf32, #tpu.memory_space<vmem>>, vector<16xf32>,
    tpu.vector_store %arg7[%swap3A_137], %gather3A_136 {strides = array<i32>} : memref<512xf32, #tpu.memory_space<vmem>>, vector<16xf32>,
    %add3A_139 = arith.constant 176 : i32
    %add3A_140 = vector.broadcast %add3A_139 : i32 to vector<16xi32>
    %add3A_141 = arith.addi %add3A_140, %iota3A : vector<16xi32>
    %and3A_142 = arith.constant 127 : i32
    %and3A_143 = vector.broadcast %and3A_142 : i32 to vector<16xi32>
    %and3A_144 = arith.andi %add3A_141, %and3A_143 : vector<16xi32>
    %gather3A_145 = tpu.vector_load_idx %arg6[%add3A_141, %and3A_144] : memref<512x128xf32, #tpu.memory_space<vmem>>[vector<16xi32>, vector<16xi32>], vector<16xf32>,
    %swap3A_146 = arith.constant 176 : index
    %swap3A_147 = tpu.vector_load %arg7[%swap3A_146] {strides = array<i32>} : memref<512xf32, #tpu.memory_space<vmem>>, vector<16xf32>,
    tpu.vector_store %arg7[%swap3A_146], %gather3A_145 {strides = array<i32>} : memref<512xf32, #tpu.memory_space<vmem>>, vector<16xf32>,
    %add3A_148 = arith.constant 192 : i32
    %add3A_149 = vector.broadcast %add3A_148 : i32 to vector<16xi32>
    %add3A_150 = arith.addi %add3A_149, %iota3A : vector<16xi32>
    %and3A_151 = arith.constant 127 : i32
    %and3A_152 = vector.broadcast %and3A_151 : i32 to vector<16xi32>
    %and3A_153 = arith.andi %add3A_150, %and3A_152 : vector<16xi32>
    %gather3A_154 = tpu.vector_load_idx %arg6[%add3A_150, %and3A_153] : memref<512x128xf32, #tpu.memory_space<vmem>>[vector<16xi32>, vector<16xi32>], vector<16xf32>,
    %swap3A_155 = arith.constant 192 : index
    %swap3A_156 = tpu.vector_load %arg7[%swap3A_155] {strides = array<i32>} : memref<512xf32, #tpu.memory_space<vmem>>, vector<16xf32>,
    tpu.vector_store %arg7[%swap3A_155], %gather3A_154 {strides = array<i32>} : memref<512xf32, #tpu.memory_space<vmem>>, vector<16xf32>,
    %add3A_157 = arith.constant 208 : i32
    %add3A_158 = vector.broadcast %add3A_157 : i32 to vector<16xi32>
    %add3A_159 = arith.addi %add3A_158, %iota3A : vector<16xi32>
    %and3A_160 = arith.constant 127 : i32
    %and3A_161 = vector.broadcast %and3A_160 : i32 to vector<16xi32>
    %and3A_162 = arith.andi %add3A_159, %and3A_161 : vector<16xi32>
    %gather3A_163 = tpu.vector_load_idx %arg6[%add3A_159, %and3A_162] : memref<512x128xf32, #tpu.memory_space<vmem>>[vector<16xi32>, vector<16xi32>], vector<16xf32>,
    %swap3A_164 = arith.constant 208 : index
    %swap3A_165 = tpu.vector_load %arg7[%swap3A_164] {strides = array<i32>} : memref<512xf32, #tpu.memory_space<vmem>>, vector<16xf32>,
    tpu.vector_store %arg7[%swap3A_164], %gather3A_163 {strides = array<i32>} : memref<512xf32, #tpu.memory_space<vmem>>, vector<16xf32>,
    %add3A_166 = arith.constant 224 : i32
    %add3A_167 = vector.broadcast %add3A_166 : i32 to vector<16xi32>
    %add3A_168 = arith.addi %add3A_167, %iota3A : vector<16xi32>
    %and3A_169 = arith.constant 127 : i32
    %and3A_170 = vector.broadcast %and3A_169 : i32 to vector<16xi32>
    %and3A_171 = arith.andi %add3A_168, %and3A_170 : vector<16xi32>
    %gather3A_172 = tpu.vector_load_idx %arg6[%add3A_168, %and3A_171] : memref<512x128xf32, #tpu.memory_space<vmem>>[vector<16xi32>, vector<16xi32>], vector<16xf32>,
    %swap3A_173 = arith.constant 224 : index
    %swap3A_174 = tpu.vector_load %arg7[%swap3A_173] {strides = array<i32>} : memref<512xf32, #tpu.memory_space<vmem>>, vector<16xf32>,
    tpu.vector_store %arg7[%swap3A_173], %gather3A_172 {strides = array<i32>} : memref<512xf32, #tpu.memory_space<vmem>>, vector<16xf32>,
    %add3A_175 = arith.constant 240 : i32
    %add3A_176 = vector.broadcast %add3A_175 : i32 to vector<16xi32>
    %add3A_177 = arith.addi %add3A_176, %iota3A : vector<16xi32>
    %and3A_178 = arith.constant 127 : i32
    %and3A_179 = vector.broadcast %and3A_178 : i32 to vector<16xi32>
    %and3A_180 = arith.andi %add3A_177, %and3A_179 : vector<16xi32>
    %gather3A_181 = tpu.vector_load_idx %arg6[%add3A_177, %and3A_180] : memref<512x128xf32, #tpu.memory_space<vmem>>[vector<16xi32>, vector<16xi32>], vector<16xf32>,
    %swap3A_182 = arith.constant 240 : index
    %swap3A_183 = tpu.vector_load %arg7[%swap3A_182] {strides = array<i32>} : memref<512xf32, #tpu.memory_space<vmem>>, vector<16xf32>,
    tpu.vector_store %arg7[%swap3A_182], %gather3A_181 {strides = array<i32>} : memref<512xf32, #tpu.memory_space<vmem>>, vector<16xf32>,
    %add3A_184 = arith.constant 256 : i32
    %add3A_185 = vector.broadcast %add3A_184 : i32 to vector<16xi32>
    %add3A_186 = arith.addi %add3A_185, %iota3A : vector<16xi32>
    %and3A_187 = arith.constant 127 : i32
    %and3A_188 = vector.broadcast %and3A_187 : i32 to vector<16xi32>
    %and3A_189 = arith.andi %add3A_186, %and3A_188 : vector<16xi32>
    %gather3A_190 = tpu.vector_load_idx %arg6[%add3A_186, %and3A_189] : memref<512x128xf32, #tpu.memory_space<vmem>>[vector<16xi32>, vector<16xi32>], vector<16xf32>,
    %swap3A_191 = arith.constant 256 : index
    %swap3A_192 = tpu.vector_load %arg7[%swap3A_191] {strides = array<i32>} : memref<512xf32, #tpu.memory_space<vmem>>, vector<16xf32>,
    tpu.vector_store %arg7[%swap3A_191], %gather3A_190 {strides = array<i32>} : memref<512xf32, #tpu.memory_space<vmem>>, vector<16xf32>,
    %add3A_193 = arith.constant 272 : i32
    %add3A_194 = vector.broadcast %add3A_193 : i32 to vector<16xi32>
    %add3A_195 = arith.addi %add3A_194, %iota3A : vector<16xi32>
    %and3A_196 = arith.constant 127 : i32
    %and3A_197 = vector.broadcast %and3A_196 : i32 to vector<16xi32>
    %and3A_198 = arith.andi %add3A_195, %and3A_197 : vector<16xi32>
    %gather3A_199 = tpu.vector_load_idx %arg6[%add3A_195, %and3A_198] : memref<512x128xf32, #tpu.memory_space<vmem>>[vector<16xi32>, vector<16xi32>], vector<16xf32>,
    %swap3A_200 = arith.constant 272 : index
    %swap3A_201 = tpu.vector_load %arg7[%swap3A_200] {strides = array<i32>} : memref<512xf32, #tpu.memory_space<vmem>>, vector<16xf32>,
    tpu.vector_store %arg7[%swap3A_200], %gather3A_199 {strides = array<i32>} : memref<512xf32, #tpu.memory_space<vmem>>, vector<16xf32>,
    %add3A_202 = arith.constant 288 : i32
    %add3A_203 = vector.broadcast %add3A_202 : i32 to vector<16xi32>
    %add3A_204 = arith.addi %add3A_203, %iota3A : vector<16xi32>
    %and3A_205 = arith.constant 127 : i32
    %and3A_206 = vector.broadcast %and3A_205 : i32 to vector<16xi32>
    %and3A_207 = arith.andi %add3A_204, %and3A_206 : vector<16xi32>
    %gather3A_208 = tpu.vector_load_idx %arg6[%add3A_204, %and3A_207] : memref<512x128xf32, #tpu.memory_space<vmem>>[vector<16xi32>, vector<16xi32>], vector<16xf32>,
    %swap3A_209 = arith.constant 288 : index
    %swap3A_210 = tpu.vector_load %arg7[%swap3A_209] {strides = array<i32>} : memref<512xf32, #tpu.memory_space<vmem>>, vector<16xf32>,
    tpu.vector_store %arg7[%swap3A_209], %gather3A_208 {strides = array<i32>} : memref<512xf32, #tpu.memory_space<vmem>>, vector<16xf32>,
    %add3A_211 = arith.constant 304 : i32
    %add3A_212 = vector.broadcast %add3A_211 : i32 to vector<16xi32>
    %add3A_213 = arith.addi %add3A_212, %iota3A : vector<16xi32>
    %and3A_214 = arith.constant 127 : i32
    %and3A_215 = vector.broadcast %and3A_214 : i32 to vector<16xi32>
    %and3A_216 = arith.andi %add3A_213, %and3A_215 : vector<16xi32>
    %gather3A_217 = tpu.vector_load_idx %arg6[%add3A_213, %and3A_216] : memref<512x128xf32, #tpu.memory_space<vmem>>[vector<16xi32>, vector<16xi32>], vector<16xf32>,
    %swap3A_218 = arith.constant 304 : index
    %swap3A_219 = tpu.vector_load %arg7[%swap3A_218] {strides = array<i32>} : memref<512xf32, #tpu.memory_space<vmem>>, vector<16xf32>,
    tpu.vector_store %arg7[%swap3A_218], %gather3A_217 {strides = array<i32>} : memref<512xf32, #tpu.memory_space<vmem>>, vector<16xf32>,
    %add3A_220 = arith.constant 320 : i32
    %add3A_221 = vector.broadcast %add3A_220 : i32 to vector<16xi32>
    %add3A_222 = arith.addi %add3A_221, %iota3A : vector<16xi32>
    %and3A_223 = arith.constant 127 : i32
    %and3A_224 = vector.broadcast %and3A_223 : i32 to vector<16xi32>
    %and3A_225 = arith.andi %add3A_222, %and3A_224 : vector<16xi32>
    %gather3A_226 = tpu.vector_load_idx %arg6[%add3A_222, %and3A_225] : memref<512x128xf32, #tpu.memory_space<vmem>>[vector<16xi32>, vector<16xi32>], vector<16xf32>,
    %swap3A_227 = arith.constant 320 : index
    %swap3A_228 = tpu.vector_load %arg7[%swap3A_227] {strides = array<i32>} : memref<512xf32, #tpu.memory_space<vmem>>, vector<16xf32>,
    tpu.vector_store %arg7[%swap3A_227], %gather3A_226 {strides = array<i32>} : memref<512xf32, #tpu.memory_space<vmem>>, vector<16xf32>,
    %add3A_229 = arith.constant 336 : i32
    %add3A_230 = vector.broadcast %add3A_229 : i32 to vector<16xi32>
    %add3A_231 = arith.addi %add3A_230, %iota3A : vector<16xi32>
    %and3A_232 = arith.constant 127 : i32
    %and3A_233 = vector.broadcast %and3A_232 : i32 to vector<16xi32>
    %and3A_234 = arith.andi %add3A_231, %and3A_233 : vector<16xi32>
    %gather3A_235 = tpu.vector_load_idx %arg6[%add3A_231, %and3A_234] : memref<512x128xf32, #tpu.memory_space<vmem>>[vector<16xi32>, vector<16xi32>], vector<16xf32>,
    %swap3A_236 = arith.constant 336 : index
    %swap3A_237 = tpu.vector_load %arg7[%swap3A_236] {strides = array<i32>} : memref<512xf32, #tpu.memory_space<vmem>>, vector<16xf32>,
    tpu.vector_store %arg7[%swap3A_236], %gather3A_235 {strides = array<i32>} : memref<512xf32, #tpu.memory_space<vmem>>, vector<16xf32>,
    %add3A_238 = arith.constant 352 : i32
    %add3A_239 = vector.broadcast %add3A_238 : i32 to vector<16xi32>
    %add3A_240 = arith.addi %add3A_239, %iota3A : vector<16xi32>
    %and3A_241 = arith.constant 127 : i32
    %and3A_242 = vector.broadcast %and3A_241 : i32 to vector<16xi32>
    %and3A_243 = arith.andi %add3A_240, %and3A_242 : vector<16xi32>
    %gather3A_244 = tpu.vector_load_idx %arg6[%add3A_240, %and3A_243] : memref<512x128xf32, #tpu.memory_space<vmem>>[vector<16xi32>, vector<16xi32>], vector<16xf32>,
    %swap3A_245 = arith.constant 352 : index
    %swap3A_246 = tpu.vector_load %arg7[%swap3A_245] {strides = array<i32>} : memref<512xf32, #tpu.memory_space<vmem>>, vector<16xf32>,
    tpu.vector_store %arg7[%swap3A_245], %gather3A_244 {strides = array<i32>} : memref<512xf32, #tpu.memory_space<vmem>>, vector<16xf32>,
    %add3A_247 = arith.constant 368 : i32
    %add3A_248 = vector.broadcast %add3A_247 : i32 to vector<16xi32>
    %add3A_249 = arith.addi %add3A_248, %iota3A : vector<16xi32>
    %and3A_250 = arith.constant 127 : i32
    %and3A_251 = vector.broadcast %and3A_250 : i32 to vector<16xi32>
    %and3A_252 = arith.andi %add3A_249, %and3A_251 : vector<16xi32>
    %gather3A_253 = tpu.vector_load_idx %arg6[%add3A_249, %and3A_252] : memref<512x128xf32, #tpu.memory_space<vmem>>[vector<16xi32>, vector<16xi32>], vector<16xf32>,
    %swap3A_254 = arith.constant 368 : index
    %swap3A_255 = tpu.vector_load %arg7[%swap3A_254] {strides = array<i32>} : memref<512xf32, #tpu.memory_space<vmem>>, vector<16xf32>,
    tpu.vector_store %arg7[%swap3A_254], %gather3A_253 {strides = array<i32>} : memref<512xf32, #tpu.memory_space<vmem>>, vector<16xf32>,
    %add3A_256 = arith.constant 384 : i32
    %add3A_257 = vector.broadcast %add3A_256 : i32 to vector<16xi32>
    %add3A_258 = arith.addi %add3A_257, %iota3A : vector<16xi32>
    %and3A_259 = arith.constant 127 : i32
    %and3A_260 = vector.broadcast %and3A_259 : i32 to vector<16xi32>
    %and3A_261 = arith.andi %add3A_258, %and3A_260 : vector<16xi32>
    %gather3A_262 = tpu.vector_load_idx %arg6[%add3A_258, %and3A_261] : memref<512x128xf32, #tpu.memory_space<vmem>>[vector<16xi32>, vector<16xi32>], vector<16xf32>,
    %swap3A_263 = arith.constant 384 : index
    %swap3A_264 = tpu.vector_load %arg7[%swap3A_263] {strides = array<i32>} : memref<512xf32, #tpu.memory_space<vmem>>, vector<16xf32>,
    tpu.vector_store %arg7[%swap3A_263], %gather3A_262 {strides = array<i32>} : memref<512xf32, #tpu.memory_space<vmem>>, vector<16xf32>,
    %add3A_265 = arith.constant 400 : i32
    %add3A_266 = vector.broadcast %add3A_265 : i32 to vector<16xi32>
    %add3A_267 = arith.addi %add3A_266, %iota3A : vector<16xi32>
    %and3A_268 = arith.constant 127 : i32
    %and3A_269 = vector.broadcast %and3A_268 : i32 to vector<16xi32>
    %and3A_270 = arith.andi %add3A_267, %and3A_269 : vector<16xi32>
    %gather3A_271 = tpu.vector_load_idx %arg6[%add3A_267, %and3A_270] : memref<512x128xf32, #tpu.memory_space<vmem>>[vector<16xi32>, vector<16xi32>], vector<16xf32>,
    %swap3A_272 = arith.constant 400 : index
    %swap3A_273 = tpu.vector_load %arg7[%swap3A_272] {strides = array<i32>} : memref<512xf32, #tpu.memory_space<vmem>>, vector<16xf32>,
    tpu.vector_store %arg7[%swap3A_272], %gather3A_271 {strides = array<i32>} : memref<512xf32, #tpu.memory_space<vmem>>, vector<16xf32>,
    %add3A_274 = arith.constant 416 : i32
    %add3A_275 = vector.broadcast %add3A_274 : i32 to vector<16xi32>
    %add3A_276 = arith.addi %add3A_275, %iota3A : vector<16xi32>
    %and3A_277 = arith.constant 127 : i32
    %and3A_278 = vector.broadcast %and3A_277 : i32 to vector<16xi32>
    %and3A_279 = arith.andi %add3A_276, %and3A_278 : vector<16xi32>
    %gather3A_280 = tpu.vector_load_idx %arg6[%add3A_276, %and3A_279] : memref<512x128xf32, #tpu.memory_space<vmem>>[vector<16xi32>, vector<16xi32>], vector<16xf32>,
    %swap3A_281 = arith.constant 416 : index
    %swap3A_282 = tpu.vector_load %arg7[%swap3A_281] {strides = array<i32>} : memref<512xf32, #tpu.memory_space<vmem>>, vector<16xf32>,
    tpu.vector_store %arg7[%swap3A_281], %gather3A_280 {strides = array<i32>} : memref<512xf32, #tpu.memory_space<vmem>>, vector<16xf32>,
    %add3A_283 = arith.constant 432 : i32
    %add3A_284 = vector.broadcast %add3A_283 : i32 to vector<16xi32>
    %add3A_285 = arith.addi %add3A_284, %iota3A : vector<16xi32>
    %and3A_286 = arith.constant 127 : i32
    %and3A_287 = vector.broadcast %and3A_286 : i32 to vector<16xi32>
    %and3A_288 = arith.andi %add3A_285, %and3A_287 : vector<16xi32>
    %gather3A_289 = tpu.vector_load_idx %arg6[%add3A_285, %and3A_288] : memref<512x128xf32, #tpu.memory_space<vmem>>[vector<16xi32>, vector<16xi32>], vector<16xf32>,
    %swap3A_290 = arith.constant 432 : index
    %swap3A_291 = tpu.vector_load %arg7[%swap3A_290] {strides = array<i32>} : memref<512xf32, #tpu.memory_space<vmem>>, vector<16xf32>,
    tpu.vector_store %arg7[%swap3A_290], %gather3A_289 {strides = array<i32>} : memref<512xf32, #tpu.memory_space<vmem>>, vector<16xf32>,
    %add3A_292 = arith.constant 448 : i32
    %add3A_293 = vector.broadcast %add3A_292 : i32 to vector<16xi32>
    %add3A_294 = arith.addi %add3A_293, %iota3A : vector<16xi32>
    %and3A_295 = arith.constant 127 : i32
    %and3A_296 = vector.broadcast %and3A_295 : i32 to vector<16xi32>
    %and3A_297 = arith.andi %add3A_294, %and3A_296 : vector<16xi32>
    %gather3A_298 = tpu.vector_load_idx %arg6[%add3A_294, %and3A_297] : memref<512x128xf32, #tpu.memory_space<vmem>>[vector<16xi32>, vector<16xi32>], vector<16xf32>,
    %swap3A_299 = arith.constant 448 : index
    %swap3A_300 = tpu.vector_load %arg7[%swap3A_299] {strides = array<i32>} : memref<512xf32, #tpu.memory_space<vmem>>, vector<16xf32>,
    tpu.vector_store %arg7[%swap3A_299], %gather3A_298 {strides = array<i32>} : memref<512xf32, #tpu.memory_space<vmem>>, vector<16xf32>,
    %add3A_301 = arith.constant 464 : i32
    %add3A_302 = vector.broadcast %add3A_301 : i32 to vector<16xi32>
    %add3A_303 = arith.addi %add3A_302, %iota3A : vector<16xi32>
    %and3A_304 = arith.constant 127 : i32
    %and3A_305 = vector.broadcast %and3A_304 : i32 to vector<16xi32>
    %and3A_306 = arith.andi %add3A_303, %and3A_305 : vector<16xi32>
    %gather3A_307 = tpu.vector_load_idx %arg6[%add3A_303, %and3A_306] : memref<512x128xf32, #tpu.memory_space<vmem>>[vector<16xi32>, vector<16xi32>], vector<16xf32>,
    %swap3A_308 = arith.constant 464 : index
    %swap3A_309 = tpu.vector_load %arg7[%swap3A_308] {strides = array<i32>} : memref<512xf32, #tpu.memory_space<vmem>>, vector<16xf32>,
    tpu.vector_store %arg7[%swap3A_308], %gather3A_307 {strides = array<i32>} : memref<512xf32, #tpu.memory_space<vmem>>, vector<16xf32>,
    %add3A_310 = arith.constant 480 : i32
    %add3A_311 = vector.broadcast %add3A_310 : i32 to vector<16xi32>
    %add3A_312 = arith.addi %add3A_311, %iota3A : vector<16xi32>
    %and3A_313 = arith.constant 127 : i32
    %and3A_314 = vector.broadcast %and3A_313 : i32 to vector<16xi32>
    %and3A_315 = arith.andi %add3A_312, %and3A_314 : vector<16xi32>
    %gather3A_316 = tpu.vector_load_idx %arg6[%add3A_312, %and3A_315] : memref<512x128xf32, #tpu.memory_space<vmem>>[vector<16xi32>, vector<16xi32>], vector<16xf32>,
    %swap3A_317 = arith.constant 480 : index
    %swap3A_318 = tpu.vector_load %arg7[%swap3A_317] {strides = array<i32>} : memref<512xf32, #tpu.memory_space<vmem>>, vector<16xf32>,
    tpu.vector_store %arg7[%swap3A_317], %gather3A_316 {strides = array<i32>} : memref<512xf32, #tpu.memory_space<vmem>>, vector<16xf32>,
    %add3A_319 = arith.constant 496 : i32
    %add3A_320 = vector.broadcast %add3A_319 : i32 to vector<16xi32>
    %add3A_321 = arith.addi %add3A_320, %iota3A : vector<16xi32>
    %and3A_322 = arith.constant 127 : i32
    %and3A_323 = vector.broadcast %and3A_322 : i32 to vector<16xi32>
    %and3A_324 = arith.andi %add3A_321, %and3A_323 : vector<16xi32>
    %gather3A_325 = tpu.vector_load_idx %arg6[%add3A_321, %and3A_324] : memref<512x128xf32, #tpu.memory_space<vmem>>[vector<16xi32>, vector<16xi32>], vector<16xf32>,
    %swap3A_326 = arith.constant 496 : index
    %swap3A_327 = tpu.vector_load %arg7[%swap3A_326] {strides = array<i32>} : memref<512xf32, #tpu.memory_space<vmem>>, vector<16xf32>,
    tpu.vector_store %arg7[%swap3A_326], %gather3A_325 {strides = array<i32>} : memref<512xf32, #tpu.memory_space<vmem>>, vector<16xf32>,
    "tpu.region"() ({
      %run_scoped3A = tpu.sem_alloc : memref<!tpu.dma_semaphore, #tpu.memory_space<semaphore_mem>>
      %dma_start3A_328 = tpu.memref_slice %arg4[%mul3A_2] : memref<16384xf32, #tpu.memory_space<hbm>> -> memref<512xf32, #tpu.memory_space<hbm>>
      %dma_start3A_329 = tpu.memref_slice %arg4[%mul3A_2] : memref<16384xf32, #tpu.memory_space<hbm>> -> memref<512xf32, #tpu.memory_space<hbm>>
      tpu.enqueue_dma source(%arg7 : memref<512xf32, #tpu.memory_space<vmem>>) target(%dma_start3A_329 : memref<512xf32, #tpu.memory_space<hbm>>) target_semaphore(%run_scoped3A : memref<!tpu.dma_semaphore, #tpu.memory_space<semaphore_mem>>)
      %dma_wait3A_330 = tpu.memref_slice %arg4[%mul3A_2] : memref<16384xf32, #tpu.memory_space<hbm>> -> memref<512xf32, #tpu.memory_space<hbm>>
      %dma_wait3A_331 = tpu.memref_slice %arg4[%mul3A_2] : memref<16384xf32, #tpu.memory_space<hbm>> -> memref<512xf32, #tpu.memory_space<hbm>>
      tpu.wait_dma2 semaphore(%run_scoped3A : memref<!tpu.dma_semaphore, #tpu.memory_space<semaphore_mem>>) src(%arg7 : memref<512xf32, #tpu.memory_space<vmem>>) dst(%dma_wait3A_331 : memref<512xf32, #tpu.memory_space<hbm>>)
      tpu.yield
    }) : () -> ()
    return
  }
}

module attributes {stable_mosaic.version = 14 : i64} {
  func.func @_combine_body(%arg0: memref<2x16384xf32, #tpu.memory_space<vmem>>, %arg1: memref<1x16384xf32, #tpu.memory_space<vmem>>, %arg2: memref<1x1xf32, #tpu.memory_space<smem>>) attributes {dimension_semantics = [], scalar_prefetch = 0 : i64, scratch_operands = 0 : i64, tpu.core_type = #tpu.core_type<tc>} {
    %get3A = arith.constant 0 : index
    %get3A_0 = arith.constant 0 : index
    %get3A_1 = vector.load %arg0[%get3A, %get3A_0] : memref<2x16384xf32, #tpu.memory_space<vmem>>, vector<1x16384xf32>
    %get3A_2 = arith.constant 1 : index
    %get3A_3 = arith.constant 0 : index
    %get3A_4 = vector.load %arg0[%get3A_2, %get3A_3] : memref<2x16384xf32, #tpu.memory_space<vmem>>, vector<1x16384xf32>
    %get3A_5 = arith.constant 0 : index
    %get3A_6 = arith.constant 0 : index
    %get3A_7 = vector.load %arg1[%get3A_5, %get3A_6] : memref<1x16384xf32, #tpu.memory_space<vmem>>, vector<1x16384xf32>
    %sub3A = arith.subf %get3A_7, %get3A_1 : vector<1x16384xf32>
    %log3A = math.log %get3A_4 : vector<1x16384xf32>
    %sub3A_8 = arith.subf %sub3A, %log3A : vector<1x16384xf32>
    %exp3A = math.exp %sub3A_8 : vector<1x16384xf32>
    %sub3A_9 = arith.constant 1.000000e+00 : f32
    %sub3A_10 = vector.broadcast %sub3A_9 : f32 to vector<1x16384xf32>
    %sub3A_11 = arith.subf %sub3A_10, %exp3A : vector<1x16384xf32>
    %mul3A = arith.constant -1.000000e+00 : f32
    %mul3A_12 = vector.broadcast %mul3A : f32 to vector<1x16384xf32>
    %mul3A_13 = arith.mulf %mul3A_12, %sub3A_11 : vector<1x16384xf32>
    %sub3A_14 = arith.constant 1.000000e+00 : f32
    %sub3A_15 = vector.broadcast %sub3A_14 : f32 to vector<1x16384xf32>
    %sub3A_16 = arith.subf %sub3A_15, %exp3A : vector<1x16384xf32>
    %mul3A_17 = arith.mulf %mul3A_13, %sub3A_16 : vector<1x16384xf32>
    %mul3A_18 = arith.mulf %mul3A_17, %sub3A_8 : vector<1x16384xf32>
    %reduce_sum3A = vector.shape_cast %mul3A_18 : vector<1x16384xf32> to vector<1x1x16384xf32>
    %reduce_sum3A_19 = arith.constant dense<0.000000e+00> : vector<1xf32>
    %reduce_sum3A_20 = vector.multi_reduction <add>, %reduce_sum3A, %reduce_sum3A_19 [1, 2] : vector<1x1x16384xf32> to vector<1xf32>
    %reduce_sum3A_21 = vector.shape_cast %reduce_sum3A_20 : vector<1xf32> to vector<1x1x1xf32>
    %reduce_sum3A_22 = vector.extract %reduce_sum3A_21[0, 0, 0] : f32 from vector<1x1x1xf32>
    %mul3A_23 = arith.constant 6.10351563E-5 : f32
    %mul3A_24 = arith.mulf %reduce_sum3A_22, %mul3A_23 : f32
    %swap3A = arith.constant 0 : index
    %swap3A_25 = arith.constant 0 : index
    %swap3A_26 = memref.load %arg2[%swap3A, %swap3A_25] : memref<1x1xf32, #tpu.memory_space<smem>>
    memref.store %mul3A_24, %arg2[%swap3A, %swap3A_25] : memref<1x1xf32, #tpu.memory_space<smem>>
    return
  }
}

module attributes {stable_mosaic.version = 14 : i64} {
  func.func @_stats_body(%arg0: i32, %arg1: memref<1000x2048xf32, #tpu.memory_space<vmem>>, %arg2: memref<2x2048xf32, #tpu.memory_space<vmem>>) attributes {dimension_semantics = [#tpu.dimension_semantics<arbitrary>], iteration_bounds = array<i64: 8>, scalar_prefetch = 0 : i64, scratch_operands = 0 : i64, tpu.core_type = #tpu.core_type<tc>, window_params = [{transform_indices = @transform_0, window_bounds = array<i64: 1000, 2048>}, {transform_indices = @transform_1, window_bounds = array<i64: 2, 2048>}]} {
    %get3A = arith.constant 0 : index
    %get3A_0 = arith.constant 0 : index
    %get3A_1 = vector.load %arg1[%get3A, %get3A_0] : memref<1000x2048xf32, #tpu.memory_space<vmem>>, vector<1000x2048xf32>
    %reduce_max3A = arith.constant dense<0xFF800000> : vector<2048xf32>
    %reduce_max3A_2 = vector.multi_reduction <maximumf>, %get3A_1, %reduce_max3A [0] : vector<1000x2048xf32> to vector<2048xf32>
    %broadcast_in_dim3A = vector.shape_cast %reduce_max3A_2 : vector<2048xf32> to vector<1x2048xf32>
    %sub3A = vector.broadcast %broadcast_in_dim3A : vector<1x2048xf32> to vector<1000x2048xf32>
    %sub3A_3 = arith.subf %get3A_1, %sub3A : vector<1000x2048xf32>
    %exp3A = math.exp %sub3A_3 : vector<1000x2048xf32>
    %reduce_sum3A = arith.constant dense<0.000000e+00> : vector<2048xf32>
    %reduce_sum3A_4 = vector.multi_reduction <add>, %exp3A, %reduce_sum3A [0] : vector<1000x2048xf32> to vector<2048xf32>
    %broadcast_in_dim3A_5 = vector.shape_cast %reduce_sum3A_4 : vector<2048xf32> to vector<1x2048xf32>
    %concatenate3A = tpu.concatenate %broadcast_in_dim3A, %broadcast_in_dim3A_5 in 0 : vector<1x2048xf32>, vector<1x2048xf32> -> vector<2x2048xf32>
    %swap3A = arith.constant 0 : index
    %swap3A_6 = arith.constant 0 : index
    %swap3A_7 = vector.load %arg2[%swap3A, %swap3A_6] : memref<2x2048xf32, #tpu.memory_space<vmem>>, vector<2x2048xf32>
    tpu.vector_store %arg2[%swap3A, %swap3A_6], %concatenate3A {strides = array<i32>} : memref<2x2048xf32, #tpu.memory_space<vmem>>, vector<2x2048xf32>,
    return
  }
  func.func @transform_0(%arg0: i32) -> (i32, i32) {
    %c0_i32 = arith.constant 0 : i32
    %c0_i32_0 = arith.constant 0 : i32
    return %c0_i32, %arg0 : i32, i32
  }
  func.func @transform_1(%arg0: i32) -> (i32, i32) {
    %c0_i32 = arith.constant 0 : i32
    %c0_i32_0 = arith.constant 0 : i32
    return %c0_i32, %arg0 : i32, i32
  }
}

</mosaic_0001>

<sc_bundles>
// kernel: kernel.5.cloned.1.call-start
scs
__scs_entry_jumppad:
0x0: {  	(pc) =	sbr.rel $0x88, $3  }
0x1: {  	(tag) =	ssettag $0x0;
	lr =	simm.s32 $0x1  }
0x2: {  	[smem:$0x3F9F] =	sst lr;
	_ =	strace $0xD0000000  }
0x3: {  	_ = 	snop  }
0x4: {  	_ = 	snop  }
0x5: {  	_ = 	snop  }
0x6: {  	_ = 	snop  }
0x7: {  	_ = 	snop  }
__scs_overlays_trampoline_lowered:
0x8: {  	[smem:$0x3FAE] =	sst s0  }
0x9: {  	[smem:$0x3FAF] =	sst s1  }
0xa: {  	[smem:$0x3FB0] =	sst s2  }
0xb: {  	[smem:$0x3FB1] =	sst s3  }
0xc: {  	[smem:$0x3FB2] =	sst s4  }
0xd: {  	[smem:$0x3FB3] =	sst s5  }
0xe: {  	[smem:$0x3FB4] =	sst s6  }
0xf: {  	[smem:$0x3FB5] =	sst s7  }
0x10: {  	[smem:$0x3FB6] =	sst s8  }
0x11: {  	[smem:$0x3FB7] =	sst s9;
	s0 =	simm.s32 @!p0 $0x0  }
0x12: {  	s1 =	sld [smem:$0x3F9D];
	s0 =	simm.s32 @p0 $0x1  }
0x13: {  	[smem:$0x3FB8] =	sst s0;
	s0 =	simm.s32 @!p1 $0x0  }
0x14: {  	s2 =	sld [smem:$0x3F9C];
	s0 =	simm.s32 @p1 $0x1  }
0x15: {  	[smem:$0x3FB9] =	sst s0;
	s0 =	simm.s32 @!p2 $0x0  }
0x16: {  	s3 =	sld [smem:$0x3FDB];
	s0 =	simm.s32 @p2 $0x1  }
0x17: {  	s4 =	simm.s32 $0x1BF5;
	[smem:$0x3FBB] =	sst s0  }
0x18: {  	s0 =	sld [smem:$0x3F9E];
	_ =	swait.ge [sflag:s4], $0x0  }
0x19: {  	s7 =	sld [smem:$0x3F9F]  }
0x1a: {  	s8 =	sadd.s32 $0xFFFFE003, lr  }
0x1b: {  	s9 =	sadd.s32 $0xFFFFFEF7, lr;
	s5 =	simm.s32 $0xFFFFFFFF;
	p2 =	slt.u32 s8, $0xFFFFF086  }
0x1c: {  	p1 =	slt.u32 s9, $0xF7A;
	s5 =	simm.s32 @!p2 $0x0  }
0x1d: {  	s5 =	simm.s32 @p1 $0x1;
	p0 =	seq.s32 s7, s2  }
0x1e: {  	s7 =	smul.u32 @!p0 $0xF7A, s2;
	p2 =	seq.s32 @!p0 s5, $0x0  }
0x1f: {  	s9 =	smul.u32 $0xF7A, s1;
	s8 =	simm.s32 @!p0 $0x1BF5;
	p2 =	por !p2, p0  }
0x20: {  	[sflag:s8] =	ssyncset.s32 @!p0 $0xFFFFF086;
	s6 =	sadd.s32 @!p0 s3, s7;
	s7 =	simm.s32 @!p0 $0x108  }
0x21: {  	s3 =	sadd.s32 s3, s9;
	s6 =	sadd.s32 @!p0 $0x88, s6;
	s7 =	simm.s32 @p2 $0x1082  }
0x22: {  	[simem:s7], [sflag:s8] =	dma.local @!p0 [hbm:s6], $0xF7A  }
0x23: {  	s9 =	sor.u32 $0xD0000000, s2;
	s6 =	simm.s32 $0x108;
	_ =	swait.ge @!p0 [sflag:s8], $0x0  }
0x24: {  	s3 =	sadd.s32 $0x88, s3;
	s6 =	simm.s32 @!p1 $0x1082;
	[sflag:s4] =	ssyncset.s32 $0xFFFFF086  }
0x25: {  	[simem:s6], [sflag:s4] =	dma.local [hbm:s3], $0xF7A  }
0x26: {  	[smem:$0x3F9F] =	sst s1;
	(tag) =	ssettag s2;
	_ =	strace s9  }
0x27: {  	s1 =	sld [smem:$0x3FAF]  }
0x28: {  	s2 =	sld [smem:$0x3FB0]  }
0x29: {  	s4 =	sld [smem:$0x3FB2]  }
0x2a: {  	p0 =	seq.s32 s5, $0x0;
	s5 =	sld [smem:$0x3FB3]  }
0x2b: {  	s6 =	sld [smem:$0x3FB4]  }
0x2c: {  	s7 =	sld [smem:$0x3FB5]  }
0x2d: {  	s3 =	simm.s32 $0x108;
	s8 =	sld [smem:$0x3FB6]  }
0x2e: {  	s3 =	simm.s32 @!p0 $0x1082;
	s9 =	sld [smem:$0x3FB7]  }
0x2f: {  	lr =	sadd.s32 s0, s3;
	s0 =	sld [smem:$0x3FAE]  }
0x30: {  	s3 =	sld [smem:$0x3FB1]  }
0x31: {  	[smem:$0x3FBA] =	sst s10  }
0x32: {  	s10 =	sld [smem:$0x3FB8];
	_ =	sdelay $0x3  }
0x33: {  	p0 =	seq.s32 s10, $0x1;
	s10 =	sld [smem:$0x3FBA];
	_ =	sdelay $0x3  }
0x34: {  	[smem:$0x3FBA] =	sst s10  }
0x35: {  	s10 =	sld [smem:$0x3FB9];
	_ =	sdelay $0x3  }
0x36: {  	p1 =	seq.s32 s10, $0x1;
	s10 =	sld [smem:$0x3FBA];
	_ =	sdelay $0x3  }
0x37: {  	[smem:$0x3FBA] =	sst s10  }
0x38: {  	s10 =	sld [smem:$0x3FBB]  }
0x39: {  	_ = 	snop;
	(pc) =	sbr.ind lr, $3  }
0x3a: {  	_ = 	snop  }
0x3b: {  	_ = 	snop  }
0x3c: {  	p2 =	seq.s32 s10, $0x1;
	s10 =	sld [smem:$0x3FBA]  }
0x3d: {  	_ =	shalt  }
0x3e: {  	_ =	shalt  }
0x3f: {  	_ =	shalt  }
0x40: {  	_ =	shalt  }
0x41: {  	_ =	shalt  }
0x42: {  	_ =	shalt  }
0x43: {  	_ =	shalt  }
0x44: {  	_ =	shalt  }
0x45: {  	_ =	shalt  }
0x46: {  	_ =	shalt  }
0x47: {  	_ =	shalt  }
0x48: {  	_ =	shalt  }
0x49: {  	_ =	shalt  }
0x4a: {  	_ =	shalt  }
0x4b: {  	_ =	shalt  }
0x4c: {  	_ =	shalt  }
0x4d: {  	_ =	shalt  }
0x4e: {  	_ =	shalt  }
0x4f: {  	_ =	shalt  }
0x50: {  	_ =	shalt  }
0x51: {  	_ =	shalt  }
0x52: {  	_ =	shalt  }
0x53: {  	_ =	shalt  }
0x54: {  	_ =	shalt  }
0x55: {  	_ =	shalt  }
0x56: {  	_ =	shalt  }
0x57: {  	_ =	shalt  }
0x58: {  	_ =	shalt  }
0x59: {  	_ =	shalt  }
0x5a: {  	_ =	shalt  }
0x5b: {  	_ =	shalt  }
0x5c: {  	_ =	shalt  }
0x5d: {  	_ =	shalt  }
0x5e: {  	_ =	shalt  }
0x5f: {  	_ =	shalt  }
0x60: {  	_ =	shalt  }
0x61: {  	_ =	shalt  }
0x62: {  	_ =	shalt  }
0x63: {  	_ =	shalt  }
0x64: {  	_ =	shalt  }
0x65: {  	_ =	shalt  }
0x66: {  	_ =	shalt  }
0x67: {  	_ =	shalt  }
0x68: {  	_ =	shalt  }
0x69: {  	_ =	shalt  }
0x6a: {  	_ =	shalt  }
0x6b: {  	_ =	shalt  }
0x6c: {  	_ =	shalt  }
0x6d: {  	_ =	shalt  }
0x6e: {  	_ =	shalt  }
0x6f: {  	_ =	shalt  }
0x70: {  	_ =	shalt  }
0x71: {  	_ =	shalt  }
0x72: {  	_ =	shalt  }
0x73: {  	_ =	shalt  }
0x74: {  	_ =	shalt  }
0x75: {  	_ =	shalt  }
0x76: {  	_ =	shalt  }
0x77: {  	_ =	shalt  }
0x78: {  	_ =	shalt  }
0x79: {  	_ =	shalt  }
0x7a: {  	_ =	shalt  }
0x7b: {  	_ =	shalt  }
0x7c: {  	_ =	shalt  }
0x7d: {  	_ =	shalt  }
0x7e: {  	_ =	shalt  }
0x7f: {  	_ =	shalt  }
0x80: {  	_ =	shalt  }
0x81: {  	_ =	shalt  }
0x82: {  	_ =	shalt  }
0x83: {  	_ =	shalt  }
0x84: {  	_ =	shalt  }
0x85: {  	_ =	shalt  }
0x86: {  	_ =	shalt  }
0x87: {  	_ =	shalt  }
.Lfunc_end0:
.L_simem_size_0:
called_computation_lowered:
.L_overlay_start_0:
0x88: {  	s2 =	sld [smem:$0x3FD9]  }
0x89: {  	s3 =	sld [smem:$0x3FFE];
	_ =	sdelay $0x1  }
0x8a: {  	s1 =	srdreg.scid  }
0x8b: {  	s0 =	sand.u32 $0x1, s1  }
0x8c: {  	s17 =	sshll.u32 s0, $0xA;
	s2 =	sadd.s32 s3, s2  }
0x8d: {  	s2 =	sadd.s32 s2, s17  }
0x8e: {  	[smem:$0x3FC6] =	sst s2  }
0x8f: {  	_ = 	snop  }
0x90: {  	s2 =	sld [smem:$0x3FC9]  }
0x91: {  	s18 =	sld [smem:$0x3FC8];
	(tm) =	ssettm $0x1  }
0x92: {  	s4 =	sld [smem:$0x3FFB];
	_ =	sdelay $0x3  }
0x93: {  	_ =	strace s4  }
0x94: {  	s4 =	sld [smem:$0x3FFC];
	_ =	sdelay $0x3  }
0x95: {  	_ =	strace s4  }
0x96: {  	s4 =	sld [smem:$0x3FFD];
	_ =	sdelay $0x3  }
0x97: {  	_ =	strace s4  }
0x98: {  	_ =	strace $0x8FFFFFFF  }
0x99: {  	s19 =	sld [smem:$0x3FDB];
	_ =	sdelay $0x1  }
0x9a: {  	s5 =	simm.s32 $_scs_section_size  }
0x9b: {  	s6 =	simm.s32 $_size__tile_overlayer_lowered;
	s7 =	simm.s32 $_tile_overlayer_lowered  }
0x9c: {  	s22 =	simm.s32 $0x1BFF;
	s21 =	sshll.u32 s7, $0x1;
	s4 =	sadd.s32 s5, s19  }
0x9d: {  	s8 =	simm.s32 $0x0;
	s20 =	sshll.u32 s6, $0x1;
	s6 =	sadd.s32 s21, s4  }
0x9e: {  	[timem:s8], [sflag:s22] =	dma.local [hbm:s6], s20  }
0x9f: {  	_ =	swait.ge [sflag:s22], s20  }
0xa0: {  	s5 =	ssub.s32 $0x0, s20;
	[sflag:s22] =	ssyncset.done $0x0  }
0xa1: {  	[sflag:s22] =	ssyncadd.s32 s5;
	_ =	sdelay $0x1  }
0xa2: {  	s23 =	simm.s32 $0x1B8B  }
0xa3: {  	_ =	swait.ge [sflag:s23], $0x1  }
0xa4: {  	[sflag:s23] =	ssyncset.done $0x0  }
0xa5: {  	s25 =	simm.s32 $0x1B8E;
	s24 =	sld [smem:$0x3FFE];
	[sflag:s23] =	ssyncadd.s32 $0xFFFFFFFF  }
0xa6: {  	s26 =	simm.s32 $execute0_lowered;
	[smem:$0x3FD2] =	sst s25  }
0xa7: {  	s6 =	sshll.u32 s26, $0x1;
	_ =	strace $0x80000046;
	[dreg:$0x1] =	wrdreg $0xFFFFFFFF  }
0xa8: {  	s28 =	simm.s32 $_size_execute0_lowered;
	s4 =	sadd.s32 s4, s6;
	[dreg:$0x0] =	wrdreg $0x0  }
0xa9: {  	s6 =	sshll.u32 s28, $0x1;
	[dreg:$0x2] =	wrdreg s4  }
0xaa: {  	[dreg:$0x3] =	wrdreg s6  }
0xab: {  	[dreg:$0x4] =	wrdreg $0xC0  }
0xac: {  	_ =	task [dreg:s8], $0x5FFFF  }
0xad: {  	[dreg:$0x1] =	wrdreg $0xFFFFFFFF  }
0xae: {  	[dreg:$0x0] =	wrdreg $0x60  }
0xaf: {  	[dreg:$0x2] =	wrdreg s2  }
0xb0: {  	[dreg:$0x3] =	wrdreg s18  }
0xb1: {  	[dreg:$0x4] =	wrdreg s24  }
0xb2: {  	[dreg:$0x5] =	wrdreg $0x9  }
0xb3: {  	_ =	task.clear_ibuf [dreg:s8], $0x6FFFF;
	_ =	strace $0x90000046  }
0xb4: {  	s29 =	simm.s32 $0x9;
	_ =	strace $0x80000048  }
0xb5: {  	_ =	swait.ge [sflag:s29], $0x1  }
0xb6: {  	[sflag:s29] =	ssyncadd.s32 $0xFFFFFFFF  }
0xb7: {  	_ =	strace $0x90000048  }
0xb8: {  	_ =	sfence  }
0xb9: {  	s30 =	sld [smem:$0x0];
	_ =	sdelay $0x2  }
0xba: {  	s31 =	sshll.u32 s1, $0xD;
	s1 =	sshrl.u32 s1, $0x2  }
0xbb: {  	s3 =	sand.u32 $0x4000, s31;
	s1 =	sadd.s32 s1, s30  }
0xbc: {  	s0 =	sor.u32 s3, s0;
	s1 =	sshll.u32 s1, $0x11  }
0xbd: {  	s0 =	sor.u32 s1, s0  }
0xbe: {  	s0 =	sadd.s32 $0x8F2B, s0  }
0xbf: {  	[sflag:s0] =	ssyncadd.remote.s32 $0x1  }
0xc0: {  	_ =	sfence.sel $0xFFFF  }
0xc1: {  	[dreg:$0x0] =	wrdreg $0xFFFFFFFF;
	(pc) =	sbr.abs _section_cstart, $3  }
0xc2: {  	[dreg:$0x1] =	wrdreg $0xFFFFFFFF  }
0xc3: {  	_ =	task.clear_ibuf [dreg:s8], $0x2FFFF;
	_ =	strace $0x9FFFFFFF  }
0xc4: {  	(tm) =	ssettm $0x7FFFFFFF  }
0xc5: {  	_ =	shalt  }
tec
execute0_lowered:
.L_overlay_start_1:
0x0: {  	(tag) =	ssettag $0x1  }
0x1: {  	s1 =	rddreg [dreg:$0x0]  }
0x2: {  	s2 =	srdreg.scid;
	s5 =	rddreg [dreg:$0x1]  }
0x3: {  	s6 =	rddreg [dreg:$0x2];
	s4 =	sand.u32 $0x1, s2;
	s2 =	simm.s32 $0x0  }
0x4: {  	s19 =	simm.s32 $0x280;
	[smem:$0x7FF] =	sst s2  }
0x5: {  	s20 =	simm.s32 $0x300;
	_ =	strace $0x80000047;
	[dreg:$0x6] =	wrdreg s19  }
0x6: {  	s21 =	simm.s32 $0x380;
	[dreg:$0x7] =	wrdreg s20  }
0x7: {  	s22 =	simm.s32 $0x400;
	[dreg:$0x8] =	wrdreg s21  }
0x8: {  	s23 =	simm.s32 $0x480;
	[dreg:$0x9] =	wrdreg s22  }
0x9: {  	s24 =	simm.s32 $0x500;
	[dreg:$0xa] =	wrdreg s23  }
0xa: {  	s25 =	simm.s32 $0x580;
	[dreg:$0xb] =	wrdreg s24  }
0xb: {  	s0 =	stileid.u32;
	s26 =	simm.s32 $0x600;
	[dreg:$0xc] =	wrdreg s25  }
0xc: {  	s3 =	sshll.u32 s0, $0xA;
	s0 =	simm.s32 $0x680;
	[dreg:$0xd] =	wrdreg s26  }
0xd: {  	s8 =	simm.s32 $0x800;
	[dreg:$0xe] =	wrdreg s0  }
0xe: {  	s9 =	simm.s32 $0x880;
	[dreg:$0x11] =	wrdreg s8  }
0xf: {  	s10 =	simm.s32 $0x900;
	[dreg:$0x12] =	wrdreg s9  }
0x10: {  	s11 =	simm.s32 $0x980;
	[dreg:$0x13] =	wrdreg s10  }
0x11: {  	s12 =	simm.s32 $0xA00;
	[dreg:$0x14] =	wrdreg s11  }
0x12: {  	s13 =	simm.s32 $0xA80;
	[dreg:$0x15] =	wrdreg s12  }
0x13: {  	s14 =	simm.s32 $0xB00;
	[dreg:$0x16] =	wrdreg s13  }
0x14: {  	s15 =	simm.s32 $0xB80;
	[dreg:$0x17] =	wrdreg s14  }
0x15: {  	s16 =	simm.s32 $0xC00;
	[dreg:$0x18] =	wrdreg s15  }
0x16: {  	s17 =	simm.s32 $0xC80;
	[dreg:$0x19] =	wrdreg s16  }
0x17: {  	[dreg:$0x1a] =	wrdreg s17;
	s19 =	simm.s32 $0xD80  }
0x18: {  	s20 =	simm.s32 $0xE00;
	[dreg:$0x1c] =	wrdreg s19  }
0x19: {  	s21 =	simm.s32 $0xE80;
	[dreg:$0x1d] =	wrdreg s20  }
0x1a: {  	s22 =	simm.s32 $0xF00;
	[dreg:$0x1e] =	wrdreg s21  }
0x1b: {  	s23 =	simm.s32 $0xF80;
	[dreg:$0x1f] =	wrdreg s22  }
0x1c: {  	s24 =	simm.s32 $0x1000;
	[smem:$0x62D] =	sst s23  }
0x1d: {  	s25 =	simm.s32 $0x1080;
	[smem:$0x62E] =	sst s24  }
0x1e: {  	s26 =	simm.s32 $0x1100;
	[smem:$0x62F] =	sst s25  }
0x1f: {  	s0 =	simm.s32 $0x1180;
	[smem:$0x630] =	sst s26  }
0x20: {  	s8 =	simm.s32 $0x1300;
	[smem:$0x631] =	sst s0  }
0x21: {  	s9 =	simm.s32 $0x1380;
	[smem:$0x634] =	sst s8  }
0x22: {  	s10 =	simm.s32 $0x1400;
	[smem:$0x635] =	sst s9  }
0x23: {  	s11 =	simm.s32 $0x1480;
	[smem:$0x636] =	sst s10  }
0x24: {  	s12 =	simm.s32 $0x1500;
	[smem:$0x637] =	sst s11  }
0x25: {  	s13 =	simm.s32 $0x1580;
	[smem:$0x638] =	sst s12  }
0x26: {  	s14 =	simm.s32 $0x1600;
	[smem:$0x639] =	sst s13  }
0x27: {  	s15 =	simm.s32 $0x1680;
	[smem:$0x63A] =	sst s14  }
0x28: {  	s16 =	simm.s32 $0x1700;
	[smem:$0x63B] =	sst s15  }
0x29: {  	s17 =	simm.s32 $0x1780;
	[smem:$0x63C] =	sst s16  }
0x2a: {  	[smem:$0x63D] =	sst s17;
	s19 =	simm.s32 $0x1880  }
0x2b: {  	s20 =	simm.s32 $0x1900;
	[smem:$0x63F] =	sst s19  }
0x2c: {  	s21 =	simm.s32 $0x1980;
	[smem:$0x640] =	sst s20  }
0x2d: {  	s22 =	simm.s32 $0x1A00;
	[smem:$0x641] =	sst s21  }
0x2e: {  	s23 =	simm.s32 $0x1A80;
	[smem:$0x642] =	sst s22  }
0x2f: {  	s24 =	simm.s32 $0x1B00;
	[smem:$0x643] =	sst s23  }
0x30: {  	s25 =	simm.s32 $0x1B80;
	[smem:$0x644] =	sst s24  }
0x31: {  	s26 =	simm.s32 $0x1C00;
	[smem:$0x645] =	sst s25  }
0x32: {  	s0 =	simm.s32 $0x1C80;
	[smem:$0x646] =	sst s26  }
0x33: {  	s8 =	simm.s32 $0x1E00;
	[smem:$0x647] =	sst s0  }
0x34: {  	s9 =	simm.s32 $0x1E80;
	[smem:$0x64A] =	sst s8  }
0x35: {  	s10 =	simm.s32 $0x1F00;
	[smem:$0x64B] =	sst s9  }
0x36: {  	s11 =	simm.s32 $0x1F80;
	[smem:$0x64C] =	sst s10  }
0x37: {  	s12 =	simm.s32 $0x2000;
	[smem:$0x64D] =	sst s11  }
0x38: {  	s13 =	simm.s32 $0x2080;
	[smem:$0x64E] =	sst s12  }
0x39: {  	s14 =	simm.s32 $0x2100;
	[smem:$0x64F] =	sst s13  }
0x3a: {  	s7 =	sshll.u32 s4, $0x9;
	s15 =	simm.s32 $0x2180;
	[smem:$0x650] =	sst s14  }
0x3b: {  	s3 =	sor.u32 s7, s3;
	s16 =	simm.s32 $0x2200;
	[smem:$0x651] =	sst s15  }
0x3c: {  	s7 =	sshrl.u32 s3, $0x3;
	s17 =	simm.s32 $0x2280;
	[smem:$0x652] =	sst s16  }
0x3d: {  	s5 =	sadd.s32 s5, s7;
	[smem:$0x653] =	sst s17  }
0x3e: {  	s6 =	sadd.s32 s7, s6;
	s7 =	simm.s32 $0x780;
	[dreg:$0x4] =	wrdreg s5  }
0x3f: {  	s19 =	simm.s32 $0x2380;
	[dreg:$0x10] =	wrdreg s7  }
0x40: {  	s20 =	simm.s32 $0x2400;
	[smem:$0x655] =	sst s19  }
0x41: {  	s21 =	simm.s32 $0x2480;
	[smem:$0x656] =	sst s20  }
0x42: {  	s22 =	simm.s32 $0x2500;
	[smem:$0x657] =	sst s21  }
0x43: {  	s23 =	simm.s32 $0x2580;
	[smem:$0x658] =	sst s22  }
0x44: {  	s24 =	simm.s32 $0x2600;
	[smem:$0x659] =	sst s23  }
0x45: {  	s25 =	simm.s32 $0x2680;
	[smem:$0x65A] =	sst s24  }
0x46: {  	s26 =	simm.s32 $0x2700;
	[smem:$0x65B] =	sst s25  }
0x47: {  	s0 =	simm.s32 $0x2780;
	[smem:$0x65C] =	sst s26  }
0x48: {  	s8 =	simm.s32 $0x2900;
	[smem:$0x65D] =	sst s0  }
0x49: {  	s9 =	simm.s32 $0x2980;
	[smem:$0x660] =	sst s8  }
0x4a: {  	s10 =	simm.s32 $0x2A00;
	[smem:$0x661] =	sst s9  }
0x4b: {  	s11 =	simm.s32 $0x2A80;
	[smem:$0x662] =	sst s10  }
0x4c: {  	s12 =	simm.s32 $0x2B00;
	[smem:$0x663] =	sst s11  }
0x4d: {  	s13 =	simm.s32 $0x2B80;
	[smem:$0x664] =	sst s12  }
0x4e: {  	s14 =	simm.s32 $0x2C00;
	[smem:$0x665] =	sst s13  }
0x4f: {  	s15 =	simm.s32 $0x2C80;
	[smem:$0x666] =	sst s14  }
0x50: {  	s16 =	simm.s32 $0x2D00;
	[smem:$0x667] =	sst s15  }
0x51: {  	s17 =	simm.s32 $0x2D80;
	[smem:$0x668] =	sst s16  }
0x52: {  	s18 =	sadd.s32 $0x600, s6;
	[smem:$0x669] =	sst s17  }
0x53: {  	s6 =	simm.s32 $0x700;
	[dreg:$0x5] =	wrdreg s18  }
0x54: {  	s7 =	simm.s32 $0x1280;
	[dreg:$0xf] =	wrdreg s6  }
0x55: {  	s19 =	simm.s32 $0x2E80;
	[smem:$0x633] =	sst s7  }
0x56: {  	s20 =	simm.s32 $0x2F00;
	[smem:$0x66B] =	sst s19  }
0x57: {  	s21 =	simm.s32 $0x2F80;
	[smem:$0x66C] =	sst s20  }
0x58: {  	s22 =	simm.s32 $0x3000;
	[smem:$0x66D] =	sst s21  }
0x59: {  	s23 =	simm.s32 $0x3080;
	[smem:$0x66E] =	sst s22  }
0x5a: {  	s24 =	simm.s32 $0x3100;
	[smem:$0x66F] =	sst s23  }
0x5b: {  	s25 =	simm.s32 $0x3180;
	[smem:$0x670] =	sst s24  }
0x5c: {  	s26 =	simm.s32 $0x3200;
	[smem:$0x671] =	sst s25  }
0x5d: {  	s0 =	simm.s32 $0x3280;
	[smem:$0x672] =	sst s26  }
0x5e: {  	s8 =	simm.s32 $0x3400;
	[smem:$0x673] =	sst s0  }
0x5f: {  	s9 =	simm.s32 $0x3480;
	[smem:$0x676] =	sst s8  }
0x60: {  	s10 =	simm.s32 $0x3500;
	[smem:$0x677] =	sst s9  }
0x61: {  	s11 =	simm.s32 $0x3580;
	[smem:$0x678] =	sst s10  }
0x62: {  	s12 =	simm.s32 $0x3600;
	[smem:$0x679] =	sst s11  }
0x63: {  	s13 =	simm.s32 $0x3680;
	[smem:$0x67A] =	sst s12  }
0x64: {  	s14 =	simm.s32 $0x3700;
	[smem:$0x67B] =	sst s13  }
0x65: {  	s15 =	simm.s32 $0x3780;
	[smem:$0x67C] =	sst s14  }
0x66: {  	s16 =	simm.s32 $0x3800;
	[smem:$0x67D] =	sst s15  }
0x67: {  	s17 =	simm.s32 $0x3880;
	[smem:$0x67E] =	sst s16  }
0x68: {  	s18 =	simm.s32 $0xD00;
	[smem:$0x67F] =	sst s17  }
0x69: {  	s6 =	simm.s32 $0x1200;
	[dreg:$0x1b] =	wrdreg s18  }
0x6a: {  	s7 =	simm.s32 $0x1D80;
	[smem:$0x632] =	sst s6  }
0x6b: {  	s19 =	simm.s32 $0x3980;
	[smem:$0x649] =	sst s7  }
0x6c: {  	s20 =	simm.s32 $0x3A00;
	[smem:$0x681] =	sst s19  }
0x6d: {  	s21 =	simm.s32 $0x3A80;
	[smem:$0x682] =	sst s20  }
0x6e: {  	s22 =	simm.s32 $0x3B00;
	[smem:$0x683] =	sst s21  }
0x6f: {  	s23 =	simm.s32 $0x3B80;
	[smem:$0x684] =	sst s22  }
0x70: {  	s24 =	simm.s32 $0x3C00;
	[smem:$0x685] =	sst s23  }
0x71: {  	s25 =	simm.s32 $0x3C80;
	[smem:$0x686] =	sst s24  }
0x72: {  	s26 =	simm.s32 $0x3D00;
	[smem:$0x687] =	sst s25  }
0x73: {  	s0 =	simm.s32 $0x3D80;
	[smem:$0x688] =	sst s26  }
0x74: {  	s8 =	simm.s32 $0x3F00;
	[smem:$0x689] =	sst s0  }
0x75: {  	s9 =	simm.s32 $0x3F80;
	[smem:$0x68C] =	sst s8  }
0x76: {  	s10 =	simm.s32 $0x4000;
	[smem:$0x68D] =	sst s9  }
0x77: {  	s11 =	simm.s32 $0x4080;
	[smem:$0x68E] =	sst s10  }
0x78: {  	s12 =	simm.s32 $0x4100;
	[smem:$0x68F] =	sst s11  }
0x79: {  	s13 =	simm.s32 $0x4180;
	[smem:$0x690] =	sst s12  }
0x7a: {  	s14 =	simm.s32 $0x4200;
	[smem:$0x691] =	sst s13  }
0x7b: {  	s15 =	simm.s32 $0x4280;
	[smem:$0x692] =	sst s14  }
0x7c: {  	s16 =	simm.s32 $0x4300;
	[smem:$0x693] =	sst s15  }
0x7d: {  	s17 =	simm.s32 $0x4380;
	[smem:$0x694] =	sst s16  }
0x7e: {  	s18 =	simm.s32 $0x1800;
	[smem:$0x695] =	sst s17  }
0x7f: {  	s6 =	simm.s32 $0x1D00;
	[smem:$0x63E] =	sst s18  }
0x80: {  	s7 =	simm.s32 $0x2880;
	[smem:$0x648] =	sst s6  }
0x81: {  	s19 =	simm.s32 $0x4480;
	[smem:$0x65F] =	sst s7  }
0x82: {  	s20 =	simm.s32 $0x4500;
	[smem:$0x697] =	sst s19  }
0x83: {  	s21 =	simm.s32 $0x4580;
	[smem:$0x698] =	sst s20  }
0x84: {  	s22 =	simm.s32 $0x4600;
	[smem:$0x699] =	sst s21  }
0x85: {  	s23 =	simm.s32 $0x4680;
	[smem:$0x69A] =	sst s22  }
0x86: {  	s24 =	simm.s32 $0x4700;
	[smem:$0x69B] =	sst s23  }
0x87: {  	s25 =	simm.s32 $0x4780;
	[smem:$0x69C] =	sst s24  }
0x88: {  	s26 =	simm.s32 $0x4800;
	[smem:$0x69D] =	sst s25  }
0x89: {  	s0 =	simm.s32 $0x4880;
	[smem:$0x69E] =	sst s26  }
0x8a: {  	s8 =	simm.s32 $0x4A00;
	[smem:$0x69F] =	sst s0  }
0x8b: {  	s9 =	simm.s32 $0x4A80;
	[smem:$0x6A2] =	sst s8  }
0x8c: {  	s10 =	simm.s32 $0x4B00;
	[smem:$0x6A3] =	sst s9  }
0x8d: {  	s11 =	simm.s32 $0x4B80;
	[smem:$0x6A4] =	sst s10  }
0x8e: {  	s12 =	simm.s32 $0x4C00;
	[smem:$0x6A5] =	sst s11  }
0x8f: {  	s13 =	simm.s32 $0x4C80;
	[smem:$0x6A6] =	sst s12  }
0x90: {  	s14 =	simm.s32 $0x4D00;
	[smem:$0x6A7] =	sst s13  }
0x91: {  	s15 =	simm.s32 $0x4D80;
	[smem:$0x6A8] =	sst s14  }
0x92: {  	s16 =	simm.s32 $0x4E00;
	[smem:$0x6A9] =	sst s15  }
0x93: {  	s17 =	simm.s32 $0x4E80;
	[smem:$0x6AA] =	sst s16  }
0x94: {  	s18 =	simm.s32 $0x2300;
	[smem:$0x6AB] =	sst s17  }
0x95: {  	s6 =	simm.s32 $0x2800;
	[smem:$0x654] =	sst s18  }
0x96: {  	s7 =	simm.s32 $0x3380;
	[smem:$0x65E] =	sst s6  }
0x97: {  	s19 =	simm.s32 $0x4F80;
	[smem:$0x675] =	sst s7  }
0x98: {  	s20 =	simm.s32 $0x5000;
	[smem:$0x6AD] =	sst s19  }
0x99: {  	s21 =	simm.s32 $0x5080;
	[smem:$0x6AE] =	sst s20  }
0x9a: {  	s22 =	simm.s32 $0x5100;
	[smem:$0x6AF] =	sst s21  }
0x9b: {  	s23 =	simm.s32 $0x5180;
	[smem:$0x6B0] =	sst s22  }
0x9c: {  	s24 =	simm.s32 $0x5200;
	[smem:$0x6B1] =	sst s23  }
0x9d: {  	s25 =	simm.s32 $0x5280;
	[smem:$0x6B2] =	sst s24  }
0x9e: {  	s26 =	simm.s32 $0x5300;
	[smem:$0x6B3] =	sst s25  }
0x9f: {  	s0 =	simm.s32 $0x5380;
	[smem:$0x6B4] =	sst s26  }
0xa0: {  	s8 =	simm.s32 $0x5500;
	[smem:$0x6B5] =	sst s0  }
0xa1: {  	s9 =	simm.s32 $0x5580;
	[smem:$0x6B8] =	sst s8  }
0xa2: {  	s10 =	simm.s32 $0x5600;
	[smem:$0x6B9] =	sst s9  }
0xa3: {  	s11 =	simm.s32 $0x5680;
	[smem:$0x6BA] =	sst s10  }
0xa4: {  	s12 =	simm.s32 $0x5700;
	[smem:$0x6BB] =	sst s11  }
0xa5: {  	s13 =	simm.s32 $0x5780;
	[smem:$0x6BC] =	sst s12  }
0xa6: {  	s14 =	simm.s32 $0x5800;
	[smem:$0x6BD] =	sst s13  }
0xa7: {  	s15 =	simm.s32 $0x5880;
	[smem:$0x6BE] =	sst s14  }
0xa8: {  	s16 =	simm.s32 $0x5900;
	[smem:$0x6BF] =	sst s15  }
0xa9: {  	s17 =	simm.s32 $0x5980;
	[smem:$0x6C0] =	sst s16  }
0xaa: {  	s18 =	simm.s32 $0x2E00;
	[smem:$0x6C1] =	sst s17  }
0xab: {  	s6 =	simm.s32 $0x3300;
	[smem:$0x66A] =	sst s18  }
0xac: {  	s7 =	simm.s32 $0x3E80;
	[smem:$0x674] =	sst s6  }
0xad: {  	s19 =	simm.s32 $0x5A80;
	[smem:$0x68B] =	sst s7  }
0xae: {  	s20 =	simm.s32 $0x5B00;
	[smem:$0x6C3] =	sst s19  }
0xaf: {  	s21 =	simm.s32 $0x5B80;
	[smem:$0x6C4] =	sst s20  }
0xb0: {  	s22 =	simm.s32 $0x5C00;
	[smem:$0x6C5] =	sst s21  }
0xb1: {  	s23 =	simm.s32 $0x5C80;
	[smem:$0x6C6] =	sst s22  }
0xb2: {  	s24 =	simm.s32 $0x5D00;
	[smem:$0x6C7] =	sst s23  }
0xb3: {  	s25 =	simm.s32 $0x5D80;
	[smem:$0x6C8] =	sst s24  }
0xb4: {  	s26 =	simm.s32 $0x5E00;
	[smem:$0x6C9] =	sst s25  }
0xb5: {  	s0 =	simm.s32 $0x5E80;
	[smem:$0x6CA] =	sst s26  }
0xb6: {  	s8 =	simm.s32 $0x6000;
	[smem:$0x6CB] =	sst s0  }
0xb7: {  	s9 =	simm.s32 $0x6080;
	[smem:$0x6CE] =	sst s8  }
0xb8: {  	s10 =	simm.s32 $0x6100;
	[smem:$0x6CF] =	sst s9  }
0xb9: {  	s11 =	simm.s32 $0x6180;
	[smem:$0x6D0] =	sst s10  }
0xba: {  	s12 =	simm.s32 $0x6200;
	[smem:$0x6D1] =	sst s11  }
0xbb: {  	s13 =	simm.s32 $0x6280;
	[smem:$0x6D2] =	sst s12  }
0xbc: {  	s14 =	simm.s32 $0x6300;
	[smem:$0x6D3] =	sst s13  }
0xbd: {  	s15 =	simm.s32 $0x6380;
	[smem:$0x6D4] =	sst s14  }
0xbe: {  	s16 =	simm.s32 $0x6400;
	[smem:$0x6D5] =	sst s15  }
0xbf: {  	s17 =	simm.s32 $0x6480;
	[smem:$0x6D6] =	sst s16  }
0xc0: {  	s18 =	simm.s32 $0x3900;
	[smem:$0x6D7] =	sst s17  }
0xc1: {  	s6 =	simm.s32 $0x3E00;
	[smem:$0x680] =	sst s18  }
0xc2: {  	s7 =	simm.s32 $0x4980;
	[smem:$0x68A] =	sst s6  }
0xc3: {  	s19 =	simm.s32 $0x6580;
	[smem:$0x6A1] =	sst s7  }
0xc4: {  	s20 =	simm.s32 $0x6600;
	[smem:$0x6D9] =	sst s19  }
0xc5: {  	s21 =	simm.s32 $0x6680;
	[smem:$0x6DA] =	sst s20  }
0xc6: {  	s22 =	simm.s32 $0x6700;
	[smem:$0x6DB] =	sst s21  }
0xc7: {  	s23 =	simm.s32 $0x6780;
	[smem:$0x6DC] =	sst s22  }
0xc8: {  	s24 =	simm.s32 $0x6800;
	[smem:$0x6DD] =	sst s23  }
0xc9: {  	s25 =	simm.s32 $0x6880;
	[smem:$0x6DE] =	sst s24  }
0xca: {  	s26 =	simm.s32 $0x6900;
	[smem:$0x6DF] =	sst s25  }
0xcb: {  	s0 =	simm.s32 $0x6980;
	[smem:$0x6E0] =	sst s26  }
0xcc: {  	s8 =	simm.s32 $0x6B00;
	[smem:$0x6E1] =	sst s0  }
0xcd: {  	s9 =	simm.s32 $0x6B80;
	[smem:$0x6E4] =	sst s8  }
0xce: {  	s10 =	simm.s32 $0x6C00;
	[smem:$0x6E5] =	sst s9  }
0xcf: {  	s11 =	simm.s32 $0x6C80;
	[smem:$0x6E6] =	sst s10  }
0xd0: {  	s12 =	simm.s32 $0x6D00;
	[smem:$0x6E7] =	sst s11  }
0xd1: {  	s13 =	simm.s32 $0x6D80;
	[smem:$0x6E8] =	sst s12  }
0xd2: {  	s14 =	simm.s32 $0x6E00;
	[smem:$0x6E9] =	sst s13  }
0xd3: {  	s15 =	simm.s32 $0x6E80;
	[smem:$0x6EA] =	sst s14  }
0xd4: {  	s16 =	simm.s32 $0x6F00;
	[smem:$0x6EB] =	sst s15  }
0xd5: {  	s17 =	simm.s32 $0x6F80;
	[smem:$0x6EC] =	sst s16  }
0xd6: {  	s18 =	simm.s32 $0x4400;
	[smem:$0x6ED] =	sst s17  }
0xd7: {  	s6 =	simm.s32 $0x4900;
	[smem:$0x696] =	sst s18  }
0xd8: {  	s7 =	simm.s32 $0x5480;
	[smem:$0x6A0] =	sst s6  }
0xd9: {  	s19 =	simm.s32 $0x7080;
	[smem:$0x6B7] =	sst s7  }
0xda: {  	s20 =	simm.s32 $0x7100;
	[smem:$0x6EF] =	sst s19  }
0xdb: {  	s21 =	simm.s32 $0x7180;
	[smem:$0x6F0] =	sst s20  }
0xdc: {  	s22 =	simm.s32 $0x7200;
	[smem:$0x6F1] =	sst s21  }
0xdd: {  	s23 =	simm.s32 $0x7280;
	[smem:$0x6F2] =	sst s22  }
0xde: {  	s24 =	simm.s32 $0x7300;
	[smem:$0x6F3] =	sst s23  }
0xdf: {  	s25 =	simm.s32 $0x7380;
	[smem:$0x6F4] =	sst s24  }
0xe0: {  	s26 =	simm.s32 $0x7400;
	[smem:$0x6F5] =	sst s25  }
0xe1: {  	s0 =	simm.s32 $0x7480;
	[smem:$0x6F6] =	sst s26  }
0xe2: {  	s8 =	simm.s32 $0x7600;
	[smem:$0x6F7] =	sst s0  }
0xe3: {  	s9 =	simm.s32 $0x7680;
	[smem:$0x6FA] =	sst s8  }
0xe4: {  	s10 =	simm.s32 $0x7700;
	[smem:$0x6FB] =	sst s9  }
0xe5: {  	s11 =	simm.s32 $0x7780;
	[smem:$0x6FC] =	sst s10  }
0xe6: {  	s12 =	simm.s32 $0x7800;
	[smem:$0x6FD] =	sst s11  }
0xe7: {  	s13 =	simm.s32 $0x7880;
	[smem:$0x6FE] =	sst s12  }
0xe8: {  	s14 =	simm.s32 $0x7900;
	[smem:$0x6FF] =	sst s13  }
0xe9: {  	s15 =	simm.s32 $0x7980;
	[smem:$0x700] =	sst s14  }
0xea: {  	s16 =	simm.s32 $0x7A00;
	[smem:$0x701] =	sst s15  }
0xeb: {  	s17 =	simm.s32 $0x7A80;
	[smem:$0x702] =	sst s16  }
0xec: {  	s18 =	simm.s32 $0x4F00;
	[smem:$0x703] =	sst s17  }
0xed: {  	s6 =	simm.s32 $0x5400;
	[smem:$0x6AC] =	sst s18  }
0xee: {  	s7 =	simm.s32 $0x5F80;
	[smem:$0x6B6] =	sst s6  }
0xef: {  	s19 =	simm.s32 $0x7B80;
	[smem:$0x6CD] =	sst s7  }
0xf0: {  	s20 =	simm.s32 $0x7C00;
	[smem:$0x705] =	sst s19  }
0xf1: {  	s21 =	simm.s32 $0x7C80;
	[smem:$0x706] =	sst s20  }
0xf2: {  	s22 =	simm.s32 $0x7D00;
	[smem:$0x707] =	sst s21  }
0xf3: {  	s23 =	simm.s32 $0x7D80;
	[smem:$0x708] =	sst s22  }
0xf4: {  	s24 =	simm.s32 $0x7E00;
	[smem:$0x709] =	sst s23  }
0xf5: {  	s25 =	simm.s32 $0x7E80;
	[smem:$0x70A] =	sst s24  }
0xf6: {  	s26 =	simm.s32 $0x7F00;
	[smem:$0x70B] =	sst s25  }
0xf7: {  	s0 =	simm.s32 $0x7F80;
	[smem:$0x70C] =	sst s26  }
0xf8: {  	s8 =	simm.s32 $0x8100;
	[smem:$0x70D] =	sst s0  }
0xf9: {  	s9 =	simm.s32 $0x9200;
	[smem:$0x710] =	sst s8  }
0xfa: {  	s10 =	simm.s32 $0x8180;
	[smem:$0x711] =	sst s9  }
0xfb: {  	s11 =	simm.s32 $0x9D00;
	[smem:$0x712] =	sst s10  }
0xfc: {  	s12 =	simm.s32 $0x9C80;
	[smem:$0x713] =	sst s11  }
0xfd: {  	s13 =	simm.s32 $0x9C00;
	[smem:$0x714] =	sst s12  }
0xfe: {  	s14 =	simm.s32 $0x9B80;
	[smem:$0x715] =	sst s13  }
0xff: {  	s15 =	simm.s32 $0x9B00;
	[smem:$0x716] =	sst s14  }
0x100: {  	s16 =	simm.s32 $0x9A80;
	[smem:$0x717] =	sst s15  }
0x101: {  	s17 =	simm.s32 $0x9A00;
	[smem:$0x718] =	sst s16  }
0x102: {  	s18 =	simm.s32 $0x5A00;
	[smem:$0x719] =	sst s17  }
0x103: {  	s6 =	simm.s32 $0x5F00;
	[smem:$0x6C2] =	sst s18  }
0x104: {  	s7 =	simm.s32 $0x6A80;
	[smem:$0x6CC] =	sst s6  }
0x105: {  	s19 =	simm.s32 $0x9900;
	[smem:$0x6E3] =	sst s7  }
0x106: {  	s20 =	simm.s32 $0x9880;
	[smem:$0x71B] =	sst s19  }
0x107: {  	s21 =	simm.s32 $0x9800;
	[smem:$0x71C] =	sst s20  }
0x108: {  	s22 =	simm.s32 $0x9780;
	[smem:$0x71D] =	sst s21  }
0x109: {  	s23 =	simm.s32 $0x9700;
	[smem:$0x71E] =	sst s22  }
0x10a: {  	s24 =	simm.s32 $0x9680;
	[smem:$0x71F] =	sst s23  }
0x10b: {  	s25 =	simm.s32 $0x9600;
	[smem:$0x720] =	sst s24  }
0x10c: {  	s26 =	simm.s32 $0x9580;
	[smem:$0x721] =	sst s25  }
0x10d: {  	s0 =	simm.s32 $0x9500;
	[smem:$0x722] =	sst s26  }
0x10e: {  	s8 =	simm.s32 $0x9380;
	[smem:$0x723] =	sst s0  }
0x10f: {  	s9 =	simm.s32 $0x9300;
	[smem:$0x726] =	sst s8  }
0x110: {  	s10 =	simm.s32 $0x8C00;
	[smem:$0x727] =	sst s9  }
0x111: {  	s11 =	simm.s32 $0x8C80;
	[smem:$0x728] =	sst s10  }
0x112: {  	s12 =	simm.s32 $0x8D00;
	[smem:$0x729] =	sst s11  }
0x113: {  	s13 =	simm.s32 $0x8200;
	[smem:$0x72A] =	sst s12  }
0x114: {  	s14 =	simm.s32 $0x9F00;
	[smem:$0x72B] =	sst s13  }
0x115: {  	s15 =	simm.s32 $0x8A00;
	[smem:$0x72C] =	sst s14  }
0x116: {  	s16 =	simm.s32 $0x8A80;
	[smem:$0x72D] =	sst s15  }
0x117: {  	s17 =	simm.s32 $0x8B00;
	[smem:$0x72E] =	sst s16  }
0x118: {  	s18 =	simm.s32 $0x6500;
	[smem:$0x72F] =	sst s17  }
0x119: {  	s6 =	simm.s32 $0x6A00;
	[smem:$0x6D8] =	sst s18  }
0x11a: {  	s7 =	simm.s32 $0x7580;
	[smem:$0x6E2] =	sst s6  }
0x11b: {  	s19 =	simm.s32 $0x8280;
	[smem:$0x6F9] =	sst s7  }
0x11c: {  	s20 =	simm.s32 $0x9F80;
	[smem:$0x731] =	sst s19  }
0x11d: {  	s21 =	simm.s32 $0xA000;
	[smem:$0x732] =	sst s20  }
0x11e: {  	s22 =	simm.s32 $0xA080;
	[smem:$0x733] =	sst s21  }
0x11f: {  	s23 =	simm.s32 $0xA100;
	[smem:$0x734] =	sst s22  }
0x120: {  	s24 =	simm.s32 $0xA180;
	[smem:$0x735] =	sst s23  }
0x121: {  	s25 =	simm.s32 $0xA200;
	[smem:$0x736] =	sst s24  }
0x122: {  	s26 =	simm.s32 $0x8300;
	[smem:$0x737] =	sst s25  }
0x123: {  	s0 =	simm.s32 $0x8380;
	[smem:$0x738] =	sst s26  }
0x124: {  	s8 =	simm.s32 $0x8500;
	[smem:$0x739] =	sst s0  }
0x125: {  	s9 =	simm.s32 $0x8580;
	[smem:$0x73C] =	sst s8  }
0x126: {  	s10 =	simm.s32 $0x8600;
	[smem:$0x73D] =	sst s9  }
0x127: {  	s11 =	simm.s32 $0x8680;
	[smem:$0x73E] =	sst s10  }
0x128: {  	s12 =	simm.s32 $0x8700;
	[smem:$0x73F] =	sst s11  }
0x129: {  	s13 =	simm.s32 $0x8780;
	[smem:$0x740] =	sst s12  }
0x12a: {  	s14 =	simm.s32 $0x8800;
	[smem:$0x741] =	sst s13  }
0x12b: {  	s15 =	simm.s32 $0x8880;
	[smem:$0x742] =	sst s14  }
0x12c: {  	s16 =	simm.s32 $0x8900;
	[smem:$0x743] =	sst s15  }
0x12d: {  	s17 =	simm.s32 $0x8980;
	[smem:$0x744] =	sst s16  }
0x12e: {  	s18 =	simm.s32 $0x7000;
	[smem:$0x745] =	sst s17  }
0x12f: {  	s6 =	simm.s32 $0x7500;
	[smem:$0x6EE] =	sst s18  }
0x130: {  	s7 =	simm.s32 $0x8080;
	[smem:$0x6F8] =	sst s6  }
0x131: {  	s19 =	simm.s32 $0x8E00;
	[smem:$0x70F] =	sst s7  }
0x132: {  	s20 =	simm.s32 $0x8E80;
	[smem:$0x747] =	sst s19  }
0x133: {  	s21 =	simm.s32 $0x8F00;
	[smem:$0x748] =	sst s20  }
0x134: {  	s22 =	simm.s32 $0x8F80;
	[smem:$0x749] =	sst s21  }
0x135: {  	s23 =	simm.s32 $0x9000;
	[smem:$0x74A] =	sst s22  }
0x136: {  	s24 =	simm.s32 $0x9080;
	[smem:$0x74B] =	sst s23  }
0x137: {  	s25 =	simm.s32 $0x9100;
	[smem:$0x74C] =	sst s24  }
0x138: {  	s26 =	simm.s32 $0x9180;
	[smem:$0x74D] =	sst s25  }
0x139: {  	s0 =	simm.s32 $0x9280;
	[smem:$0x74E] =	sst s26  }
0x13a: {  	s8 =	simm.s32 $0x9E80;
	[smem:$0x74F] =	sst s0  }
0x13b: {  	s9 =	simm.s32 $0xA280;
	[smem:$0x752] =	sst s8  }
0x13c: {  	s10 =	simm.s32 $0xA300;
	[smem:$0x753] =	sst s9  }
0x13d: {  	s11 =	simm.s32 $0xA380;
	[smem:$0x754] =	sst s10  }
0x13e: {  	s12 =	simm.s32 $0xA400;
	[smem:$0x755] =	sst s11  }
0x13f: {  	s13 =	simm.s32 $0xA480;
	[smem:$0x756] =	sst s12  }
0x140: {  	s14 =	simm.s32 $0xA500;
	[smem:$0x757] =	sst s13  }
0x141: {  	s15 =	simm.s32 $0xA580;
	[smem:$0x758] =	sst s14  }
0x142: {  	s16 =	simm.s32 $0xA600;
	[smem:$0x759] =	sst s15  }
0x143: {  	s17 =	simm.s32 $0xA680;
	[smem:$0x75A] =	sst s16  }
0x144: {  	s18 =	simm.s32 $0x7B00;
	[smem:$0x75B] =	sst s17  }
0x145: {  	s6 =	simm.s32 $0x8000;
	[smem:$0x704] =	sst s18  }
0x146: {  	s7 =	simm.s32 $0x9400;
	[smem:$0x70E] =	sst s6  }
0x147: {  	s19 =	simm.s32 $0xA780;
	[smem:$0x725] =	sst s7  }
0x148: {  	s20 =	simm.s32 $0xA800;
	[smem:$0x75D] =	sst s19  }
0x149: {  	s21 =	simm.s32 $0xA880;
	[smem:$0x75E] =	sst s20  }
0x14a: {  	s22 =	simm.s32 $0xA900;
	[smem:$0x75F] =	sst s21  }
0x14b: {  	s23 =	simm.s32 $0xA980;
	[smem:$0x760] =	sst s22  }
0x14c: {  	s24 =	simm.s32 $0xAA00;
	[smem:$0x761] =	sst s23  }
0x14d: {  	s25 =	simm.s32 $0xAA80;
	[smem:$0x762] =	sst s24  }
0x14e: {  	s26 =	simm.s32 $0xAB00;
	[smem:$0x763] =	sst s25  }
0x14f: {  	s0 =	simm.s32 $0xAB80;
	[smem:$0x764] =	sst s26  }
0x150: {  	s8 =	simm.s32 $0xAD00;
	[smem:$0x765] =	sst s0  }
0x151: {  	s9 =	simm.s32 $0xAD80;
	[smem:$0x768] =	sst s8  }
0x152: {  	s10 =	simm.s32 $0xAE00;
	[smem:$0x769] =	sst s9  }
0x153: {  	s11 =	simm.s32 $0xAE80;
	[smem:$0x76A] =	sst s10  }
0x154: {  	s12 =	simm.s32 $0xAF00;
	[smem:$0x76B] =	sst s11  }
0x155: {  	s13 =	simm.s32 $0xAF80;
	[smem:$0x76C] =	sst s12  }
0x156: {  	s14 =	simm.s32 $0xB000;
	[smem:$0x76D] =	sst s13  }
0x157: {  	s15 =	simm.s32 $0xB080;
	[smem:$0x76E] =	sst s14  }
0x158: {  	s16 =	simm.s32 $0xB100;
	[smem:$0x76F] =	sst s15  }
0x159: {  	s17 =	simm.s32 $0xB180;
	[smem:$0x770] =	sst s16  }
0x15a: {  	s18 =	simm.s32 $0x9980;
	[smem:$0x771] =	sst s17  }
0x15b: {  	s6 =	simm.s32 $0x9480;
	[smem:$0x71A] =	sst s18  }
0x15c: {  	s7 =	simm.s32 $0x8480;
	[smem:$0x724] =	sst s6  }
0x15d: {  	s19 =	simm.s32 $0xB280;
	[smem:$0x73B] =	sst s7  }
0x15e: {  	s20 =	simm.s32 $0xB300;
	[smem:$0x773] =	sst s19  }
0x15f: {  	s21 =	simm.s32 $0xB380;
	[smem:$0x774] =	sst s20  }
0x160: {  	s22 =	simm.s32 $0xB400;
	[smem:$0x775] =	sst s21  }
0x161: {  	s23 =	simm.s32 $0xB480;
	[smem:$0x776] =	sst s22  }
0x162: {  	s24 =	simm.s32 $0xB500;
	[smem:$0x777] =	sst s23  }
0x163: {  	s25 =	simm.s32 $0xB580;
	[smem:$0x778] =	sst s24  }
0x164: {  	s26 =	simm.s32 $0xB600;
	[smem:$0x779] =	sst s25  }
0x165: {  	s0 =	simm.s32 $0xB680;
	[smem:$0x77A] =	sst s26  }
0x166: {  	s8 =	simm.s32 $0xB800;
	[smem:$0x77B] =	sst s0  }
0x167: {  	s9 =	simm.s32 $0xB880;
	[smem:$0x77E] =	sst s8  }
0x168: {  	s10 =	simm.s32 $0xB900;
	[smem:$0x77F] =	sst s9  }
0x169: {  	s11 =	simm.s32 $0xB980;
	[smem:$0x780] =	sst s10  }
0x16a: {  	s12 =	simm.s32 $0xBA00;
	[smem:$0x781] =	sst s11  }
0x16b: {  	s13 =	simm.s32 $0xBA80;
	[smem:$0x782] =	sst s12  }
0x16c: {  	s14 =	simm.s32 $0xBB00;
	[smem:$0x783] =	sst s13  }
0x16d: {  	s15 =	simm.s32 $0xBB80;
	[smem:$0x784] =	sst s14  }
0x16e: {  	s16 =	simm.s32 $0xBC00;
	[smem:$0x785] =	sst s15  }
0x16f: {  	s17 =	simm.s32 $0xBC80;
	[smem:$0x786] =	sst s16  }
0x170: {  	s18 =	simm.s32 $0x8B80;
	[smem:$0x787] =	sst s17  }
0x171: {  	s6 =	simm.s32 $0x8400;
	[smem:$0x730] =	sst s18  }
0x172: {  	s7 =	simm.s32 $0x9E00;
	[smem:$0x73A] =	sst s6  }
0x173: {  	s19 =	simm.s32 $0xBD80;
	[smem:$0x751] =	sst s7  }
0x174: {  	s20 =	simm.s32 $0xBE00;
	[smem:$0x789] =	sst s19  }
0x175: {  	s21 =	simm.s32 $0xBE80;
	[smem:$0x78A] =	sst s20  }
0x176: {  	s22 =	simm.s32 $0xBF00;
	[smem:$0x78B] =	sst s21  }
0x177: {  	s23 =	simm.s32 $0xBF80;
	[smem:$0x78C] =	sst s22  }
0x178: {  	s24 =	simm.s32 $0xC000;
	[smem:$0x78D] =	sst s23  }
0x179: {  	s25 =	simm.s32 $0xC080;
	[smem:$0x78E] =	sst s24  }
0x17a: {  	s26 =	simm.s32 $0xC100;
	[smem:$0x78F] =	sst s25  }
0x17b: {  	s0 =	simm.s32 $0xC180;
	[smem:$0x790] =	sst s26  }
0x17c: {  	s8 =	simm.s32 $0xC300;
	[smem:$0x791] =	sst s0  }
0x17d: {  	s9 =	simm.s32 $0xC380;
	[smem:$0x794] =	sst s8  }
0x17e: {  	s10 =	simm.s32 $0xC400;
	[smem:$0x795] =	sst s9  }
0x17f: {  	s11 =	simm.s32 $0xC480;
	[smem:$0x796] =	sst s10  }
0x180: {  	s12 =	simm.s32 $0xC500;
	[smem:$0x797] =	sst s11  }
0x181: {  	s13 =	simm.s32 $0xC580;
	[smem:$0x798] =	sst s12  }
0x182: {  	s14 =	simm.s32 $0xC600;
	[smem:$0x799] =	sst s13  }
0x183: {  	s15 =	simm.s32 $0xC680;
	[smem:$0x79A] =	sst s14  }
0x184: {  	s16 =	simm.s32 $0xC700;
	[smem:$0x79B] =	sst s15  }
0x185: {  	s17 =	simm.s32 $0xC780;
	[smem:$0x79C] =	sst s16  }
0x186: {  	s18 =	simm.s32 $0x8D80;
	[smem:$0x79D] =	sst s17  }
0x187: {  	s6 =	simm.s32 $0x9D80;
	[smem:$0x746] =	sst s18  }
0x188: {  	s7 =	simm.s32 $0xAC80;
	[smem:$0x750] =	sst s6  }
0x189: {  	s19 =	simm.s32 $0xC880;
	[smem:$0x767] =	sst s7  }
0x18a: {  	s20 =	simm.s32 $0xC900;
	[smem:$0x79F] =	sst s19  }
0x18b: {  	s21 =	simm.s32 $0xC980;
	[smem:$0x7A0] =	sst s20  }
0x18c: {  	s22 =	simm.s32 $0xCA00;
	[smem:$0x7A1] =	sst s21  }
0x18d: {  	s23 =	simm.s32 $0xCA80;
	[smem:$0x7A2] =	sst s22  }
0x18e: {  	s24 =	simm.s32 $0xCB00;
	[smem:$0x7A3] =	sst s23  }
0x18f: {  	s25 =	simm.s32 $0xCB80;
	[smem:$0x7A4] =	sst s24  }
0x190: {  	s26 =	simm.s32 $0xCC00;
	[smem:$0x7A5] =	sst s25  }
0x191: {  	s0 =	simm.s32 $0xCC80;
	[smem:$0x7A6] =	sst s26  }
0x192: {  	s8 =	simm.s32 $0xCE00;
	[smem:$0x7A7] =	sst s0  }
0x193: {  	s9 =	simm.s32 $0xCE80;
	[smem:$0x7AA] =	sst s8  }
0x194: {  	s10 =	simm.s32 $0xCF00;
	[smem:$0x7AB] =	sst s9  }
0x195: {  	s11 =	simm.s32 $0xCF80;
	[smem:$0x7AC] =	sst s10  }
0x196: {  	s12 =	simm.s32 $0xD000;
	[smem:$0x7AD] =	sst s11  }
0x197: {  	s13 =	simm.s32 $0xD080;
	[smem:$0x7AE] =	sst s12  }
0x198: {  	s14 =	simm.s32 $0xD100;
	[smem:$0x7AF] =	sst s13  }
0x199: {  	s15 =	simm.s32 $0xD180;
	[smem:$0x7B0] =	sst s14  }
0x19a: {  	s16 =	simm.s32 $0xD200;
	[smem:$0x7B1] =	sst s15  }
0x19b: {  	s17 =	simm.s32 $0xD280;
	[smem:$0x7B2] =	sst s16  }
0x19c: {  	s18 =	simm.s32 $0xA700;
	[smem:$0x7B3] =	sst s17  }
0x19d: {  	s6 =	simm.s32 $0xAC00;
	[smem:$0x75C] =	sst s18  }
0x19e: {  	s7 =	simm.s32 $0xB780;
	[smem:$0x766] =	sst s6  }
0x19f: {  	s19 =	simm.s32 $0xD380;
	[smem:$0x77D] =	sst s7  }
0x1a0: {  	s20 =	simm.s32 $0xD400;
	[smem:$0x7B5] =	sst s19  }
0x1a1: {  	s21 =	simm.s32 $0xD480;
	[smem:$0x7B6] =	sst s20  }
0x1a2: {  	s22 =	simm.s32 $0xD500;
	[smem:$0x7B7] =	sst s21  }
0x1a3: {  	s23 =	simm.s32 $0xD580;
	[smem:$0x7B8] =	sst s22  }
0x1a4: {  	s24 =	simm.s32 $0xD600;
	[smem:$0x7B9] =	sst s23  }
0x1a5: {  	s25 =	simm.s32 $0xD680;
	[smem:$0x7BA] =	sst s24  }
0x1a6: {  	s26 =	simm.s32 $0xD700;
	[smem:$0x7BB] =	sst s25  }
0x1a7: {  	s0 =	simm.s32 $0xD780;
	[smem:$0x7BC] =	sst s26  }
0x1a8: {  	s8 =	simm.s32 $0xD900;
	[smem:$0x7BD] =	sst s0  }
0x1a9: {  	s9 =	simm.s32 $0xD980;
	[smem:$0x7C0] =	sst s8  }
0x1aa: {  	s10 =	simm.s32 $0xDA00;
	[smem:$0x7C1] =	sst s9  }
0x1ab: {  	s11 =	simm.s32 $0xDA80;
	[smem:$0x7C2] =	sst s10  }
0x1ac: {  	s12 =	simm.s32 $0xDB00;
	[smem:$0x7C3] =	sst s11  }
0x1ad: {  	s13 =	simm.s32 $0xDB80;
	[smem:$0x7C4] =	sst s12  }
0x1ae: {  	s14 =	simm.s32 $0xDC00;
	[smem:$0x7C5] =	sst s13  }
0x1af: {  	s15 =	simm.s32 $0xDC80;
	[smem:$0x7C6] =	sst s14  }
0x1b0: {  	s16 =	simm.s32 $0xDD00;
	[smem:$0x7C7] =	sst s15  }
0x1b1: {  	s17 =	simm.s32 $0xDD80;
	[smem:$0x7C8] =	sst s16  }
0x1b2: {  	s18 =	simm.s32 $0xB200;
	[smem:$0x7C9] =	sst s17  }
0x1b3: {  	s6 =	simm.s32 $0xB700;
	[smem:$0x772] =	sst s18  }
0x1b4: {  	s7 =	simm.s32 $0xC280;
	[smem:$0x77C] =	sst s6  }
0x1b5: {  	s19 =	simm.s32 $0xDE80;
	[smem:$0x793] =	sst s7  }
0x1b6: {  	s20 =	simm.s32 $0xDF00;
	[smem:$0x7CB] =	sst s19  }
0x1b7: {  	s21 =	simm.s32 $0xDF80;
	[smem:$0x7CC] =	sst s20  }
0x1b8: {  	s22 =	simm.s32 $0xE000;
	[smem:$0x7CD] =	sst s21  }
0x1b9: {  	s23 =	simm.s32 $0xE080;
	[smem:$0x7CE] =	sst s22  }
0x1ba: {  	s24 =	simm.s32 $0xE100;
	[smem:$0x7CF] =	sst s23  }
0x1bb: {  	s25 =	simm.s32 $0xE180;
	[smem:$0x7D0] =	sst s24  }
0x1bc: {  	s26 =	simm.s32 $0xE200;
	[smem:$0x7D1] =	sst s25  }
0x1bd: {  	s0 =	simm.s32 $0xE280;
	[smem:$0x7D2] =	sst s26  }
0x1be: {  	s8 =	simm.s32 $0xE400;
	[smem:$0x7D3] =	sst s0  }
0x1bf: {  	s9 =	simm.s32 $0xE480;
	[smem:$0x7D6] =	sst s8  }
0x1c0: {  	s10 =	simm.s32 $0xE500;
	[smem:$0x7D7] =	sst s9  }
0x1c1: {  	s11 =	simm.s32 $0xE580;
	[smem:$0x7D8] =	sst s10  }
0x1c2: {  	s12 =	simm.s32 $0xE600;
	[smem:$0x7D9] =	sst s11  }
0x1c3: {  	s13 =	simm.s32 $0xE680;
	[smem:$0x7DA] =	sst s12  }
0x1c4: {  	s14 =	simm.s32 $0xE700;
	[smem:$0x7DB] =	sst s13  }
0x1c5: {  	s15 =	simm.s32 $0xE780;
	[smem:$0x7DC] =	sst s14  }
0x1c6: {  	s16 =	simm.s32 $0xE800;
	[smem:$0x7DD] =	sst s15  }
0x1c7: {  	s17 =	simm.s32 $0xE880;
	[smem:$0x7DE] =	sst s16  }
0x1c8: {  	s18 =	simm.s32 $0xBD00;
	[smem:$0x7DF] =	sst s17  }
0x1c9: {  	s6 =	simm.s32 $0xC200;
	[smem:$0x788] =	sst s18  }
0x1ca: {  	s7 =	simm.s32 $0xCD80;
	[smem:$0x792] =	sst s6  }
0x1cb: {  	s19 =	simm.s32 $0xE980;
	[smem:$0x7A9] =	sst s7  }
0x1cc: {  	s20 =	simm.s32 $0xEA00;
	[smem:$0x7E1] =	sst s19  }
0x1cd: {  	s21 =	simm.s32 $0xEA80;
	[smem:$0x7E2] =	sst s20  }
0x1ce: {  	s22 =	simm.s32 $0xEB00;
	[smem:$0x7E3] =	sst s21  }
0x1cf: {  	s23 =	simm.s32 $0xEB80;
	[smem:$0x7E4] =	sst s22  }
0x1d0: {  	s24 =	simm.s32 $0xEC00;
	[smem:$0x7E5] =	sst s23  }
0x1d1: {  	s25 =	simm.s32 $0xEC80;
	[smem:$0x7E6] =	sst s24  }
0x1d2: {  	s26 =	simm.s32 $0xED00;
	[smem:$0x7E7] =	sst s25  }
0x1d3: {  	s0 =	simm.s32 $0xED80;
	[smem:$0x7E8] =	sst s26  }
0x1d4: {  	s28 =	simm.s32 $0xF880;
	s8 =	simm.s32 $0xEE80;
	[smem:$0x7E9] =	sst s0  }
0x1d5: {  	s29 =	simm.s32 $0xF900;
	s9 =	simm.s32 $0xEF00;
	[smem:$0x7EB] =	sst s8  }
0x1d6: {  	s30 =	simm.s32 $0x10180;
	s10 =	simm.s32 $0xEF80;
	[smem:$0x7EC] =	sst s9  }
0x1d7: {  	s31 =	simm.s32 $0x1;
	s11 =	simm.s32 $0xF000;
	[smem:$0x7ED] =	sst s10  }
0x1d8: {  	s4 =	ssub.s32 $0x2, s4;
	s12 =	simm.s32 $0xF080;
	[smem:$0x7EE] =	sst s11  }
0x1d9: {  	s3 =	sadd.s32 s1, s3;
	s13 =	simm.s32 $0xF100;
	[smem:$0x7EF] =	sst s12  }
0x1da: {  	s1 =	simm.s32 $0x10200;
	s14 =	simm.s32 $0xF180;
	[smem:$0x7F0] =	sst s13  }
0x1db: {  	s5 =	sadd.s32 $0x100, s3;
	s15 =	simm.s32 $0xF200;
	[smem:$0x7F1] =	sst s14  }
0x1dc: {  	s16 =	simm.s32 $0xF280;
	s17 =	simm.s32 $0xF300;
	[smem:$0x7F2] =	sst s15  }
0x1dd: {  	s18 =	simm.s32 $0xC800;
	s6 =	simm.s32 $0xCD00;
	[smem:$0x7F3] =	sst s16  }
0x1de: {  	s7 =	simm.s32 $0xD880;
	[smem:$0x7F4] =	sst s17;
	s19 =	sshrl.u32 s4, $0x1  }
0x1df: {  	s20 =	simm.s32 $0xF400;
	s22 =	simm.s32 $0xF480;
	[smem:$0x79E] =	sst s18  }
0x1e0: {  	s23 =	simm.s32 $0xF500;
	s24 =	simm.s32 $0xF580;
	[smem:$0x7A8] =	sst s6  }
0x1e1: {  	v0 =	vimm.s32 $0x7;
	v1 =	vimm.s32 $0x0;
	v9 =	vlaneseq.u32;
	s8 =	simm.s32 $0xF600;
	s25 =	simm.s32 $0xF680;
	[smem:$0x7BF] =	sst s7  }
0x1e2: {  	vm0 =	vmmov $0x1;
	v3 =	vimm.s32 $0x1;
	v4 =	vimm.s32 $0x3;
	s9 =	simm.s32 $0xF700;
	s26 =	simm.s32 $0xF780;
	[smem:$0x7F6] =	sst s20  }
0x1e3: {  	v5 =	vimm.s32 $0x4;
	v6 =	vimm.s32 $0x6;
	v7 =	vimm.s32 $0x8;
	s11 =	simm.s32 $0x10000;
	s12 =	simm.s32 $0x10080;
	[smem:$0x7F7] =	sst s22  }
0x1e4: {  	v8 =	vimm.s32 $0x9;
	v10 =	vimm.s32 $0xA;
	v11 =	vimm.s32 $0xB;
	s13 =	simm.s32 $0x10100;
	s14 =	simm.s32 $0xF980;
	[smem:$0x7F8] =	sst s23  }
0x1e5: {  	v12 =	vimm.s32 $0xC;
	v2 =	vmul.u32 $0x8, v9;
	v9 =	vmul.u32 $0x81, v9;
	s15 =	simm.s32 $0xFF80;
	s16 =	simm.s32 $0xFD80;
	[smem:$0x7F9] =	sst s24  }
0x1e6: {  	v13 =	vimm.s32 $0xD;
	v14 =	vimm.s32 $0xE;
	v27 =	vimm.s32 $0x5;
	s17 =	simm.s32 $0xFF00;
	s18 =	simm.s32 $0xD300;
	[smem:$0x7FA] =	sst s8  }
0x1e7: {  	v33 =	vimm.s32 $0x2;
	v39 =	vimm.s32 $0xF;
	v15 =	vadd.s32 $0x810, v9;
	s6 =	simm.s32 $0xD800;
	s7 =	simm.s32 $0xE380;
	[smem:$0x7FB] =	sst s25  }
0x1e8: {  	v16 =	vadd.s32 $0x1020, v9;
	v17 =	vadd.s32 $0x1830, v9;
	v18 =	vadd.s32 $0x2040, v9;
	s21 =	ssub.s32 s4, s19;
	s4 =	sadd.s32 $0x80, s3;
	[smem:$0x7FC] =	sst s9  }
0x1e9: {  	v19 =	vadd.s32 $0x2850, v9;
	v20 =	vadd.s32 $0x3060, v9;
	v21 =	vadd.s32 $0x3870, v9;
	s8 =	simm.s32 $0x2;
	s9 =	simm.s32 $0x200;
	[smem:$0x7FD] =	sst s26  }
0x1ea: {  	v22 =	vor.u32 $0x4000, v9;
	v23 =	vadd.s32 $0x4810, v9;
	v24 =	vadd.s32 $0x5020, v9;
	s19 =	simm.s32 $0xFE80;
	s20 =	simm.s32 $0xFD00;
	[smem:$0x7B4] =	sst s18  }
0x1eb: {  	v25 =	vadd.s32 $0x5830, v9;
	v26 =	vadd.s32 $0x6040, v9;
	v28 =	vadd.s32 $0x6850, v9;
	s22 =	simm.s32 $0xFA80;
	s23 =	simm.s32 $0xFB00;
	[smem:$0x7BE] =	sst s6  }
0x1ec: {  	v29 =	vadd.s32 $0x7060, v9;
	v30 =	vadd.s32 $0x7870, v9;
	v31 =	vor.u32 $0x8000, v9;
	s24 =	simm.s32 $0xFC00;
	s18 =	simm.s32 $0xDE00;
	[smem:$0x7D5] =	sst s7  }
0x1ed: {  	v32 =	vadd.s32 $0x8810, v9;
	v34 =	vadd.s32 $0x9020, v9;
	v35 =	vadd.s32 $0x9830, v9;
	s25 =	simm.s32 $0xFB80;
	s6 =	simm.s32 $0xE300;
	[smem:$0x7CA] =	sst s18  }
0x1ee: {  	v36 =	vadd.s32 $0xA040, v9;
	v37 =	vadd.s32 $0xA850, v9;
	v38 =	vadd.s32 $0xB060, v9;
	s26 =	simm.s32 $0xF800;
	s7 =	simm.s32 $0xEE00;
	[smem:$0x7D4] =	sst s6  }
0x1ef: {  	v40 =	vadd.s32 $0xB870, v9;
	v41 =	vor.u32 $0xC000, v9;
	v42 =	vadd.s32 $0xC810, v9;
	s18 =	simm.s32 $0xE900;
	[smem:$0x7EA] =	sst s7;
	s6 =	sadd.s32 $0x180, s3  }
0x1f0: {  	v43 =	vadd.s32 $0xD020, v9;
	v44 =	vadd.s32 $0xD830, v9;
	v45 =	vadd.s32 $0xE040, v9;
	s7 =	smax.u32 s21, $0x1;
	[smem:$0x7E0] =	sst s18;
	s18 =	simm.s32 $0xF380  }
0x1f1: {  	v46 =	vadd.s32 $0xE850, v9;
	v47 =	vadd.s32 $0xF060, v9;
	v48 =	vadd.s32 $0xF870, v9;
	s21 =	simm.s32 $0xFA00;
	[smem:$0x7F5] =	sst s18;
	s18 =	simm.s32 $0xFE00  }
.LBB2_1:
0x1f2: {  	s0 =	rddreg [dreg:$0x4]  }
0x1f3: {  	[tilespmem:s2], [sflag:$0x2] =	stream.linear.gather [hbm4b:s0+s2], $0x200, $0x38;
	[tilespmem:$0x10400] =	vst v63  }
0x1f4: {  	_ =	swait.ge [sflag:s8], $0x200  }
0x1f5: {  	[sflag:s8] =	ssyncset.done $0x0  }
0x1f6: {  	[sflag:s8] =	ssyncadd.s32 $0xFFFFFE00  }
0x1f7: {  	v49 =	vld [tilespmem:$0x0];
	_ =	sdelay $0x4  }
0x1f8: {  	v50 =	vshll.u32 v49, $0x7  }
0x1f9: {  	v49 =	vand.u32 $0x7, v49;
	v50 =	vand.u32 $0xFFFFFC00, v50  }
0x1fa: {  	v49 =	vor.u32 v49, v50  }
0x1fb: {  	v50 =	vperm.xlane v49, v1;
	_ =	sdelay $0x1  }
0x1fc: {  	v51 =	vperm.xlane v49, v3;
	v50 =	vadd.s32 v2, v50;
	_ =	sdelay $0x1  }
0x1fd: {  	v52 =	vperm.xlane v49, v33;
	v51 =	vadd.s32 v2, v51;
	_ =	sdelay $0x1  }
0x1fe: {  	v53 =	vperm.xlane v49, v4;
	v52 =	vadd.s32 v2, v52  }
0x1ff: {  	[tilespmem:s9], [sflag:$0x1] =	stream.indirect_vreg.gather [hbm4b:s3+s2], $0x80, v50, vm0, $0xb8;
	[tilespmem:$0x10400] =	vst v63  }
0x200: {  	s0 =	rddreg [dreg:$0x6];
	v63 =	vperm.xlane v49, v5;
	v62 =	vadd.s32 v2, v53  }
0x201: {  	[tilespmem:s0], [sflag:$0x1] =	stream.indirect_vreg.gather [hbm4b:s3+s2], $0x80, v51, vm0, $0xb8;
	[tilespmem:$0x10400] =	vst v63  }
0x202: {  	s10 =	rddreg [dreg:$0x7];
	v57 =	vperm.xlane v49, v27;
	v56 =	vadd.s32 v2, v63  }
0x203: {  	[tilespmem:s10], [sflag:$0x1] =	stream.indirect_vreg.gather [hbm4b:s3+s2], $0x80, v52, vm0, $0xb8;
	[tilespmem:$0x10400] =	vst v63  }
0x204: {  	v59 =	vperm.xlane v49, v6;
	v58 =	vadd.s32 v2, v57;
	s0 =	rddreg [dreg:$0x8]  }
0x205: {  	[tilespmem:s0], [sflag:$0x1] =	stream.indirect_vreg.gather [hbm4b:s3+s2], $0x80, v62, vm0, $0xb8;
	[tilespmem:$0x10400] =	vst v63  }
0x206: {  	v61 =	vperm.xlane v49, v0;
	v60 =	vadd.s32 v2, v59;
	s10 =	rddreg [dreg:$0x9]  }
0x207: {  	[tilespmem:s10], [sflag:$0x1] =	stream.indirect_vreg.gather [hbm4b:s3+s2], $0x80, v56, vm0, $0xb8;
	[tilespmem:$0x10400] =	vst v63  }
0x208: {  	v63 =	vperm.xlane v49, v7;
	s0 =	rddreg [dreg:$0xa];
	v62 =	vadd.s32 v2, v61  }
0x209: {  	[tilespmem:s0], [sflag:$0x1] =	stream.indirect_vreg.gather [hbm4b:s3+s2], $0x80, v58, vm0, $0xb8;
	[tilespmem:$0x10400] =	vst v63  }
0x20a: {  	v57 =	vperm.xlane v49, v8;
	s10 =	rddreg [dreg:$0xb];
	v56 =	vadd.s32 v2, v63  }
0x20b: {  	[tilespmem:s10], [sflag:$0x1] =	stream.indirect_vreg.gather [hbm4b:s3+s2], $0x80, v60, vm0, $0xb8;
	[tilespmem:$0x10400] =	vst v63  }
0x20c: {  	v59 =	vperm.xlane v49, v10;
	s0 =	rddreg [dreg:$0xc];
	v58 =	vadd.s32 v2, v57  }
0x20d: {  	[tilespmem:s0], [sflag:$0x1] =	stream.indirect_vreg.gather [hbm4b:s3+s2], $0x80, v62, vm0, $0xb8;
	[tilespmem:$0x10400] =	vst v63  }
0x20e: {  	v61 =	vperm.xlane v49, v11;
	s10 =	rddreg [dreg:$0xd];
	v60 =	vadd.s32 v2, v59  }
0x20f: {  	[tilespmem:s10], [sflag:$0x1] =	stream.indirect_vreg.gather [hbm4b:s3+s2], $0x80, v56, vm0, $0xb8;
	[tilespmem:$0x10400] =	vst v63  }
0x210: {  	v63 =	vperm.xlane v49, v12;
	s0 =	rddreg [dreg:$0xe];
	v62 =	vadd.s32 v2, v61  }
0x211: {  	[tilespmem:s0], [sflag:$0x1] =	stream.indirect_vreg.gather [hbm4b:s3+s2], $0x80, v58, vm0, $0xb8;
	[tilespmem:$0x10400] =	vst v63  }
0x212: {  	v57 =	vperm.xlane v49, v13;
	s10 =	rddreg [dreg:$0xf];
	v56 =	vadd.s32 v2, v63  }
0x213: {  	[tilespmem:s10], [sflag:$0x1] =	stream.indirect_vreg.gather [hbm4b:s3+s2], $0x80, v60, vm0, $0xb8;
	[tilespmem:$0x10400] =	vst v63  }
0x214: {  	v59 =	vperm.xlane v49, v14;
	s0 =	rddreg [dreg:$0x10];
	v58 =	vadd.s32 v2, v57  }
0x215: {  	[tilespmem:s0], [sflag:$0x1] =	stream.indirect_vreg.gather [hbm4b:s3+s2], $0x80, v62, vm0, $0xb8;
	[tilespmem:$0x10400] =	vst v63  }
0x216: {  	v49 =	vperm.xlane v49, v39;
	s10 =	rddreg [dreg:$0x11];
	v60 =	vadd.s32 v2, v59  }
0x217: {  	[tilespmem:s10], [sflag:$0x1] =	stream.indirect_vreg.gather [hbm4b:s3+s2], $0x80, v56, vm0, $0xb8;
	[tilespmem:$0x10400] =	vst v63  }
0x218: {  	v49 =	vadd.s32 v2, v49;
	s0 =	rddreg [dreg:$0x12]  }
0x219: {  	[tilespmem:s0], [sflag:$0x1] =	stream.indirect_vreg.gather [hbm4b:s3+s2], $0x80, v58, vm0, $0xb8;
	[tilespmem:$0x10400] =	vst v63  }
0x21a: {  	s10 =	rddreg [dreg:$0x13]  }
0x21b: {  	[tilespmem:s10], [sflag:$0x1] =	stream.indirect_vreg.gather [hbm4b:s3+s2], $0x80, v60, vm0, $0xb8;
	[tilespmem:$0x10400] =	vst v63  }
0x21c: {  	s0 =	rddreg [dreg:$0x14]  }
0x21d: {  	[tilespmem:s0], [sflag:$0x1] =	stream.indirect_vreg.gather [hbm4b:s3+s2], $0x80, v49, vm0, $0xb8;
	[tilespmem:$0x10400] =	vst v63  }
0x21e: {  	v49 =	vld [tilespmem:$0x10];
	_ =	sdelay $0x4  }
0x21f: {  	v61 =	vshll.u32 v49, $0x7  }
0x220: {  	v49 =	vand.u32 $0x7, v49;
	v50 =	vand.u32 $0xFFFFFC00, v61  }
0x221: {  	v49 =	vor.u32 v49, v50  }
0x222: {  	v50 =	vperm.xlane v49, v1;
	_ =	sdelay $0x1  }
0x223: {  	v62 =	vperm.xlane v49, v3;
	v50 =	vadd.s32 v2, v50;
	_ =	sdelay $0x1  }
0x224: {  	v63 =	vperm.xlane v49, v33;
	v51 =	vadd.s32 v2, v62  }
0x225: {  	s10 =	rddreg [dreg:$0x16]  }
0x226: {  	s0 =	rddreg [dreg:$0x15];
	v56 =	vperm.xlane v49, v4;
	v52 =	vadd.s32 v2, v63  }
0x227: {  	[tilespmem:s0], [sflag:$0x1] =	stream.indirect_vreg.gather [hbm4b:s3+s2], $0x80, v50, vm0, $0xb8;
	[tilespmem:$0x10400] =	vst v63  }
0x228: {  	v58 =	vperm.xlane v49, v5;
	v57 =	vadd.s32 v2, v56;
	s0 =	rddreg [dreg:$0x17]  }
0x229: {  	[tilespmem:s10], [sflag:$0x1] =	stream.indirect_vreg.gather [hbm4b:s3+s2], $0x80, v51, vm0, $0xb8;
	[tilespmem:$0x10400] =	vst v63  }
0x22a: {  	v60 =	vperm.xlane v49, v27;
	v59 =	vadd.s32 v2, v58;
	s10 =	rddreg [dreg:$0x18]  }
0x22b: {  	[tilespmem:s0], [sflag:$0x1] =	stream.indirect_vreg.gather [hbm4b:s3+s2], $0x80, v52, vm0, $0xb8;
	[tilespmem:$0x10400] =	vst v63  }
0x22c: {  	v61 =	vadd.s32 v2, v60;
	v62 =	vperm.xlane v49, v6;
	s0 =	rddreg [dreg:$0x19]  }
0x22d: {  	[tilespmem:s10], [sflag:$0x1] =	stream.indirect_vreg.gather [hbm4b:s3+s2], $0x80, v57, vm0, $0xb8;
	[tilespmem:$0x10400] =	vst v63  }
0x22e: {  	v56 =	vperm.xlane v49, v0;
	v63 =	vadd.s32 v2, v62;
	s10 =	rddreg [dreg:$0x1a]  }
0x22f: {  	[tilespmem:s0], [sflag:$0x1] =	stream.indirect_vreg.gather [hbm4b:s3+s2], $0x80, v59, vm0, $0xb8;
	[tilespmem:$0x10400] =	vst v63  }
0x230: {  	v58 =	vperm.xlane v49, v7;
	v57 =	vadd.s32 v2, v56;
	s0 =	rddreg [dreg:$0x1b]  }
0x231: {  	[tilespmem:s10], [sflag:$0x1] =	stream.indirect_vreg.gather [hbm4b:s3+s2], $0x80, v61, vm0, $0xb8;
	[tilespmem:$0x10400] =	vst v63  }
0x232: {  	v60 =	vperm.xlane v49, v8;
	v59 =	vadd.s32 v2, v58;
	s10 =	rddreg [dreg:$0x1c]  }
0x233: {  	[tilespmem:s0], [sflag:$0x1] =	stream.indirect_vreg.gather [hbm4b:s3+s2], $0x80, v63, vm0, $0xb8;
	[tilespmem:$0x10400] =	vst v63  }
0x234: {  	v62 =	vperm.xlane v49, v10;
	v61 =	vadd.s32 v2, v60;
	s0 =	rddreg [dreg:$0x1d]  }
0x235: {  	[tilespmem:s10], [sflag:$0x1] =	stream.indirect_vreg.gather [hbm4b:s3+s2], $0x80, v57, vm0, $0xb8;
	[tilespmem:$0x10400] =	vst v63  }
0x236: {  	v56 =	vperm.xlane v49, v11;
	v63 =	vadd.s32 v2, v62;
	s10 =	rddreg [dreg:$0x1e]  }
0x237: {  	[tilespmem:s0], [sflag:$0x1] =	stream.indirect_vreg.gather [hbm4b:s3+s2], $0x80, v59, vm0, $0xb8;
	[tilespmem:$0x10400] =	vst v63  }
0x238: {  	v58 =	vperm.xlane v49, v12;
	v57 =	vadd.s32 v2, v56;
	s0 =	rddreg [dreg:$0x1f]  }
0x239: {  	[tilespmem:s10], [sflag:$0x1] =	stream.indirect_vreg.gather [hbm4b:s3+s2], $0x80, v61, vm0, $0xb8;
	[tilespmem:$0x10400] =	vst v63  }
0x23a: {  	v60 =	vperm.xlane v49, v13;
	v59 =	vadd.s32 v2, v58;
	s10 =	sld [smem:$0x62D]  }
0x23b: {  	[tilespmem:s0], [sflag:$0x1] =	stream.indirect_vreg.gather [hbm4b:s3+s2], $0x80, v63, vm0, $0xb8;
	[tilespmem:$0x10400] =	vst v63  }
0x23c: {  	v62 =	vperm.xlane v49, v14;
	v61 =	vadd.s32 v2, v60;
	s0 =	sld [smem:$0x62E]  }
0x23d: {  	[tilespmem:s10], [sflag:$0x1] =	stream.indirect_vreg.gather [hbm4b:s3+s2], $0x80, v57, vm0, $0xb8;
	[tilespmem:$0x10400] =	vst v63  }
0x23e: {  	v49 =	vperm.xlane v49, v39;
	v63 =	vadd.s32 v2, v62;
	s10 =	sld [smem:$0x62F]  }
0x23f: {  	[tilespmem:s0], [sflag:$0x1] =	stream.indirect_vreg.gather [hbm4b:s3+s2], $0x80, v59, vm0, $0xb8;
	[tilespmem:$0x10400] =	vst v63  }
0x240: {  	v49 =	vadd.s32 v2, v49;
	s0 =	sld [smem:$0x630]  }
0x241: {  	[tilespmem:s10], [sflag:$0x1] =	stream.indirect_vreg.gather [hbm4b:s3+s2], $0x80, v61, vm0, $0xb8;
	[tilespmem:$0x10400] =	vst v63  }
0x242: {  	s10 =	sld [smem:$0x631]  }
0x243: {  	[tilespmem:s0], [sflag:$0x1] =	stream.indirect_vreg.gather [hbm4b:s3+s2], $0x80, v63, vm0, $0xb8;
	[tilespmem:$0x10400] =	vst v63  }
0x244: {  	_ = 	snop  }
0x245: {  	[tilespmem:s10], [sflag:$0x1] =	stream.indirect_vreg.gather [hbm4b:s3+s2], $0x80, v49, vm0, $0xb8;
	[tilespmem:$0x10400] =	vst v63  }
0x246: {  	v49 =	vld [tilespmem:$0x20];
	_ =	sdelay $0x4  }
0x247: {  	v55 =	vshll.u32 v49, $0x7  }
0x248: {  	v49 =	vand.u32 $0x7, v49;
	v50 =	vand.u32 $0xFFFFFC00, v55  }
0x249: {  	v49 =	vor.u32 v49, v50  }
0x24a: {  	v50 =	vperm.xlane v49, v1;
	_ =	sdelay $0x1  }
0x24b: {  	v56 =	vperm.xlane v49, v3;
	v50 =	vadd.s32 v2, v50;
	_ =	sdelay $0x1  }
0x24c: {  	s0 =	sld [smem:$0x632];
	v57 =	vperm.xlane v49, v33;
	v51 =	vadd.s32 v2, v56;
	_ =	sdelay $0x1  }
0x24d: {  	s10 =	sld [smem:$0x633];
	v58 =	vperm.xlane v49, v4;
	v52 =	vadd.s32 v2, v57  }
0x24e: {  	[tilespmem:s0], [sflag:$0x1] =	stream.indirect_vreg.gather [hbm4b:s3+s2], $0x80, v50, vm0, $0xb8;
	[tilespmem:$0x10400] =	vst v63  }
0x24f: {  	v60 =	vperm.xlane v49, v5;
	v59 =	vadd.s32 v2, v58;
	s0 =	sld [smem:$0x634]  }
0x250: {  	[tilespmem:s10], [sflag:$0x1] =	stream.indirect_vreg.gather [hbm4b:s3+s2], $0x80, v51, vm0, $0xb8;
	[tilespmem:$0x10400] =	vst v63  }
0x251: {  	v62 =	vperm.xlane v49, v27;
	v61 =	vadd.s32 v2, v60;
	s10 =	sld [smem:$0x635]  }
0x252: {  	[tilespmem:s0], [sflag:$0x1] =	stream.indirect_vreg.gather [hbm4b:s3+s2], $0x80, v52, vm0, $0xb8;
	[tilespmem:$0x10400] =	vst v63  }
0x253: {  	v63 =	vadd.s32 v2, v62;
	v56 =	vperm.xlane v49, v6;
	s0 =	sld [smem:$0x636]  }
0x254: {  	[tilespmem:s10], [sflag:$0x1] =	stream.indirect_vreg.gather [hbm4b:s3+s2], $0x80, v59, vm0, $0xb8;
	[tilespmem:$0x10400] =	vst v63  }
0x255: {  	v58 =	vperm.xlane v49, v0;
	v57 =	vadd.s32 v2, v56;
	s10 =	sld [smem:$0x637]  }
0x256: {  	[tilespmem:s0], [sflag:$0x1] =	stream.indirect_vreg.gather [hbm4b:s3+s2], $0x80, v61, vm0, $0xb8;
	[tilespmem:$0x10400] =	vst v63  }
0x257: {  	v60 =	vperm.xlane v49, v7;
	v59 =	vadd.s32 v2, v58;
	s0 =	sld [smem:$0x638]  }
0x258: {  	[tilespmem:s10], [sflag:$0x1] =	stream.indirect_vreg.gather [hbm4b:s3+s2], $0x80, v63, vm0, $0xb8;
	[tilespmem:$0x10400] =	vst v63  }
0x259: {  	v62 =	vperm.xlane v49, v8;
	v61 =	vadd.s32 v2, v60;
	s10 =	sld [smem:$0x639]  }
0x25a: {  	[tilespmem:s0], [sflag:$0x1] =	stream.indirect_vreg.gather [hbm4b:s3+s2], $0x80, v57, vm0, $0xb8;
	[tilespmem:$0x10400] =	vst v63  }
0x25b: {  	v56 =	vperm.xlane v49, v10;
	v63 =	vadd.s32 v2, v62;
	s0 =	sld [smem:$0x63A]  }
0x25c: {  	[tilespmem:s10], [sflag:$0x1] =	stream.indirect_vreg.gather [hbm4b:s3+s2], $0x80, v59, vm0, $0xb8;
	[tilespmem:$0x10400] =	vst v63  }
0x25d: {  	v58 =	vperm.xlane v49, v11;
	v57 =	vadd.s32 v2, v56;
	s10 =	sld [smem:$0x63B]  }
0x25e: {  	[tilespmem:s0], [sflag:$0x1] =	stream.indirect_vreg.gather [hbm4b:s3+s2], $0x80, v61, vm0, $0xb8;
	[tilespmem:$0x10400] =	vst v63  }
0x25f: {  	v60 =	vperm.xlane v49, v12;
	v59 =	vadd.s32 v2, v58;
	s0 =	sld [smem:$0x63C]  }
0x260: {  	[tilespmem:s10], [sflag:$0x1] =	stream.indirect_vreg.gather [hbm4b:s3+s2], $0x80, v63, vm0, $0xb8;
	[tilespmem:$0x10400] =	vst v63  }
0x261: {  	v62 =	vperm.xlane v49, v13;
	v61 =	vadd.s32 v2, v60;
	s10 =	sld [smem:$0x63D]  }
0x262: {  	[tilespmem:s0], [sflag:$0x1] =	stream.indirect_vreg.gather [hbm4b:s3+s2], $0x80, v57, vm0, $0xb8;
	[tilespmem:$0x10400] =	vst v63  }
0x263: {  	v56 =	vperm.xlane v49, v14;
	v63 =	vadd.s32 v2, v62;
	s0 =	sld [smem:$0x63E]  }
0x264: {  	[tilespmem:s10], [sflag:$0x1] =	stream.indirect_vreg.gather [hbm4b:s3+s2], $0x80, v59, vm0, $0xb8;
	[tilespmem:$0x10400] =	vst v63  }
0x265: {  	v49 =	vperm.xlane v49, v39;
	v57 =	vadd.s32 v2, v56;
	s10 =	sld [smem:$0x63F]  }
0x266: {  	[tilespmem:s0], [sflag:$0x1] =	stream.indirect_vreg.gather [hbm4b:s3+s2], $0x80, v61, vm0, $0xb8;
	[tilespmem:$0x10400] =	vst v63  }
0x267: {  	v49 =	vadd.s32 v2, v49;
	s0 =	sld [smem:$0x640]  }
0x268: {  	[tilespmem:s10], [sflag:$0x1] =	stream.indirect_vreg.gather [hbm4b:s3+s2], $0x80, v63, vm0, $0xb8;
	[tilespmem:$0x10400] =	vst v63  }
0x269: {  	s10 =	sld [smem:$0x641]  }
0x26a: {  	[tilespmem:s0], [sflag:$0x1] =	stream.indirect_vreg.gather [hbm4b:s3+s2], $0x80, v57, vm0, $0xb8;
	[tilespmem:$0x10400] =	vst v63  }
0x26b: {  	_ = 	snop  }
0x26c: {  	[tilespmem:s10], [sflag:$0x1] =	stream.indirect_vreg.gather [hbm4b:s3+s2], $0x80, v49, vm0, $0xb8;
	[tilespmem:$0x10400] =	vst v63  }
0x26d: {  	v49 =	vld [tilespmem:$0x30];
	_ =	sdelay $0x4  }
0x26e: {  	v58 =	vshll.u32 v49, $0x7  }
0x26f: {  	v49 =	vand.u32 $0x7, v49;
	v50 =	vand.u32 $0xFFFFFC00, v58  }
0x270: {  	v49 =	vor.u32 v49, v50  }
0x271: {  	v50 =	vperm.xlane v49, v1;
	_ =	sdelay $0x1  }
0x272: {  	v59 =	vperm.xlane v49, v3;
	v50 =	vadd.s32 v2, v50;
	_ =	sdelay $0x1  }
0x273: {  	s0 =	sld [smem:$0x642];
	v60 =	vperm.xlane v49, v33;
	v51 =	vadd.s32 v2, v59;
	_ =	sdelay $0x1  }
0x274: {  	s10 =	sld [smem:$0x643];
	v52 =	vadd.s32 v2, v60  }
0x275: {  	[tilespmem:s0], [sflag:$0x1] =	stream.indirect_vreg.gather [hbm4b:s3+s2], $0x80, v50, vm0, $0xb8;
	[tilespmem:$0x10400] =	vst v63  }
0x276: {  	v61 =	vperm.xlane v49, v4;
	s0 =	sld [smem:$0x644]  }
0x277: {  	[tilespmem:s10], [sflag:$0x1] =	stream.indirect_vreg.gather [hbm4b:s3+s2], $0x80, v51, vm0, $0xb8;
	[tilespmem:$0x10400] =	vst v63  }
0x278: {  	v62 =	vperm.xlane v49, v5;
	v50 =	vadd.s32 v2, v61  }
0x279: {  	[tilespmem:s0], [sflag:$0x1] =	stream.indirect_vreg.gather [hbm4b:s3+s2], $0x80, v52, vm0, $0xb8;
	[tilespmem:$0x10400] =	vst v63  }
0x27a: {  	v63 =	vperm.xlane v49, v27;
	v51 =	vadd.s32 v2, v62;
	s0 =	sld [smem:$0x645];
	_ =	sdelay $0x1  }
0x27b: {  	v56 =	vperm.xlane v49, v6;
	v52 =	vadd.s32 v2, v63;
	s10 =	sld [smem:$0x646]  }
0x27c: {  	[tilespmem:s0], [sflag:$0x1] =	stream.indirect_vreg.gather [hbm4b:s3+s2], $0x80, v50, vm0, $0xb8;
	[tilespmem:$0x10400] =	vst v63  }
0x27d: {  	v58 =	vperm.xlane v49, v0;
	v57 =	vadd.s32 v2, v56;
	s0 =	sld [smem:$0x647]  }
0x27e: {  	[tilespmem:s10], [sflag:$0x1] =	stream.indirect_vreg.gather [hbm4b:s3+s2], $0x80, v51, vm0, $0xb8;
	[tilespmem:$0x10400] =	vst v63  }
0x27f: {  	v59 =	vadd.s32 v2, v58;
	v60 =	vperm.xlane v49, v7;
	s10 =	sld [smem:$0x648]  }
0x280: {  	[tilespmem:s0], [sflag:$0x1] =	stream.indirect_vreg.gather [hbm4b:s3+s2], $0x80, v52, vm0, $0xb8;
	[tilespmem:$0x10400] =	vst v63  }
0x281: {  	v61 =	vadd.s32 v2, v60;
	v62 =	vperm.xlane v49, v8;
	s0 =	sld [smem:$0x649]  }
0x282: {  	[tilespmem:s10], [sflag:$0x1] =	stream.indirect_vreg.gather [hbm4b:s3+s2], $0x80, v57, vm0, $0xb8;
	[tilespmem:$0x10400] =	vst v63  }
0x283: {  	v56 =	vperm.xlane v49, v10;
	v63 =	vadd.s32 v2, v62;
	s10 =	sld [smem:$0x64A]  }
0x284: {  	[tilespmem:s0], [sflag:$0x1] =	stream.indirect_vreg.gather [hbm4b:s3+s2], $0x80, v59, vm0, $0xb8;
	[tilespmem:$0x10400] =	vst v63  }
0x285: {  	v58 =	vperm.xlane v49, v11;
	v57 =	vadd.s32 v2, v56;
	s0 =	sld [smem:$0x64B]  }
0x286: {  	[tilespmem:s10], [sflag:$0x1] =	stream.indirect_vreg.gather [hbm4b:s3+s2], $0x80, v61, vm0, $0xb8;
	[tilespmem:$0x10400] =	vst v63  }
0x287: {  	v60 =	vperm.xlane v49, v12;
	v59 =	vadd.s32 v2, v58;
	s10 =	sld [smem:$0x64C]  }
0x288: {  	[tilespmem:s0], [sflag:$0x1] =	stream.indirect_vreg.gather [hbm4b:s3+s2], $0x80, v63, vm0, $0xb8;
	[tilespmem:$0x10400] =	vst v63  }
0x289: {  	v62 =	vperm.xlane v49, v13;
	v61 =	vadd.s32 v2, v60;
	s0 =	sld [smem:$0x64D]  }
0x28a: {  	[tilespmem:s10], [sflag:$0x1] =	stream.indirect_vreg.gather [hbm4b:s3+s2], $0x80, v57, vm0, $0xb8;
	[tilespmem:$0x10400] =	vst v63  }
0x28b: {  	v56 =	vperm.xlane v49, v14;
	v63 =	vadd.s32 v2, v62;
	s10 =	sld [smem:$0x64E]  }
0x28c: {  	[tilespmem:s0], [sflag:$0x1] =	stream.indirect_vreg.gather [hbm4b:s3+s2], $0x80, v59, vm0, $0xb8;
	[tilespmem:$0x10400] =	vst v63  }
0x28d: {  	v49 =	vperm.xlane v49, v39;
	v57 =	vadd.s32 v2, v56;
	s0 =	sld [smem:$0x64F]  }
0x28e: {  	[tilespmem:s10], [sflag:$0x1] =	stream.indirect_vreg.gather [hbm4b:s3+s2], $0x80, v61, vm0, $0xb8;
	[tilespmem:$0x10400] =	vst v63  }
0x28f: {  	v49 =	vadd.s32 v2, v49;
	s10 =	sld [smem:$0x650]  }
0x290: {  	[tilespmem:s0], [sflag:$0x1] =	stream.indirect_vreg.gather [hbm4b:s3+s2], $0x80, v63, vm0, $0xb8;
	[tilespmem:$0x10400] =	vst v63  }
0x291: {  	s0 =	sld [smem:$0x651]  }
0x292: {  	[tilespmem:s10], [sflag:$0x1] =	stream.indirect_vreg.gather [hbm4b:s3+s2], $0x80, v57, vm0, $0xb8;
	[tilespmem:$0x10400] =	vst v63  }
0x293: {  	_ = 	snop  }
0x294: {  	[tilespmem:s0], [sflag:$0x1] =	stream.indirect_vreg.gather [hbm4b:s3+s2], $0x80, v49, vm0, $0xb8;
	[tilespmem:$0x10400] =	vst v63  }
0x295: {  	v49 =	vld [tilespmem:$0x40];
	_ =	sdelay $0x4  }
0x296: {  	v58 =	vshll.u32 v49, $0x7  }
0x297: {  	v49 =	vand.u32 $0x7, v49;
	v50 =	vand.u32 $0xFFFFFC00, v58  }
0x298: {  	v49 =	vor.u32 v49, v50  }
0x299: {  	v50 =	vperm.xlane v49, v1;
	_ =	sdelay $0x1  }
0x29a: {  	v59 =	vperm.xlane v49, v3;
	v50 =	vadd.s32 v2, v50;
	_ =	sdelay $0x1  }
0x29b: {  	s0 =	sld [smem:$0x652];
	v60 =	vperm.xlane v49, v33;
	v51 =	vadd.s32 v2, v59;
	_ =	sdelay $0x1  }
0x29c: {  	s10 =	sld [smem:$0x653];
	v61 =	vperm.xlane v49, v4;
	v52 =	vadd.s32 v2, v60  }
0x29d: {  	[tilespmem:s0], [sflag:$0x1] =	stream.indirect_vreg.gather [hbm4b:s3+s2], $0x80, v50, vm0, $0xb8;
	[tilespmem:$0x10400] =	vst v63  }
0x29e: {  	v63 =	vperm.xlane v49, v5;
	v62 =	vadd.s32 v2, v61;
	s0 =	sld [smem:$0x654]  }
0x29f: {  	[tilespmem:s10], [sflag:$0x1] =	stream.indirect_vreg.gather [hbm4b:s3+s2], $0x80, v51, vm0, $0xb8;
	[tilespmem:$0x10400] =	vst v63  }
0x2a0: {  	v57 =	vperm.xlane v49, v27;
	v56 =	vadd.s32 v2, v63;
	s10 =	sld [smem:$0x655]  }
0x2a1: {  	[tilespmem:s0], [sflag:$0x1] =	stream.indirect_vreg.gather [hbm4b:s3+s2], $0x80, v52, vm0, $0xb8;
	[tilespmem:$0x10400] =	vst v63  }
0x2a2: {  	v58 =	vadd.s32 v2, v57;
	v59 =	vperm.xlane v49, v6;
	s0 =	sld [smem:$0x656]  }
0x2a3: {  	[tilespmem:s10], [sflag:$0x1] =	stream.indirect_vreg.gather [hbm4b:s3+s2], $0x80, v62, vm0, $0xb8;
	[tilespmem:$0x10400] =	vst v63  }
0x2a4: {  	v61 =	vperm.xlane v49, v0;
	v60 =	vadd.s32 v2, v59;
	s10 =	sld [smem:$0x657]  }
0x2a5: {  	[tilespmem:s0], [sflag:$0x1] =	stream.indirect_vreg.gather [hbm4b:s3+s2], $0x80, v56, vm0, $0xb8;
	[tilespmem:$0x10400] =	vst v63  }
0x2a6: {  	v63 =	vperm.xlane v49, v7;
	v62 =	vadd.s32 v2, v61;
	s0 =	sld [smem:$0x658]  }
0x2a7: {  	[tilespmem:s10], [sflag:$0x1] =	stream.indirect_vreg.gather [hbm4b:s3+s2], $0x80, v58, vm0, $0xb8;
	[tilespmem:$0x10400] =	vst v63  }
0x2a8: {  	v57 =	vperm.xlane v49, v8;
	v56 =	vadd.s32 v2, v63;
	s10 =	sld [smem:$0x659]  }
0x2a9: {  	[tilespmem:s0], [sflag:$0x1] =	stream.indirect_vreg.gather [hbm4b:s3+s2], $0x80, v60, vm0, $0xb8;
	[tilespmem:$0x10400] =	vst v63  }
0x2aa: {  	v59 =	vperm.xlane v49, v10;
	v58 =	vadd.s32 v2, v57;
	s0 =	sld [smem:$0x65A]  }
0x2ab: {  	[tilespmem:s10], [sflag:$0x1] =	stream.indirect_vreg.gather [hbm4b:s3+s2], $0x80, v62, vm0, $0xb8;
	[tilespmem:$0x10400] =	vst v63  }
0x2ac: {  	v61 =	vperm.xlane v49, v11;
	v60 =	vadd.s32 v2, v59;
	s10 =	sld [smem:$0x65B]  }
0x2ad: {  	[tilespmem:s0], [sflag:$0x1] =	stream.indirect_vreg.gather [hbm4b:s3+s2], $0x80, v56, vm0, $0xb8;
	[tilespmem:$0x10400] =	vst v63  }
0x2ae: {  	v63 =	vperm.xlane v49, v12;
	v62 =	vadd.s32 v2, v61;
	s0 =	sld [smem:$0x65C]  }
0x2af: {  	[tilespmem:s10], [sflag:$0x1] =	stream.indirect_vreg.gather [hbm4b:s3+s2], $0x80, v58, vm0, $0xb8;
	[tilespmem:$0x10400] =	vst v63  }
0x2b0: {  	v57 =	vperm.xlane v49, v13;
	v56 =	vadd.s32 v2, v63;
	s10 =	sld [smem:$0x65D]  }
0x2b1: {  	[tilespmem:s0], [sflag:$0x1] =	stream.indirect_vreg.gather [hbm4b:s3+s2], $0x80, v60, vm0, $0xb8;
	[tilespmem:$0x10400] =	vst v63  }
0x2b2: {  	v59 =	vperm.xlane v49, v14;
	v58 =	vadd.s32 v2, v57;
	s0 =	sld [smem:$0x65E]  }
0x2b3: {  	[tilespmem:s10], [sflag:$0x1] =	stream.indirect_vreg.gather [hbm4b:s3+s2], $0x80, v62, vm0, $0xb8;
	[tilespmem:$0x10400] =	vst v63  }
0x2b4: {  	v49 =	vperm.xlane v49, v39;
	v60 =	vadd.s32 v2, v59;
	s10 =	sld [smem:$0x65F]  }
0x2b5: {  	[tilespmem:s0], [sflag:$0x1] =	stream.indirect_vreg.gather [hbm4b:s3+s2], $0x80, v56, vm0, $0xb8;
	[tilespmem:$0x10400] =	vst v63  }
0x2b6: {  	v49 =	vadd.s32 v2, v49;
	s0 =	sld [smem:$0x660]  }
0x2b7: {  	[tilespmem:s10], [sflag:$0x1] =	stream.indirect_vreg.gather [hbm4b:s3+s2], $0x80, v58, vm0, $0xb8;
	[tilespmem:$0x10400] =	vst v63  }
0x2b8: {  	s10 =	sld [smem:$0x661]  }
0x2b9: {  	[tilespmem:s0], [sflag:$0x1] =	stream.indirect_vreg.gather [hbm4b:s3+s2], $0x80, v60, vm0, $0xb8;
	[tilespmem:$0x10400] =	vst v63  }
0x2ba: {  	_ = 	snop  }
0x2bb: {  	[tilespmem:s10], [sflag:$0x1] =	stream.indirect_vreg.gather [hbm4b:s3+s2], $0x80, v49, vm0, $0xb8;
	[tilespmem:$0x10400] =	vst v63  }
0x2bc: {  	v49 =	vld [tilespmem:$0x50];
	_ =	sdelay $0x4  }
0x2bd: {  	v61 =	vshll.u32 v49, $0x7  }
0x2be: {  	v49 =	vand.u32 $0x7, v49;
	v50 =	vand.u32 $0xFFFFFC00, v61  }
0x2bf: {  	v49 =	vor.u32 v49, v50  }
0x2c0: {  	v50 =	vperm.xlane v49, v1;
	_ =	sdelay $0x1  }
0x2c1: {  	v62 =	vperm.xlane v49, v3;
	v50 =	vadd.s32 v2, v50;
	_ =	sdelay $0x1  }
0x2c2: {  	s0 =	sld [smem:$0x662];
	v63 =	vperm.xlane v49, v33;
	v51 =	vadd.s32 v2, v62;
	_ =	sdelay $0x1  }
0x2c3: {  	s10 =	sld [smem:$0x663];
	v56 =	vperm.xlane v49, v4;
	v52 =	vadd.s32 v2, v63  }
0x2c4: {  	[tilespmem:s0], [sflag:$0x1] =	stream.indirect_vreg.gather [hbm4b:s3+s2], $0x80, v50, vm0, $0xb8;
	[tilespmem:$0x10400] =	vst v63  }
0x2c5: {  	v58 =	vperm.xlane v49, v5;
	v57 =	vadd.s32 v2, v56;
	s0 =	sld [smem:$0x664]  }
0x2c6: {  	[tilespmem:s10], [sflag:$0x1] =	stream.indirect_vreg.gather [hbm4b:s3+s2], $0x80, v51, vm0, $0xb8;
	[tilespmem:$0x10400] =	vst v63  }
0x2c7: {  	v60 =	vperm.xlane v49, v27;
	v59 =	vadd.s32 v2, v58;
	s10 =	sld [smem:$0x665]  }
0x2c8: {  	[tilespmem:s0], [sflag:$0x1] =	stream.indirect_vreg.gather [hbm4b:s3+s2], $0x80, v52, vm0, $0xb8;
	[tilespmem:$0x10400] =	vst v63  }
0x2c9: {  	v61 =	vadd.s32 v2, v60;
	v62 =	vperm.xlane v49, v6;
	s0 =	sld [smem:$0x666]  }
0x2ca: {  	[tilespmem:s10], [sflag:$0x1] =	stream.indirect_vreg.gather [hbm4b:s3+s2], $0x80, v57, vm0, $0xb8;
	[tilespmem:$0x10400] =	vst v63  }
0x2cb: {  	v56 =	vperm.xlane v49, v0;
	v63 =	vadd.s32 v2, v62;
	s10 =	sld [smem:$0x667]  }
0x2cc: {  	[tilespmem:s0], [sflag:$0x1] =	stream.indirect_vreg.gather [hbm4b:s3+s2], $0x80, v59, vm0, $0xb8;
	[tilespmem:$0x10400] =	vst v63  }
0x2cd: {  	v58 =	vperm.xlane v49, v7;
	v57 =	vadd.s32 v2, v56;
	s0 =	sld [smem:$0x668]  }
0x2ce: {  	[tilespmem:s10], [sflag:$0x1] =	stream.indirect_vreg.gather [hbm4b:s3+s2], $0x80, v61, vm0, $0xb8;
	[tilespmem:$0x10400] =	vst v63  }
0x2cf: {  	v60 =	vperm.xlane v49, v8;
	v59 =	vadd.s32 v2, v58;
	s10 =	sld [smem:$0x669]  }
0x2d0: {  	[tilespmem:s0], [sflag:$0x1] =	stream.indirect_vreg.gather [hbm4b:s3+s2], $0x80, v63, vm0, $0xb8;
	[tilespmem:$0x10400] =	vst v63  }
0x2d1: {  	v62 =	vperm.xlane v49, v10;
	v61 =	vadd.s32 v2, v60;
	s0 =	sld [smem:$0x66A]  }
0x2d2: {  	[tilespmem:s10], [sflag:$0x1] =	stream.indirect_vreg.gather [hbm4b:s3+s2], $0x80, v57, vm0, $0xb8;
	[tilespmem:$0x10400] =	vst v63  }
0x2d3: {  	v56 =	vperm.xlane v49, v11;
	v63 =	vadd.s32 v2, v62;
	s10 =	sld [smem:$0x66B]  }
0x2d4: {  	[tilespmem:s0], [sflag:$0x1] =	stream.indirect_vreg.gather [hbm4b:s3+s2], $0x80, v59, vm0, $0xb8;
	[tilespmem:$0x10400] =	vst v63  }
0x2d5: {  	v58 =	vperm.xlane v49, v12;
	v57 =	vadd.s32 v2, v56;
	s0 =	sld [smem:$0x66C]  }
0x2d6: {  	[tilespmem:s10], [sflag:$0x1] =	stream.indirect_vreg.gather [hbm4b:s3+s2], $0x80, v61, vm0, $0xb8;
	[tilespmem:$0x10400] =	vst v63  }
0x2d7: {  	v60 =	vperm.xlane v49, v13;
	v59 =	vadd.s32 v2, v58;
	s10 =	sld [smem:$0x66D]  }
0x2d8: {  	[tilespmem:s0], [sflag:$0x1] =	stream.indirect_vreg.gather [hbm4b:s3+s2], $0x80, v63, vm0, $0xb8;
	[tilespmem:$0x10400] =	vst v63  }
0x2d9: {  	v62 =	vperm.xlane v49, v14;
	v61 =	vadd.s32 v2, v60;
	s0 =	sld [smem:$0x66E]  }
0x2da: {  	[tilespmem:s10], [sflag:$0x1] =	stream.indirect_vreg.gather [hbm4b:s3+s2], $0x80, v57, vm0, $0xb8;
	[tilespmem:$0x10400] =	vst v63  }
0x2db: {  	v49 =	vperm.xlane v49, v39;
	v63 =	vadd.s32 v2, v62;
	s10 =	sld [smem:$0x66F]  }
0x2dc: {  	[tilespmem:s0], [sflag:$0x1] =	stream.indirect_vreg.gather [hbm4b:s3+s2], $0x80, v59, vm0, $0xb8;
	[tilespmem:$0x10400] =	vst v63  }
0x2dd: {  	v49 =	vadd.s32 v2, v49;
	s0 =	sld [smem:$0x670]  }
0x2de: {  	[tilespmem:s10], [sflag:$0x1] =	stream.indirect_vreg.gather [hbm4b:s3+s2], $0x80, v61, vm0, $0xb8;
	[tilespmem:$0x10400] =	vst v63  }
0x2df: {  	s10 =	sld [smem:$0x671]  }
0x2e0: {  	[tilespmem:s0], [sflag:$0x1] =	stream.indirect_vreg.gather [hbm4b:s3+s2], $0x80, v63, vm0, $0xb8;
	[tilespmem:$0x10400] =	vst v63  }
0x2e1: {  	_ = 	snop  }
0x2e2: {  	[tilespmem:s10], [sflag:$0x1] =	stream.indirect_vreg.gather [hbm4b:s3+s2], $0x80, v49, vm0, $0xb8;
	[tilespmem:$0x10400] =	vst v63  }
0x2e3: {  	v49 =	vld [tilespmem:$0x60];
	_ =	sdelay $0x4  }
0x2e4: {  	v55 =	vshll.u32 v49, $0x7  }
0x2e5: {  	v49 =	vand.u32 $0x7, v49;
	v50 =	vand.u32 $0xFFFFFC00, v55  }
0x2e6: {  	v49 =	vor.u32 v49, v50  }
0x2e7: {  	v50 =	vperm.xlane v49, v1;
	_ =	sdelay $0x1  }
0x2e8: {  	v56 =	vperm.xlane v49, v3;
	v50 =	vadd.s32 v2, v50;
	_ =	sdelay $0x1  }
0x2e9: {  	s0 =	sld [smem:$0x672];
	v57 =	vperm.xlane v49, v33;
	v51 =	vadd.s32 v2, v56;
	_ =	sdelay $0x1  }
0x2ea: {  	s10 =	sld [smem:$0x673];
	v58 =	vperm.xlane v49, v4;
	v52 =	vadd.s32 v2, v57  }
0x2eb: {  	[tilespmem:s0], [sflag:$0x1] =	stream.indirect_vreg.gather [hbm4b:s3+s2], $0x80, v50, vm0, $0xb8;
	[tilespmem:$0x10400] =	vst v63  }
0x2ec: {  	v60 =	vperm.xlane v49, v5;
	v59 =	vadd.s32 v2, v58;
	s0 =	sld [smem:$0x674]  }
0x2ed: {  	[tilespmem:s10], [sflag:$0x1] =	stream.indirect_vreg.gather [hbm4b:s3+s2], $0x80, v51, vm0, $0xb8;
	[tilespmem:$0x10400] =	vst v63  }
0x2ee: {  	v62 =	vperm.xlane v49, v27;
	v61 =	vadd.s32 v2, v60;
	s10 =	sld [smem:$0x675]  }
0x2ef: {  	[tilespmem:s0], [sflag:$0x1] =	stream.indirect_vreg.gather [hbm4b:s3+s2], $0x80, v52, vm0, $0xb8;
	[tilespmem:$0x10400] =	vst v63  }
0x2f0: {  	v63 =	vadd.s32 v2, v62;
	v56 =	vperm.xlane v49, v6;
	s0 =	sld [smem:$0x676]  }
0x2f1: {  	[tilespmem:s10], [sflag:$0x1] =	stream.indirect_vreg.gather [hbm4b:s3+s2], $0x80, v59, vm0, $0xb8;
	[tilespmem:$0x10400] =	vst v63  }
0x2f2: {  	v58 =	vperm.xlane v49, v0;
	v57 =	vadd.s32 v2, v56;
	s10 =	sld [smem:$0x677]  }
0x2f3: {  	[tilespmem:s0], [sflag:$0x1] =	stream.indirect_vreg.gather [hbm4b:s3+s2], $0x80, v61, vm0, $0xb8;
	[tilespmem:$0x10400] =	vst v63  }
0x2f4: {  	v60 =	vperm.xlane v49, v7;
	v59 =	vadd.s32 v2, v58;
	s0 =	sld [smem:$0x678]  }
0x2f5: {  	[tilespmem:s10], [sflag:$0x1] =	stream.indirect_vreg.gather [hbm4b:s3+s2], $0x80, v63, vm0, $0xb8;
	[tilespmem:$0x10400] =	vst v63  }
0x2f6: {  	v62 =	vperm.xlane v49, v8;
	v61 =	vadd.s32 v2, v60;
	s10 =	sld [smem:$0x679]  }
0x2f7: {  	[tilespmem:s0], [sflag:$0x1] =	stream.indirect_vreg.gather [hbm4b:s3+s2], $0x80, v57, vm0, $0xb8;
	[tilespmem:$0x10400] =	vst v63  }
0x2f8: {  	v56 =	vperm.xlane v49, v10;
	v63 =	vadd.s32 v2, v62;
	s0 =	sld [smem:$0x67A]  }
0x2f9: {  	[tilespmem:s10], [sflag:$0x1] =	stream.indirect_vreg.gather [hbm4b:s3+s2], $0x80, v59, vm0, $0xb8;
	[tilespmem:$0x10400] =	vst v63  }
0x2fa: {  	v58 =	vperm.xlane v49, v11;
	v57 =	vadd.s32 v2, v56;
	s10 =	sld [smem:$0x67B]  }
0x2fb: {  	[tilespmem:s0], [sflag:$0x1] =	stream.indirect_vreg.gather [hbm4b:s3+s2], $0x80, v61, vm0, $0xb8;
	[tilespmem:$0x10400] =	vst v63  }
0x2fc: {  	v60 =	vperm.xlane v49, v12;
	v59 =	vadd.s32 v2, v58;
	s0 =	sld [smem:$0x67C]  }
0x2fd: {  	[tilespmem:s10], [sflag:$0x1] =	stream.indirect_vreg.gather [hbm4b:s3+s2], $0x80, v63, vm0, $0xb8;
	[tilespmem:$0x10400] =	vst v63  }
0x2fe: {  	v62 =	vperm.xlane v49, v13;
	v61 =	vadd.s32 v2, v60;
	s10 =	sld [smem:$0x67D]  }
0x2ff: {  	[tilespmem:s0], [sflag:$0x1] =	stream.indirect_vreg.gather [hbm4b:s3+s2], $0x80, v57, vm0, $0xb8;
	[tilespmem:$0x10400] =	vst v63  }
0x300: {  	v56 =	vperm.xlane v49, v14;
	v63 =	vadd.s32 v2, v62;
	s0 =	sld [smem:$0x67E]  }
0x301: {  	[tilespmem:s10], [sflag:$0x1] =	stream.indirect_vreg.gather [hbm4b:s3+s2], $0x80, v59, vm0, $0xb8;
	[tilespmem:$0x10400] =	vst v63  }
0x302: {  	v49 =	vperm.xlane v49, v39;
	v57 =	vadd.s32 v2, v56;
	s10 =	sld [smem:$0x67F]  }
0x303: {  	[tilespmem:s0], [sflag:$0x1] =	stream.indirect_vreg.gather [hbm4b:s3+s2], $0x80, v61, vm0, $0xb8;
	[tilespmem:$0x10400] =	vst v63  }
0x304: {  	v49 =	vadd.s32 v2, v49;
	s0 =	sld [smem:$0x680]  }
0x305: {  	[tilespmem:s10], [sflag:$0x1] =	stream.indirect_vreg.gather [hbm4b:s3+s2], $0x80, v63, vm0, $0xb8;
	[tilespmem:$0x10400] =	vst v63  }
0x306: {  	s10 =	sld [smem:$0x681]  }
0x307: {  	[tilespmem:s0], [sflag:$0x1] =	stream.indirect_vreg.gather [hbm4b:s3+s2], $0x80, v57, vm0, $0xb8;
	[tilespmem:$0x10400] =	vst v63  }
0x308: {  	_ = 	snop  }
0x309: {  	[tilespmem:s10], [sflag:$0x1] =	stream.indirect_vreg.gather [hbm4b:s3+s2], $0x80, v49, vm0, $0xb8;
	[tilespmem:$0x10400] =	vst v63  }
0x30a: {  	v49 =	vld [tilespmem:$0x70];
	_ =	sdelay $0x4  }
0x30b: {  	v58 =	vshll.u32 v49, $0x7  }
0x30c: {  	v49 =	vand.u32 $0x7, v49;
	v50 =	vand.u32 $0xFFFFFC00, v58  }
0x30d: {  	v49 =	vor.u32 v49, v50  }
0x30e: {  	v50 =	vperm.xlane v49, v1;
	_ =	sdelay $0x1  }
0x30f: {  	v59 =	vperm.xlane v49, v3;
	v50 =	vadd.s32 v2, v50;
	_ =	sdelay $0x1  }
0x310: {  	s0 =	sld [smem:$0x682];
	v60 =	vperm.xlane v49, v33;
	v51 =	vadd.s32 v2, v59;
	_ =	sdelay $0x1  }
0x311: {  	s10 =	sld [smem:$0x683];
	v61 =	vperm.xlane v49, v4;
	v52 =	vadd.s32 v2, v60  }
0x312: {  	[tilespmem:s0], [sflag:$0x1] =	stream.indirect_vreg.gather [hbm4b:s3+s2], $0x80, v50, vm0, $0xb8;
	[tilespmem:$0x10400] =	vst v63  }
0x313: {  	v63 =	vperm.xlane v49, v5;
	v62 =	vadd.s32 v2, v61;
	s0 =	sld [smem:$0x684]  }
0x314: {  	[tilespmem:s10], [sflag:$0x1] =	stream.indirect_vreg.gather [hbm4b:s3+s2], $0x80, v51, vm0, $0xb8;
	[tilespmem:$0x10400] =	vst v63  }
0x315: {  	v57 =	vperm.xlane v49, v27;
	v56 =	vadd.s32 v2, v63;
	s10 =	sld [smem:$0x685]  }
0x316: {  	[tilespmem:s0], [sflag:$0x1] =	stream.indirect_vreg.gather [hbm4b:s3+s2], $0x80, v52, vm0, $0xb8;
	[tilespmem:$0x10400] =	vst v63  }
0x317: {  	v58 =	vadd.s32 v2, v57;
	v59 =	vperm.xlane v49, v6;
	s0 =	sld [smem:$0x686]  }
0x318: {  	[tilespmem:s10], [sflag:$0x1] =	stream.indirect_vreg.gather [hbm4b:s3+s2], $0x80, v62, vm0, $0xb8;
	[tilespmem:$0x10400] =	vst v63  }
0x319: {  	v61 =	vperm.xlane v49, v0;
	v60 =	vadd.s32 v2, v59;
	s10 =	sld [smem:$0x687]  }
0x31a: {  	[tilespmem:s0], [sflag:$0x1] =	stream.indirect_vreg.gather [hbm4b:s3+s2], $0x80, v56, vm0, $0xb8;
	[tilespmem:$0x10400] =	vst v63  }
0x31b: {  	v63 =	vperm.xlane v49, v7;
	v62 =	vadd.s32 v2, v61;
	s0 =	sld [smem:$0x688]  }
0x31c: {  	[tilespmem:s10], [sflag:$0x1] =	stream.indirect_vreg.gather [hbm4b:s3+s2], $0x80, v58, vm0, $0xb8;
	[tilespmem:$0x10400] =	vst v63  }
0x31d: {  	v57 =	vperm.xlane v49, v8;
	v56 =	vadd.s32 v2, v63;
	s10 =	sld [smem:$0x689]  }
0x31e: {  	[tilespmem:s0], [sflag:$0x1] =	stream.indirect_vreg.gather [hbm4b:s3+s2], $0x80, v60, vm0, $0xb8;
	[tilespmem:$0x10400] =	vst v63  }
0x31f: {  	v59 =	vperm.xlane v49, v10;
	v58 =	vadd.s32 v2, v57;
	s0 =	sld [smem:$0x68A]  }
0x320: {  	[tilespmem:s10], [sflag:$0x1] =	stream.indirect_vreg.gather [hbm4b:s3+s2], $0x80, v62, vm0, $0xb8;
	[tilespmem:$0x10400] =	vst v63  }
0x321: {  	v61 =	vperm.xlane v49, v11;
	v60 =	vadd.s32 v2, v59;
	s10 =	sld [smem:$0x68B]  }
0x322: {  	[tilespmem:s0], [sflag:$0x1] =	stream.indirect_vreg.gather [hbm4b:s3+s2], $0x80, v56, vm0, $0xb8;
	[tilespmem:$0x10400] =	vst v63  }
0x323: {  	v63 =	vperm.xlane v49, v12;
	v62 =	vadd.s32 v2, v61;
	s0 =	sld [smem:$0x68C]  }
0x324: {  	[tilespmem:s10], [sflag:$0x1] =	stream.indirect_vreg.gather [hbm4b:s3+s2], $0x80, v58, vm0, $0xb8;
	[tilespmem:$0x10400] =	vst v63  }
0x325: {  	v57 =	vperm.xlane v49, v13;
	v56 =	vadd.s32 v2, v63;
	s10 =	sld [smem:$0x68D]  }
0x326: {  	[tilespmem:s0], [sflag:$0x1] =	stream.indirect_vreg.gather [hbm4b:s3+s2], $0x80, v60, vm0, $0xb8;
	[tilespmem:$0x10400] =	vst v63  }
0x327: {  	v59 =	vperm.xlane v49, v14;
	v58 =	vadd.s32 v2, v57;
	s0 =	sld [smem:$0x68E]  }
0x328: {  	[tilespmem:s10], [sflag:$0x1] =	stream.indirect_vreg.gather [hbm4b:s3+s2], $0x80, v62, vm0, $0xb8;
	[tilespmem:$0x10400] =	vst v63  }
0x329: {  	v49 =	vperm.xlane v49, v39;
	v60 =	vadd.s32 v2, v59;
	s10 =	sld [smem:$0x68F]  }
0x32a: {  	[tilespmem:s0], [sflag:$0x1] =	stream.indirect_vreg.gather [hbm4b:s3+s2], $0x80, v56, vm0, $0xb8;
	[tilespmem:$0x10400] =	vst v63  }
0x32b: {  	v49 =	vadd.s32 v2, v49;
	s0 =	sld [smem:$0x690]  }
0x32c: {  	[tilespmem:s10], [sflag:$0x1] =	stream.indirect_vreg.gather [hbm4b:s3+s2], $0x80, v58, vm0, $0xb8;
	[tilespmem:$0x10400] =	vst v63  }
0x32d: {  	s10 =	sld [smem:$0x691]  }
0x32e: {  	[tilespmem:s0], [sflag:$0x1] =	stream.indirect_vreg.gather [hbm4b:s3+s2], $0x80, v60, vm0, $0xb8;
	[tilespmem:$0x10400] =	vst v63  }
0x32f: {  	_ = 	snop  }
0x330: {  	[tilespmem:s10], [sflag:$0x1] =	stream.indirect_vreg.gather [hbm4b:s3+s2], $0x80, v49, vm0, $0xb8;
	[tilespmem:$0x10400] =	vst v63  }
0x331: {  	v49 =	vld [tilespmem:$0x80];
	_ =	sdelay $0x4  }
0x332: {  	v61 =	vshll.u32 v49, $0x7  }
0x333: {  	v49 =	vand.u32 $0x7, v49;
	v50 =	vand.u32 $0xFFFFFC00, v61  }
0x334: {  	v49 =	vor.u32 v49, v50  }
0x335: {  	v50 =	vperm.xlane v49, v1;
	_ =	sdelay $0x1  }
0x336: {  	v62 =	vperm.xlane v49, v3;
	v50 =	vadd.s32 v2, v50;
	_ =	sdelay $0x1  }
0x337: {  	s0 =	sld [smem:$0x692];
	v63 =	vperm.xlane v49, v33;
	v51 =	vadd.s32 v2, v62;
	_ =	sdelay $0x1  }
0x338: {  	s10 =	sld [smem:$0x693];
	v56 =	vperm.xlane v49, v4;
	v52 =	vadd.s32 v2, v63  }
0x339: {  	[tilespmem:s0], [sflag:$0x1] =	stream.indirect_vreg.gather [hbm4b:s4+s2], $0x80, v50, vm0, $0xb8;
	[tilespmem:$0x10400] =	vst v63  }
0x33a: {  	v58 =	vperm.xlane v49, v5;
	v57 =	vadd.s32 v2, v56;
	s0 =	sld [smem:$0x694]  }
0x33b: {  	[tilespmem:s10], [sflag:$0x1] =	stream.indirect_vreg.gather [hbm4b:s4+s2], $0x80, v51, vm0, $0xb8;
	[tilespmem:$0x10400] =	vst v63  }
0x33c: {  	v60 =	vperm.xlane v49, v27;
	v59 =	vadd.s32 v2, v58;
	s10 =	sld [smem:$0x695]  }
0x33d: {  	[tilespmem:s0], [sflag:$0x1] =	stream.indirect_vreg.gather [hbm4b:s4+s2], $0x80, v52, vm0, $0xb8;
	[tilespmem:$0x10400] =	vst v63  }
0x33e: {  	v61 =	vadd.s32 v2, v60;
	v62 =	vperm.xlane v49, v6;
	s0 =	sld [smem:$0x696]  }
0x33f: {  	[tilespmem:s10], [sflag:$0x1] =	stream.indirect_vreg.gather [hbm4b:s4+s2], $0x80, v57, vm0, $0xb8;
	[tilespmem:$0x10400] =	vst v63  }
0x340: {  	v56 =	vperm.xlane v49, v0;
	v63 =	vadd.s32 v2, v62;
	s10 =	sld [smem:$0x697]  }
0x341: {  	[tilespmem:s0], [sflag:$0x1] =	stream.indirect_vreg.gather [hbm4b:s4+s2], $0x80, v59, vm0, $0xb8;
	[tilespmem:$0x10400] =	vst v63  }
0x342: {  	v58 =	vperm.xlane v49, v7;
	v57 =	vadd.s32 v2, v56;
	s0 =	sld [smem:$0x698]  }
0x343: {  	[tilespmem:s10], [sflag:$0x1] =	stream.indirect_vreg.gather [hbm4b:s4+s2], $0x80, v61, vm0, $0xb8;
	[tilespmem:$0x10400] =	vst v63  }
0x344: {  	v60 =	vperm.xlane v49, v8;
	v59 =	vadd.s32 v2, v58;
	s10 =	sld [smem:$0x699]  }
0x345: {  	[tilespmem:s0], [sflag:$0x1] =	stream.indirect_vreg.gather [hbm4b:s4+s2], $0x80, v63, vm0, $0xb8;
	[tilespmem:$0x10400] =	vst v63  }
0x346: {  	v62 =	vperm.xlane v49, v10;
	v61 =	vadd.s32 v2, v60;
	s0 =	sld [smem:$0x69A]  }
0x347: {  	[tilespmem:s10], [sflag:$0x1] =	stream.indirect_vreg.gather [hbm4b:s4+s2], $0x80, v57, vm0, $0xb8;
	[tilespmem:$0x10400] =	vst v63  }
0x348: {  	v56 =	vperm.xlane v49, v11;
	v63 =	vadd.s32 v2, v62;
	s10 =	sld [smem:$0x69B]  }
0x349: {  	[tilespmem:s0], [sflag:$0x1] =	stream.indirect_vreg.gather [hbm4b:s4+s2], $0x80, v59, vm0, $0xb8;
	[tilespmem:$0x10400] =	vst v63  }
0x34a: {  	v58 =	vperm.xlane v49, v12;
	v57 =	vadd.s32 v2, v56;
	s0 =	sld [smem:$0x69C]  }
0x34b: {  	[tilespmem:s10], [sflag:$0x1] =	stream.indirect_vreg.gather [hbm4b:s4+s2], $0x80, v61, vm0, $0xb8;
	[tilespmem:$0x10400] =	vst v63  }
0x34c: {  	v60 =	vperm.xlane v49, v13;
	v59 =	vadd.s32 v2, v58;
	s10 =	sld [smem:$0x69D]  }
0x34d: {  	[tilespmem:s0], [sflag:$0x1] =	stream.indirect_vreg.gather [hbm4b:s4+s2], $0x80, v63, vm0, $0xb8;
	[tilespmem:$0x10400] =	vst v63  }
0x34e: {  	v62 =	vperm.xlane v49, v14;
	v61 =	vadd.s32 v2, v60;
	s0 =	sld [smem:$0x69E]  }
0x34f: {  	[tilespmem:s10], [sflag:$0x1] =	stream.indirect_vreg.gather [hbm4b:s4+s2], $0x80, v57, vm0, $0xb8;
	[tilespmem:$0x10400] =	vst v63  }
0x350: {  	v49 =	vperm.xlane v49, v39;
	v63 =	vadd.s32 v2, v62;
	s10 =	sld [smem:$0x69F]  }
0x351: {  	[tilespmem:s0], [sflag:$0x1] =	stream.indirect_vreg.gather [hbm4b:s4+s2], $0x80, v59, vm0, $0xb8;
	[tilespmem:$0x10400] =	vst v63  }
0x352: {  	v49 =	vadd.s32 v2, v49;
	s0 =	sld [smem:$0x6A0]  }
0x353: {  	[tilespmem:s10], [sflag:$0x1] =	stream.indirect_vreg.gather [hbm4b:s4+s2], $0x80, v61, vm0, $0xb8;
	[tilespmem:$0x10400] =	vst v63  }
0x354: {  	s10 =	sld [smem:$0x6A1]  }
0x355: {  	[tilespmem:s0], [sflag:$0x1] =	stream.indirect_vreg.gather [hbm4b:s4+s2], $0x80, v63, vm0, $0xb8;
	[tilespmem:$0x10400] =	vst v63  }
0x356: {  	_ = 	snop  }
0x357: {  	[tilespmem:s10], [sflag:$0x1] =	stream.indirect_vreg.gather [hbm4b:s4+s2], $0x80, v49, vm0, $0xb8;
	[tilespmem:$0x10400] =	vst v63  }
0x358: {  	v49 =	vld [tilespmem:$0x90];
	_ =	sdelay $0x4  }
0x359: {  	v55 =	vshll.u32 v49, $0x7  }
0x35a: {  	v49 =	vand.u32 $0x7, v49;
	v50 =	vand.u32 $0xFFFFFC00, v55  }
0x35b: {  	v49 =	vor.u32 v49, v50  }
0x35c: {  	v50 =	vperm.xlane v49, v1;
	_ =	sdelay $0x1  }
0x35d: {  	v56 =	vperm.xlane v49, v3;
	v50 =	vadd.s32 v2, v50;
	_ =	sdelay $0x1  }
0x35e: {  	s0 =	sld [smem:$0x6A2];
	v57 =	vperm.xlane v49, v33;
	v51 =	vadd.s32 v2, v56;
	_ =	sdelay $0x1  }
0x35f: {  	s10 =	sld [smem:$0x6A3];
	v58 =	vperm.xlane v49, v4;
	v52 =	vadd.s32 v2, v57  }
0x360: {  	[tilespmem:s0], [sflag:$0x1] =	stream.indirect_vreg.gather [hbm4b:s4+s2], $0x80, v50, vm0, $0xb8;
	[tilespmem:$0x10400] =	vst v63  }
0x361: {  	v60 =	vperm.xlane v49, v5;
	v59 =	vadd.s32 v2, v58;
	s0 =	sld [smem:$0x6A4]  }
0x362: {  	[tilespmem:s10], [sflag:$0x1] =	stream.indirect_vreg.gather [hbm4b:s4+s2], $0x80, v51, vm0, $0xb8;
	[tilespmem:$0x10400] =	vst v63  }
0x363: {  	v62 =	vperm.xlane v49, v27;
	v61 =	vadd.s32 v2, v60;
	s10 =	sld [smem:$0x6A5]  }
0x364: {  	[tilespmem:s0], [sflag:$0x1] =	stream.indirect_vreg.gather [hbm4b:s4+s2], $0x80, v52, vm0, $0xb8;
	[tilespmem:$0x10400] =	vst v63  }
0x365: {  	v63 =	vadd.s32 v2, v62;
	v56 =	vperm.xlane v49, v6;
	s0 =	sld [smem:$0x6A6]  }
0x366: {  	[tilespmem:s10], [sflag:$0x1] =	stream.indirect_vreg.gather [hbm4b:s4+s2], $0x80, v59, vm0, $0xb8;
	[tilespmem:$0x10400] =	vst v63  }
0x367: {  	v58 =	vperm.xlane v49, v0;
	v57 =	vadd.s32 v2, v56;
	s10 =	sld [smem:$0x6A7]  }
0x368: {  	[tilespmem:s0], [sflag:$0x1] =	stream.indirect_vreg.gather [hbm4b:s4+s2], $0x80, v61, vm0, $0xb8;
	[tilespmem:$0x10400] =	vst v63  }
0x369: {  	v60 =	vperm.xlane v49, v7;
	v59 =	vadd.s32 v2, v58;
	s0 =	sld [smem:$0x6A8]  }
0x36a: {  	[tilespmem:s10], [sflag:$0x1] =	stream.indirect_vreg.gather [hbm4b:s4+s2], $0x80, v63, vm0, $0xb8;
	[tilespmem:$0x10400] =	vst v63  }
0x36b: {  	v62 =	vperm.xlane v49, v8;
	v61 =	vadd.s32 v2, v60;
	s10 =	sld [smem:$0x6A9]  }
0x36c: {  	[tilespmem:s0], [sflag:$0x1] =	stream.indirect_vreg.gather [hbm4b:s4+s2], $0x80, v57, vm0, $0xb8;
	[tilespmem:$0x10400] =	vst v63  }
0x36d: {  	v56 =	vperm.xlane v49, v10;
	v63 =	vadd.s32 v2, v62;
	s0 =	sld [smem:$0x6AA]  }
0x36e: {  	[tilespmem:s10], [sflag:$0x1] =	stream.indirect_vreg.gather [hbm4b:s4+s2], $0x80, v59, vm0, $0xb8;
	[tilespmem:$0x10400] =	vst v63  }
0x36f: {  	v58 =	vperm.xlane v49, v11;
	v57 =	vadd.s32 v2, v56;
	s10 =	sld [smem:$0x6AB]  }
0x370: {  	[tilespmem:s0], [sflag:$0x1] =	stream.indirect_vreg.gather [hbm4b:s4+s2], $0x80, v61, vm0, $0xb8;
	[tilespmem:$0x10400] =	vst v63  }
0x371: {  	v60 =	vperm.xlane v49, v12;
	v59 =	vadd.s32 v2, v58;
	s0 =	sld [smem:$0x6AC]  }
0x372: {  	[tilespmem:s10], [sflag:$0x1] =	stream.indirect_vreg.gather [hbm4b:s4+s2], $0x80, v63, vm0, $0xb8;
	[tilespmem:$0x10400] =	vst v63  }
0x373: {  	v62 =	vperm.xlane v49, v13;
	v61 =	vadd.s32 v2, v60;
	s10 =	sld [smem:$0x6AD]  }
0x374: {  	[tilespmem:s0], [sflag:$0x1] =	stream.indirect_vreg.gather [hbm4b:s4+s2], $0x80, v57, vm0, $0xb8;
	[tilespmem:$0x10400] =	vst v63  }
0x375: {  	v56 =	vperm.xlane v49, v14;
	v63 =	vadd.s32 v2, v62;
	s0 =	sld [smem:$0x6AE]  }
0x376: {  	[tilespmem:s10], [sflag:$0x1] =	stream.indirect_vreg.gather [hbm4b:s4+s2], $0x80, v59, vm0, $0xb8;
	[tilespmem:$0x10400] =	vst v63  }
0x377: {  	v49 =	vperm.xlane v49, v39;
	v57 =	vadd.s32 v2, v56;
	s10 =	sld [smem:$0x6AF]  }
0x378: {  	[tilespmem:s0], [sflag:$0x1] =	stream.indirect_vreg.gather [hbm4b:s4+s2], $0x80, v61, vm0, $0xb8;
	[tilespmem:$0x10400] =	vst v63  }
0x379: {  	v49 =	vadd.s32 v2, v49;
	s0 =	sld [smem:$0x6B0]  }
0x37a: {  	[tilespmem:s10], [sflag:$0x1] =	stream.indirect_vreg.gather [hbm4b:s4+s2], $0x80, v63, vm0, $0xb8;
	[tilespmem:$0x10400] =	vst v63  }
0x37b: {  	s10 =	sld [smem:$0x6B1]  }
0x37c: {  	[tilespmem:s0], [sflag:$0x1] =	stream.indirect_vreg.gather [hbm4b:s4+s2], $0x80, v57, vm0, $0xb8;
	[tilespmem:$0x10400] =	vst v63  }
0x37d: {  	_ = 	snop  }
0x37e: {  	[tilespmem:s10], [sflag:$0x1] =	stream.indirect_vreg.gather [hbm4b:s4+s2], $0x80, v49, vm0, $0xb8;
	[tilespmem:$0x10400] =	vst v63  }
0x37f: {  	v49 =	vld [tilespmem:$0xA0];
	_ =	sdelay $0x4  }
0x380: {  	v58 =	vshll.u32 v49, $0x7  }
0x381: {  	v49 =	vand.u32 $0x7, v49;
	v50 =	vand.u32 $0xFFFFFC00, v58  }
0x382: {  	v49 =	vor.u32 v49, v50  }
0x383: {  	v50 =	vperm.xlane v49, v1;
	_ =	sdelay $0x1  }
0x384: {  	v59 =	vperm.xlane v49, v3;
	v50 =	vadd.s32 v2, v50;
	_ =	sdelay $0x1  }
0x385: {  	s0 =	sld [smem:$0x6B2];
	v60 =	vperm.xlane v49, v33;
	v51 =	vadd.s32 v2, v59;
	_ =	sdelay $0x1  }
0x386: {  	s10 =	sld [smem:$0x6B3];
	v61 =	vperm.xlane v49, v4;
	v52 =	vadd.s32 v2, v60  }
0x387: {  	[tilespmem:s0], [sflag:$0x1] =	stream.indirect_vreg.gather [hbm4b:s4+s2], $0x80, v50, vm0, $0xb8;
	[tilespmem:$0x10400] =	vst v63  }
0x388: {  	v63 =	vperm.xlane v49, v5;
	v62 =	vadd.s32 v2, v61;
	s0 =	sld [smem:$0x6B4]  }
0x389: {  	[tilespmem:s10], [sflag:$0x1] =	stream.indirect_vreg.gather [hbm4b:s4+s2], $0x80, v51, vm0, $0xb8;
	[tilespmem:$0x10400] =	vst v63  }
0x38a: {  	v57 =	vperm.xlane v49, v27;
	v56 =	vadd.s32 v2, v63;
	s10 =	sld [smem:$0x6B5]  }
0x38b: {  	[tilespmem:s0], [sflag:$0x1] =	stream.indirect_vreg.gather [hbm4b:s4+s2], $0x80, v52, vm0, $0xb8;
	[tilespmem:$0x10400] =	vst v63  }
0x38c: {  	v58 =	vadd.s32 v2, v57;
	v59 =	vperm.xlane v49, v6;
	s0 =	sld [smem:$0x6B6]  }
0x38d: {  	[tilespmem:s10], [sflag:$0x1] =	stream.indirect_vreg.gather [hbm4b:s4+s2], $0x80, v62, vm0, $0xb8;
	[tilespmem:$0x10400] =	vst v63  }
0x38e: {  	v61 =	vperm.xlane v49, v0;
	v60 =	vadd.s32 v2, v59;
	s10 =	sld [smem:$0x6B7]  }
0x38f: {  	[tilespmem:s0], [sflag:$0x1] =	stream.indirect_vreg.gather [hbm4b:s4+s2], $0x80, v56, vm0, $0xb8;
	[tilespmem:$0x10400] =	vst v63  }
0x390: {  	v63 =	vperm.xlane v49, v7;
	v62 =	vadd.s32 v2, v61;
	s0 =	sld [smem:$0x6B8]  }
0x391: {  	[tilespmem:s10], [sflag:$0x1] =	stream.indirect_vreg.gather [hbm4b:s4+s2], $0x80, v58, vm0, $0xb8;
	[tilespmem:$0x10400] =	vst v63  }
0x392: {  	v57 =	vperm.xlane v49, v8;
	v56 =	vadd.s32 v2, v63;
	s10 =	sld [smem:$0x6B9]  }
0x393: {  	[tilespmem:s0], [sflag:$0x1] =	stream.indirect_vreg.gather [hbm4b:s4+s2], $0x80, v60, vm0, $0xb8;
	[tilespmem:$0x10400] =	vst v63  }
0x394: {  	v59 =	vperm.xlane v49, v10;
	v58 =	vadd.s32 v2, v57;
	s0 =	sld [smem:$0x6BA]  }
0x395: {  	[tilespmem:s10], [sflag:$0x1] =	stream.indirect_vreg.gather [hbm4b:s4+s2], $0x80, v62, vm0, $0xb8;
	[tilespmem:$0x10400] =	vst v63  }
0x396: {  	v61 =	vperm.xlane v49, v11;
	v60 =	vadd.s32 v2, v59;
	s10 =	sld [smem:$0x6BB]  }
0x397: {  	[tilespmem:s0], [sflag:$0x1] =	stream.indirect_vreg.gather [hbm4b:s4+s2], $0x80, v56, vm0, $0xb8;
	[tilespmem:$0x10400] =	vst v63  }
0x398: {  	v63 =	vperm.xlane v49, v12;
	v62 =	vadd.s32 v2, v61;
	s0 =	sld [smem:$0x6BC]  }
0x399: {  	[tilespmem:s10], [sflag:$0x1] =	stream.indirect_vreg.gather [hbm4b:s4+s2], $0x80, v58, vm0, $0xb8;
	[tilespmem:$0x10400] =	vst v63  }
0x39a: {  	v57 =	vperm.xlane v49, v13;
	v56 =	vadd.s32 v2, v63;
	s10 =	sld [smem:$0x6BD]  }
0x39b: {  	[tilespmem:s0], [sflag:$0x1] =	stream.indirect_vreg.gather [hbm4b:s4+s2], $0x80, v60, vm0, $0xb8;
	[tilespmem:$0x10400] =	vst v63  }
0x39c: {  	v59 =	vperm.xlane v49, v14;
	v58 =	vadd.s32 v2, v57;
	s0 =	sld [smem:$0x6BE]  }
0x39d: {  	[tilespmem:s10], [sflag:$0x1] =	stream.indirect_vreg.gather [hbm4b:s4+s2], $0x80, v62, vm0, $0xb8;
	[tilespmem:$0x10400] =	vst v63  }
0x39e: {  	v49 =	vperm.xlane v49, v39;
	v60 =	vadd.s32 v2, v59;
	s10 =	sld [smem:$0x6BF]  }
0x39f: {  	[tilespmem:s0], [sflag:$0x1] =	stream.indirect_vreg.gather [hbm4b:s4+s2], $0x80, v56, vm0, $0xb8;
	[tilespmem:$0x10400] =	vst v63  }
0x3a0: {  	v49 =	vadd.s32 v2, v49;
	s0 =	sld [smem:$0x6C0]  }
0x3a1: {  	[tilespmem:s10], [sflag:$0x1] =	stream.indirect_vreg.gather [hbm4b:s4+s2], $0x80, v58, vm0, $0xb8;
	[tilespmem:$0x10400] =	vst v63  }
0x3a2: {  	s10 =	sld [smem:$0x6C1]  }
0x3a3: {  	[tilespmem:s0], [sflag:$0x1] =	stream.indirect_vreg.gather [hbm4b:s4+s2], $0x80, v60, vm0, $0xb8;
	[tilespmem:$0x10400] =	vst v63  }
0x3a4: {  	_ = 	snop  }
0x3a5: {  	[tilespmem:s10], [sflag:$0x1] =	stream.indirect_vreg.gather [hbm4b:s4+s2], $0x80, v49, vm0, $0xb8;
	[tilespmem:$0x10400] =	vst v63  }
0x3a6: {  	v49 =	vld [tilespmem:$0xB0];
	_ =	sdelay $0x4  }
0x3a7: {  	v61 =	vshll.u32 v49, $0x7  }
0x3a8: {  	v49 =	vand.u32 $0x7, v49;
	v50 =	vand.u32 $0xFFFFFC00, v61  }
0x3a9: {  	v49 =	vor.u32 v49, v50  }
0x3aa: {  	v50 =	vperm.xlane v49, v1;
	_ =	sdelay $0x1  }
0x3ab: {  	v62 =	vperm.xlane v49, v3;
	v50 =	vadd.s32 v2, v50;
	_ =	sdelay $0x1  }
0x3ac: {  	s0 =	sld [smem:$0x6C2];
	v63 =	vperm.xlane v49, v33;
	v51 =	vadd.s32 v2, v62;
	_ =	sdelay $0x1  }
0x3ad: {  	s10 =	sld [smem:$0x6C3];
	v56 =	vperm.xlane v49, v4;
	v52 =	vadd.s32 v2, v63  }
0x3ae: {  	[tilespmem:s0], [sflag:$0x1] =	stream.indirect_vreg.gather [hbm4b:s4+s2], $0x80, v50, vm0, $0xb8;
	[tilespmem:$0x10400] =	vst v63  }
0x3af: {  	v58 =	vperm.xlane v49, v5;
	v57 =	vadd.s32 v2, v56;
	s0 =	sld [smem:$0x6C4]  }
0x3b0: {  	[tilespmem:s10], [sflag:$0x1] =	stream.indirect_vreg.gather [hbm4b:s4+s2], $0x80, v51, vm0, $0xb8;
	[tilespmem:$0x10400] =	vst v63  }
0x3b1: {  	v60 =	vperm.xlane v49, v27;
	v59 =	vadd.s32 v2, v58;
	s10 =	sld [smem:$0x6C5]  }
0x3b2: {  	[tilespmem:s0], [sflag:$0x1] =	stream.indirect_vreg.gather [hbm4b:s4+s2], $0x80, v52, vm0, $0xb8;
	[tilespmem:$0x10400] =	vst v63  }
0x3b3: {  	v61 =	vadd.s32 v2, v60;
	v62 =	vperm.xlane v49, v6;
	s0 =	sld [smem:$0x6C6]  }
0x3b4: {  	[tilespmem:s10], [sflag:$0x1] =	stream.indirect_vreg.gather [hbm4b:s4+s2], $0x80, v57, vm0, $0xb8;
	[tilespmem:$0x10400] =	vst v63  }
0x3b5: {  	v56 =	vperm.xlane v49, v0;
	v63 =	vadd.s32 v2, v62;
	s10 =	sld [smem:$0x6C7]  }
0x3b6: {  	[tilespmem:s0], [sflag:$0x1] =	stream.indirect_vreg.gather [hbm4b:s4+s2], $0x80, v59, vm0, $0xb8;
	[tilespmem:$0x10400] =	vst v63  }
0x3b7: {  	v58 =	vperm.xlane v49, v7;
	v57 =	vadd.s32 v2, v56;
	s0 =	sld [smem:$0x6C8]  }
0x3b8: {  	[tilespmem:s10], [sflag:$0x1] =	stream.indirect_vreg.gather [hbm4b:s4+s2], $0x80, v61, vm0, $0xb8;
	[tilespmem:$0x10400] =	vst v63  }
0x3b9: {  	v60 =	vperm.xlane v49, v8;
	v59 =	vadd.s32 v2, v58;
	s10 =	sld [smem:$0x6C9]  }
0x3ba: {  	[tilespmem:s0], [sflag:$0x1] =	stream.indirect_vreg.gather [hbm4b:s4+s2], $0x80, v63, vm0, $0xb8;
	[tilespmem:$0x10400] =	vst v63  }
0x3bb: {  	v62 =	vperm.xlane v49, v10;
	v61 =	vadd.s32 v2, v60;
	s0 =	sld [smem:$0x6CA]  }
0x3bc: {  	[tilespmem:s10], [sflag:$0x1] =	stream.indirect_vreg.gather [hbm4b:s4+s2], $0x80, v57, vm0, $0xb8;
	[tilespmem:$0x10400] =	vst v63  }
0x3bd: {  	v56 =	vperm.xlane v49, v11;
	v63 =	vadd.s32 v2, v62;
	s10 =	sld [smem:$0x6CB]  }
0x3be: {  	[tilespmem:s0], [sflag:$0x1] =	stream.indirect_vreg.gather [hbm4b:s4+s2], $0x80, v59, vm0, $0xb8;
	[tilespmem:$0x10400] =	vst v63  }
0x3bf: {  	v58 =	vperm.xlane v49, v12;
	v57 =	vadd.s32 v2, v56;
	s0 =	sld [smem:$0x6CC]  }
0x3c0: {  	[tilespmem:s10], [sflag:$0x1] =	stream.indirect_vreg.gather [hbm4b:s4+s2], $0x80, v61, vm0, $0xb8;
	[tilespmem:$0x10400] =	vst v63  }
0x3c1: {  	v60 =	vperm.xlane v49, v13;
	v59 =	vadd.s32 v2, v58;
	s10 =	sld [smem:$0x6CD]  }
0x3c2: {  	[tilespmem:s0], [sflag:$0x1] =	stream.indirect_vreg.gather [hbm4b:s4+s2], $0x80, v63, vm0, $0xb8;
	[tilespmem:$0x10400] =	vst v63  }
0x3c3: {  	v62 =	vperm.xlane v49, v14;
	v61 =	vadd.s32 v2, v60;
	s0 =	sld [smem:$0x6CE]  }
0x3c4: {  	[tilespmem:s10], [sflag:$0x1] =	stream.indirect_vreg.gather [hbm4b:s4+s2], $0x80, v57, vm0, $0xb8;
	[tilespmem:$0x10400] =	vst v63  }
0x3c5: {  	v49 =	vperm.xlane v49, v39;
	v63 =	vadd.s32 v2, v62;
	s10 =	sld [smem:$0x6CF]  }
0x3c6: {  	[tilespmem:s0], [sflag:$0x1] =	stream.indirect_vreg.gather [hbm4b:s4+s2], $0x80, v59, vm0, $0xb8;
	[tilespmem:$0x10400] =	vst v63  }
0x3c7: {  	v49 =	vadd.s32 v2, v49;
	s0 =	sld [smem:$0x6D0]  }
0x3c8: {  	[tilespmem:s10], [sflag:$0x1] =	stream.indirect_vreg.gather [hbm4b:s4+s2], $0x80, v61, vm0, $0xb8;
	[tilespmem:$0x10400] =	vst v63  }
0x3c9: {  	s10 =	sld [smem:$0x6D1]  }
0x3ca: {  	[tilespmem:s0], [sflag:$0x1] =	stream.indirect_vreg.gather [hbm4b:s4+s2], $0x80, v63, vm0, $0xb8;
	[tilespmem:$0x10400] =	vst v63  }
0x3cb: {  	_ = 	snop  }
0x3cc: {  	[tilespmem:s10], [sflag:$0x1] =	stream.indirect_vreg.gather [hbm4b:s4+s2], $0x80, v49, vm0, $0xb8;
	[tilespmem:$0x10400] =	vst v63  }
0x3cd: {  	v49 =	vld [tilespmem:$0xC0];
	_ =	sdelay $0x4  }
0x3ce: {  	v55 =	vshll.u32 v49, $0x7  }
0x3cf: {  	v49 =	vand.u32 $0x7, v49;
	v50 =	vand.u32 $0xFFFFFC00, v55  }
0x3d0: {  	v49 =	vor.u32 v49, v50  }
0x3d1: {  	v50 =	vperm.xlane v49, v1;
	_ =	sdelay $0x1  }
0x3d2: {  	v56 =	vperm.xlane v49, v3;
	v50 =	vadd.s32 v2, v50;
	_ =	sdelay $0x1  }
0x3d3: {  	s0 =	sld [smem:$0x6D2];
	v57 =	vperm.xlane v49, v33;
	v51 =	vadd.s32 v2, v56;
	_ =	sdelay $0x1  }
0x3d4: {  	s10 =	sld [smem:$0x6D3];
	v58 =	vperm.xlane v49, v4;
	v52 =	vadd.s32 v2, v57  }
0x3d5: {  	[tilespmem:s0], [sflag:$0x1] =	stream.indirect_vreg.gather [hbm4b:s4+s2], $0x80, v50, vm0, $0xb8;
	[tilespmem:$0x10400] =	vst v63  }
0x3d6: {  	v60 =	vperm.xlane v49, v5;
	v59 =	vadd.s32 v2, v58;
	s0 =	sld [smem:$0x6D4]  }
0x3d7: {  	[tilespmem:s10], [sflag:$0x1] =	stream.indirect_vreg.gather [hbm4b:s4+s2], $0x80, v51, vm0, $0xb8;
	[tilespmem:$0x10400] =	vst v63  }
0x3d8: {  	v62 =	vperm.xlane v49, v27;
	v61 =	vadd.s32 v2, v60;
	s10 =	sld [smem:$0x6D5]  }
0x3d9: {  	[tilespmem:s0], [sflag:$0x1] =	stream.indirect_vreg.gather [hbm4b:s4+s2], $0x80, v52, vm0, $0xb8;
	[tilespmem:$0x10400] =	vst v63  }
0x3da: {  	v63 =	vadd.s32 v2, v62;
	v56 =	vperm.xlane v49, v6;
	s0 =	sld [smem:$0x6D6]  }
0x3db: {  	[tilespmem:s10], [sflag:$0x1] =	stream.indirect_vreg.gather [hbm4b:s4+s2], $0x80, v59, vm0, $0xb8;
	[tilespmem:$0x10400] =	vst v63  }
0x3dc: {  	v58 =	vperm.xlane v49, v0;
	v57 =	vadd.s32 v2, v56;
	s10 =	sld [smem:$0x6D7]  }
0x3dd: {  	[tilespmem:s0], [sflag:$0x1] =	stream.indirect_vreg.gather [hbm4b:s4+s2], $0x80, v61, vm0, $0xb8;
	[tilespmem:$0x10400] =	vst v63  }
0x3de: {  	v60 =	vperm.xlane v49, v7;
	v59 =	vadd.s32 v2, v58;
	s0 =	sld [smem:$0x6D8]  }
0x3df: {  	[tilespmem:s10], [sflag:$0x1] =	stream.indirect_vreg.gather [hbm4b:s4+s2], $0x80, v63, vm0, $0xb8;
	[tilespmem:$0x10400] =	vst v63  }
0x3e0: {  	v62 =	vperm.xlane v49, v8;
	v61 =	vadd.s32 v2, v60;
	s10 =	sld [smem:$0x6D9]  }
0x3e1: {  	[tilespmem:s0], [sflag:$0x1] =	stream.indirect_vreg.gather [hbm4b:s4+s2], $0x80, v57, vm0, $0xb8;
	[tilespmem:$0x10400] =	vst v63  }
0x3e2: {  	v56 =	vperm.xlane v49, v10;
	v63 =	vadd.s32 v2, v62;
	s0 =	sld [smem:$0x6DA]  }
0x3e3: {  	[tilespmem:s10], [sflag:$0x1] =	stream.indirect_vreg.gather [hbm4b:s4+s2], $0x80, v59, vm0, $0xb8;
	[tilespmem:$0x10400] =	vst v63  }
0x3e4: {  	v58 =	vperm.xlane v49, v11;
	v57 =	vadd.s32 v2, v56;
	s10 =	sld [smem:$0x6DB]  }
0x3e5: {  	[tilespmem:s0], [sflag:$0x1] =	stream.indirect_vreg.gather [hbm4b:s4+s2], $0x80, v61, vm0, $0xb8;
	[tilespmem:$0x10400] =	vst v63  }
0x3e6: {  	v60 =	vperm.xlane v49, v12;
	v59 =	vadd.s32 v2, v58;
	s0 =	sld [smem:$0x6DC]  }
0x3e7: {  	[tilespmem:s10], [sflag:$0x1] =	stream.indirect_vreg.gather [hbm4b:s4+s2], $0x80, v63, vm0, $0xb8;
	[tilespmem:$0x10400] =	vst v63  }
0x3e8: {  	v62 =	vperm.xlane v49, v13;
	v61 =	vadd.s32 v2, v60;
	s10 =	sld [smem:$0x6DD]  }
0x3e9: {  	[tilespmem:s0], [sflag:$0x1] =	stream.indirect_vreg.gather [hbm4b:s4+s2], $0x80, v57, vm0, $0xb8;
	[tilespmem:$0x10400] =	vst v63  }
0x3ea: {  	v56 =	vperm.xlane v49, v14;
	v63 =	vadd.s32 v2, v62;
	s0 =	sld [smem:$0x6DE]  }
0x3eb: {  	[tilespmem:s10], [sflag:$0x1] =	stream.indirect_vreg.gather [hbm4b:s4+s2], $0x80, v59, vm0, $0xb8;
	[tilespmem:$0x10400] =	vst v63  }
0x3ec: {  	v49 =	vperm.xlane v49, v39;
	v57 =	vadd.s32 v2, v56;
	s10 =	sld [smem:$0x6DF]  }
0x3ed: {  	[tilespmem:s0], [sflag:$0x1] =	stream.indirect_vreg.gather [hbm4b:s4+s2], $0x80, v61, vm0, $0xb8;
	[tilespmem:$0x10400] =	vst v63  }
0x3ee: {  	v49 =	vadd.s32 v2, v49;
	s0 =	sld [smem:$0x6E0]  }
0x3ef: {  	[tilespmem:s10], [sflag:$0x1] =	stream.indirect_vreg.gather [hbm4b:s4+s2], $0x80, v63, vm0, $0xb8;
	[tilespmem:$0x10400] =	vst v63  }
0x3f0: {  	s10 =	sld [smem:$0x6E1]  }
0x3f1: {  	[tilespmem:s0], [sflag:$0x1] =	stream.indirect_vreg.gather [hbm4b:s4+s2], $0x80, v57, vm0, $0xb8;
	[tilespmem:$0x10400] =	vst v63  }
0x3f2: {  	_ = 	snop  }
0x3f3: {  	[tilespmem:s10], [sflag:$0x1] =	stream.indirect_vreg.gather [hbm4b:s4+s2], $0x80, v49, vm0, $0xb8;
	[tilespmem:$0x10400] =	vst v63  }
0x3f4: {  	v49 =	vld [tilespmem:$0xD0];
	_ =	sdelay $0x4  }
0x3f5: {  	v58 =	vshll.u32 v49, $0x7  }
0x3f6: {  	v49 =	vand.u32 $0x7, v49;
	v50 =	vand.u32 $0xFFFFFC00, v58  }
0x3f7: {  	v49 =	vor.u32 v49, v50  }
0x3f8: {  	v50 =	vperm.xlane v49, v1;
	_ =	sdelay $0x1  }
0x3f9: {  	v59 =	vperm.xlane v49, v3;
	v50 =	vadd.s32 v2, v50;
	_ =	sdelay $0x1  }
0x3fa: {  	s0 =	sld [smem:$0x6E2];
	v60 =	vperm.xlane v49, v33;
	v51 =	vadd.s32 v2, v59;
	_ =	sdelay $0x1  }
0x3fb: {  	s10 =	sld [smem:$0x6E3];
	v61 =	vperm.xlane v49, v4;
	v52 =	vadd.s32 v2, v60  }
0x3fc: {  	[tilespmem:s0], [sflag:$0x1] =	stream.indirect_vreg.gather [hbm4b:s4+s2], $0x80, v50, vm0, $0xb8;
	[tilespmem:$0x10400] =	vst v63  }
0x3fd: {  	v63 =	vperm.xlane v49, v5;
	v62 =	vadd.s32 v2, v61;
	s0 =	sld [smem:$0x6E4]  }
0x3fe: {  	[tilespmem:s10], [sflag:$0x1] =	stream.indirect_vreg.gather [hbm4b:s4+s2], $0x80, v51, vm0, $0xb8;
	[tilespmem:$0x10400] =	vst v63  }
0x3ff: {  	v57 =	vperm.xlane v49, v27;
	v56 =	vadd.s32 v2, v63;
	s10 =	sld [smem:$0x6E5]  }
0x400: {  	[tilespmem:s0], [sflag:$0x1] =	stream.indirect_vreg.gather [hbm4b:s4+s2], $0x80, v52, vm0, $0xb8;
	[tilespmem:$0x10400] =	vst v63  }
0x401: {  	v58 =	vadd.s32 v2, v57;
	v59 =	vperm.xlane v49, v6;
	s0 =	sld [smem:$0x6E6]  }
0x402: {  	[tilespmem:s10], [sflag:$0x1] =	stream.indirect_vreg.gather [hbm4b:s4+s2], $0x80, v62, vm0, $0xb8;
	[tilespmem:$0x10400] =	vst v63  }
0x403: {  	v61 =	vperm.xlane v49, v0;
	v60 =	vadd.s32 v2, v59;
	s10 =	sld [smem:$0x6E7]  }
0x404: {  	[tilespmem:s0], [sflag:$0x1] =	stream.indirect_vreg.gather [hbm4b:s4+s2], $0x80, v56, vm0, $0xb8;
	[tilespmem:$0x10400] =	vst v63  }
0x405: {  	v63 =	vperm.xlane v49, v7;
	v62 =	vadd.s32 v2, v61;
	s0 =	sld [smem:$0x6E8]  }
0x406: {  	[tilespmem:s10], [sflag:$0x1] =	stream.indirect_vreg.gather [hbm4b:s4+s2], $0x80, v58, vm0, $0xb8;
	[tilespmem:$0x10400] =	vst v63  }
0x407: {  	v57 =	vperm.xlane v49, v8;
	v56 =	vadd.s32 v2, v63;
	s10 =	sld [smem:$0x6E9]  }
0x408: {  	[tilespmem:s0], [sflag:$0x1] =	stream.indirect_vreg.gather [hbm4b:s4+s2], $0x80, v60, vm0, $0xb8;
	[tilespmem:$0x10400] =	vst v63  }
0x409: {  	v59 =	vperm.xlane v49, v10;
	v58 =	vadd.s32 v2, v57;
	s0 =	sld [smem:$0x6EA]  }
0x40a: {  	[tilespmem:s10], [sflag:$0x1] =	stream.indirect_vreg.gather [hbm4b:s4+s2], $0x80, v62, vm0, $0xb8;
	[tilespmem:$0x10400] =	vst v63  }
0x40b: {  	v61 =	vperm.xlane v49, v11;
	v60 =	vadd.s32 v2, v59;
	s10 =	sld [smem:$0x6EB]  }
0x40c: {  	[tilespmem:s0], [sflag:$0x1] =	stream.indirect_vreg.gather [hbm4b:s4+s2], $0x80, v56, vm0, $0xb8;
	[tilespmem:$0x10400] =	vst v63  }
0x40d: {  	v63 =	vperm.xlane v49, v12;
	v62 =	vadd.s32 v2, v61;
	s0 =	sld [smem:$0x6EC]  }
0x40e: {  	[tilespmem:s10], [sflag:$0x1] =	stream.indirect_vreg.gather [hbm4b:s4+s2], $0x80, v58, vm0, $0xb8;
	[tilespmem:$0x10400] =	vst v63  }
0x40f: {  	v57 =	vperm.xlane v49, v13;
	v56 =	vadd.s32 v2, v63;
	s10 =	sld [smem:$0x6ED]  }
0x410: {  	[tilespmem:s0], [sflag:$0x1] =	stream.indirect_vreg.gather [hbm4b:s4+s2], $0x80, v60, vm0, $0xb8;
	[tilespmem:$0x10400] =	vst v63  }
0x411: {  	v59 =	vperm.xlane v49, v14;
	v58 =	vadd.s32 v2, v57;
	s0 =	sld [smem:$0x6EE]  }
0x412: {  	[tilespmem:s10], [sflag:$0x1] =	stream.indirect_vreg.gather [hbm4b:s4+s2], $0x80, v62, vm0, $0xb8;
	[tilespmem:$0x10400] =	vst v63  }
0x413: {  	v49 =	vperm.xlane v49, v39;
	v60 =	vadd.s32 v2, v59;
	s10 =	sld [smem:$0x6EF]  }
0x414: {  	[tilespmem:s0], [sflag:$0x1] =	stream.indirect_vreg.gather [hbm4b:s4+s2], $0x80, v56, vm0, $0xb8;
	[tilespmem:$0x10400] =	vst v63  }
0x415: {  	v49 =	vadd.s32 v2, v49;
	s0 =	sld [smem:$0x6F0]  }
0x416: {  	[tilespmem:s10], [sflag:$0x1] =	stream.indirect_vreg.gather [hbm4b:s4+s2], $0x80, v58, vm0, $0xb8;
	[tilespmem:$0x10400] =	vst v63  }
0x417: {  	s10 =	sld [smem:$0x6F1]  }
0x418: {  	[tilespmem:s0], [sflag:$0x1] =	stream.indirect_vreg.gather [hbm4b:s4+s2], $0x80, v60, vm0, $0xb8;
	[tilespmem:$0x10400] =	vst v63  }
0x419: {  	_ = 	snop  }
0x41a: {  	[tilespmem:s10], [sflag:$0x1] =	stream.indirect_vreg.gather [hbm4b:s4+s2], $0x80, v49, vm0, $0xb8;
	[tilespmem:$0x10400] =	vst v63  }
0x41b: {  	v49 =	vld [tilespmem:$0xE0];
	_ =	sdelay $0x4  }
0x41c: {  	v61 =	vshll.u32 v49, $0x7  }
0x41d: {  	v49 =	vand.u32 $0x7, v49;
	v50 =	vand.u32 $0xFFFFFC00, v61  }
0x41e: {  	v49 =	vor.u32 v49, v50  }
0x41f: {  	v50 =	vperm.xlane v49, v1;
	_ =	sdelay $0x1  }
0x420: {  	v62 =	vperm.xlane v49, v3;
	v50 =	vadd.s32 v2, v50;
	_ =	sdelay $0x1  }
0x421: {  	s0 =	sld [smem:$0x6F2];
	v63 =	vperm.xlane v49, v33;
	v51 =	vadd.s32 v2, v62;
	_ =	sdelay $0x1  }
0x422: {  	s10 =	sld [smem:$0x6F3];
	v56 =	vperm.xlane v49, v4;
	v52 =	vadd.s32 v2, v63  }
0x423: {  	[tilespmem:s0], [sflag:$0x1] =	stream.indirect_vreg.gather [hbm4b:s4+s2], $0x80, v50, vm0, $0xb8;
	[tilespmem:$0x10400] =	vst v63  }
0x424: {  	v58 =	vperm.xlane v49, v5;
	v57 =	vadd.s32 v2, v56;
	s0 =	sld [smem:$0x6F4]  }
0x425: {  	[tilespmem:s10], [sflag:$0x1] =	stream.indirect_vreg.gather [hbm4b:s4+s2], $0x80, v51, vm0, $0xb8;
	[tilespmem:$0x10400] =	vst v63  }
0x426: {  	v60 =	vperm.xlane v49, v27;
	v59 =	vadd.s32 v2, v58;
	s10 =	sld [smem:$0x6F5]  }
0x427: {  	[tilespmem:s0], [sflag:$0x1] =	stream.indirect_vreg.gather [hbm4b:s4+s2], $0x80, v52, vm0, $0xb8;
	[tilespmem:$0x10400] =	vst v63  }
0x428: {  	v61 =	vadd.s32 v2, v60;
	v62 =	vperm.xlane v49, v6;
	s0 =	sld [smem:$0x6F6]  }
0x429: {  	[tilespmem:s10], [sflag:$0x1] =	stream.indirect_vreg.gather [hbm4b:s4+s2], $0x80, v57, vm0, $0xb8;
	[tilespmem:$0x10400] =	vst v63  }
0x42a: {  	v56 =	vperm.xlane v49, v0;
	v63 =	vadd.s32 v2, v62;
	s10 =	sld [smem:$0x6F7]  }
0x42b: {  	[tilespmem:s0], [sflag:$0x1] =	stream.indirect_vreg.gather [hbm4b:s4+s2], $0x80, v59, vm0, $0xb8;
	[tilespmem:$0x10400] =	vst v63  }
0x42c: {  	v58 =	vperm.xlane v49, v7;
	v57 =	vadd.s32 v2, v56;
	s0 =	sld [smem:$0x6F8]  }
0x42d: {  	[tilespmem:s10], [sflag:$0x1] =	stream.indirect_vreg.gather [hbm4b:s4+s2], $0x80, v61, vm0, $0xb8;
	[tilespmem:$0x10400] =	vst v63  }
0x42e: {  	v60 =	vperm.xlane v49, v8;
	v59 =	vadd.s32 v2, v58;
	s10 =	sld [smem:$0x6F9]  }
0x42f: {  	[tilespmem:s0], [sflag:$0x1] =	stream.indirect_vreg.gather [hbm4b:s4+s2], $0x80, v63, vm0, $0xb8;
	[tilespmem:$0x10400] =	vst v63  }
0x430: {  	v62 =	vperm.xlane v49, v10;
	v61 =	vadd.s32 v2, v60;
	s0 =	sld [smem:$0x6FA]  }
0x431: {  	[tilespmem:s10], [sflag:$0x1] =	stream.indirect_vreg.gather [hbm4b:s4+s2], $0x80, v57, vm0, $0xb8;
	[tilespmem:$0x10400] =	vst v63  }
0x432: {  	v56 =	vperm.xlane v49, v11;
	v63 =	vadd.s32 v2, v62;
	s10 =	sld [smem:$0x6FB]  }
0x433: {  	[tilespmem:s0], [sflag:$0x1] =	stream.indirect_vreg.gather [hbm4b:s4+s2], $0x80, v59, vm0, $0xb8;
	[tilespmem:$0x10400] =	vst v63  }
0x434: {  	v58 =	vperm.xlane v49, v12;
	v57 =	vadd.s32 v2, v56;
	s0 =	sld [smem:$0x6FC]  }
0x435: {  	[tilespmem:s10], [sflag:$0x1] =	stream.indirect_vreg.gather [hbm4b:s4+s2], $0x80, v61, vm0, $0xb8;
	[tilespmem:$0x10400] =	vst v63  }
0x436: {  	v60 =	vperm.xlane v49, v13;
	v59 =	vadd.s32 v2, v58;
	s10 =	sld [smem:$0x6FD]  }
0x437: {  	[tilespmem:s0], [sflag:$0x1] =	stream.indirect_vreg.gather [hbm4b:s4+s2], $0x80, v63, vm0, $0xb8;
	[tilespmem:$0x10400] =	vst v63  }
0x438: {  	v62 =	vperm.xlane v49, v14;
	v61 =	vadd.s32 v2, v60;
	s0 =	sld [smem:$0x6FE]  }
0x439: {  	[tilespmem:s10], [sflag:$0x1] =	stream.indirect_vreg.gather [hbm4b:s4+s2], $0x80, v57, vm0, $0xb8;
	[tilespmem:$0x10400] =	vst v63  }
0x43a: {  	v49 =	vperm.xlane v49, v39;
	v63 =	vadd.s32 v2, v62;
	s10 =	sld [smem:$0x6FF]  }
0x43b: {  	[tilespmem:s0], [sflag:$0x1] =	stream.indirect_vreg.gather [hbm4b:s4+s2], $0x80, v59, vm0, $0xb8;
	[tilespmem:$0x10400] =	vst v63  }
0x43c: {  	v49 =	vadd.s32 v2, v49;
	s0 =	sld [smem:$0x700]  }
0x43d: {  	[tilespmem:s10], [sflag:$0x1] =	stream.indirect_vreg.gather [hbm4b:s4+s2], $0x80, v61, vm0, $0xb8;
	[tilespmem:$0x10400] =	vst v63  }
0x43e: {  	s10 =	sld [smem:$0x701]  }
0x43f: {  	[tilespmem:s0], [sflag:$0x1] =	stream.indirect_vreg.gather [hbm4b:s4+s2], $0x80, v63, vm0, $0xb8;
	[tilespmem:$0x10400] =	vst v63  }
0x440: {  	_ = 	snop  }
0x441: {  	[tilespmem:s10], [sflag:$0x1] =	stream.indirect_vreg.gather [hbm4b:s4+s2], $0x80, v49, vm0, $0xb8;
	[tilespmem:$0x10400] =	vst v63  }
0x442: {  	v49 =	vld [tilespmem:$0xF0];
	_ =	sdelay $0x4  }
0x443: {  	v55 =	vshll.u32 v49, $0x7  }
0x444: {  	v49 =	vand.u32 $0x7, v49;
	v50 =	vand.u32 $0xFFFFFC00, v55  }
0x445: {  	v49 =	vor.u32 v49, v50  }
0x446: {  	v50 =	vperm.xlane v49, v1;
	_ =	sdelay $0x1  }
0x447: {  	v56 =	vperm.xlane v49, v3;
	v50 =	vadd.s32 v2, v50;
	_ =	sdelay $0x1  }
0x448: {  	s0 =	sld [smem:$0x702];
	v57 =	vperm.xlane v49, v33;
	v51 =	vadd.s32 v2, v56;
	_ =	sdelay $0x1  }
0x449: {  	s10 =	sld [smem:$0x703];
	v58 =	vperm.xlane v49, v4;
	v52 =	vadd.s32 v2, v57  }
0x44a: {  	[tilespmem:s0], [sflag:$0x1] =	stream.indirect_vreg.gather [hbm4b:s4+s2], $0x80, v50, vm0, $0xb8;
	[tilespmem:$0x10400] =	vst v63  }
0x44b: {  	v60 =	vperm.xlane v49, v5;
	v59 =	vadd.s32 v2, v58;
	s0 =	sld [smem:$0x704]  }
0x44c: {  	[tilespmem:s10], [sflag:$0x1] =	stream.indirect_vreg.gather [hbm4b:s4+s2], $0x80, v51, vm0, $0xb8;
	[tilespmem:$0x10400] =	vst v63  }
0x44d: {  	v62 =	vperm.xlane v49, v27;
	v61 =	vadd.s32 v2, v60;
	s10 =	sld [smem:$0x705]  }
0x44e: {  	[tilespmem:s0], [sflag:$0x1] =	stream.indirect_vreg.gather [hbm4b:s4+s2], $0x80, v52, vm0, $0xb8;
	[tilespmem:$0x10400] =	vst v63  }
0x44f: {  	v63 =	vadd.s32 v2, v62;
	v56 =	vperm.xlane v49, v6;
	s0 =	sld [smem:$0x706]  }
0x450: {  	[tilespmem:s10], [sflag:$0x1] =	stream.indirect_vreg.gather [hbm4b:s4+s2], $0x80, v59, vm0, $0xb8;
	[tilespmem:$0x10400] =	vst v63  }
0x451: {  	v58 =	vperm.xlane v49, v0;
	v57 =	vadd.s32 v2, v56;
	s10 =	sld [smem:$0x707]  }
0x452: {  	[tilespmem:s0], [sflag:$0x1] =	stream.indirect_vreg.gather [hbm4b:s4+s2], $0x80, v61, vm0, $0xb8;
	[tilespmem:$0x10400] =	vst v63  }
0x453: {  	v60 =	vperm.xlane v49, v7;
	v59 =	vadd.s32 v2, v58;
	s0 =	sld [smem:$0x708]  }
0x454: {  	[tilespmem:s10], [sflag:$0x1] =	stream.indirect_vreg.gather [hbm4b:s4+s2], $0x80, v63, vm0, $0xb8;
	[tilespmem:$0x10400] =	vst v63  }
0x455: {  	v62 =	vperm.xlane v49, v8;
	v61 =	vadd.s32 v2, v60;
	s10 =	sld [smem:$0x709]  }
0x456: {  	[tilespmem:s0], [sflag:$0x1] =	stream.indirect_vreg.gather [hbm4b:s4+s2], $0x80, v57, vm0, $0xb8;
	[tilespmem:$0x10400] =	vst v63  }
0x457: {  	v56 =	vperm.xlane v49, v10;
	v63 =	vadd.s32 v2, v62;
	s0 =	sld [smem:$0x70A]  }
0x458: {  	[tilespmem:s10], [sflag:$0x1] =	stream.indirect_vreg.gather [hbm4b:s4+s2], $0x80, v59, vm0, $0xb8;
	[tilespmem:$0x10400] =	vst v63  }
0x459: {  	v58 =	vperm.xlane v49, v11;
	v57 =	vadd.s32 v2, v56;
	s10 =	sld [smem:$0x70B]  }
0x45a: {  	[tilespmem:s0], [sflag:$0x1] =	stream.indirect_vreg.gather [hbm4b:s4+s2], $0x80, v61, vm0, $0xb8;
	[tilespmem:$0x10400] =	vst v63  }
0x45b: {  	v60 =	vperm.xlane v49, v12;
	v59 =	vadd.s32 v2, v58;
	s0 =	sld [smem:$0x70C]  }
0x45c: {  	[tilespmem:s10], [sflag:$0x1] =	stream.indirect_vreg.gather [hbm4b:s4+s2], $0x80, v63, vm0, $0xb8;
	[tilespmem:$0x10400] =	vst v63  }
0x45d: {  	v62 =	vperm.xlane v49, v13;
	v61 =	vadd.s32 v2, v60;
	s10 =	sld [smem:$0x70D]  }
0x45e: {  	[tilespmem:s0], [sflag:$0x1] =	stream.indirect_vreg.gather [hbm4b:s4+s2], $0x80, v57, vm0, $0xb8;
	[tilespmem:$0x10400] =	vst v63  }
0x45f: {  	v56 =	vperm.xlane v49, v14;
	v63 =	vadd.s32 v2, v62;
	s0 =	sld [smem:$0x70E]  }
0x460: {  	[tilespmem:s10], [sflag:$0x1] =	stream.indirect_vreg.gather [hbm4b:s4+s2], $0x80, v59, vm0, $0xb8;
	[tilespmem:$0x10400] =	vst v63  }
0x461: {  	v49 =	vperm.xlane v49, v39;
	v57 =	vadd.s32 v2, v56;
	s10 =	sld [smem:$0x70F]  }
0x462: {  	[tilespmem:s0], [sflag:$0x1] =	stream.indirect_vreg.gather [hbm4b:s4+s2], $0x80, v61, vm0, $0xb8;
	[tilespmem:$0x10400] =	vst v63  }
0x463: {  	v49 =	vadd.s32 v2, v49;
	s0 =	sld [smem:$0x710]  }
0x464: {  	[tilespmem:s10], [sflag:$0x1] =	stream.indirect_vreg.gather [hbm4b:s4+s2], $0x80, v63, vm0, $0xb8;
	[tilespmem:$0x10400] =	vst v63  }
0x465: {  	s10 =	sld [smem:$0x712]  }
0x466: {  	[tilespmem:s0], [sflag:$0x1] =	stream.indirect_vreg.gather [hbm4b:s4+s2], $0x80, v57, vm0, $0xb8;
	[tilespmem:$0x10400] =	vst v63  }
0x467: {  	_ = 	snop  }
0x468: {  	[tilespmem:s10], [sflag:$0x1] =	stream.indirect_vreg.gather [hbm4b:s4+s2], $0x80, v49, vm0, $0xb8;
	[tilespmem:$0x10400] =	vst v63  }
0x469: {  	v49 =	vld [tilespmem:$0x100];
	_ =	sdelay $0x4  }
0x46a: {  	v58 =	vshll.u32 v49, $0x7  }
0x46b: {  	v49 =	vand.u32 $0x7, v49;
	v50 =	vand.u32 $0xFFFFFC00, v58  }
0x46c: {  	v49 =	vor.u32 v49, v50  }
0x46d: {  	v50 =	vperm.xlane v49, v1;
	_ =	sdelay $0x1  }
0x46e: {  	v59 =	vperm.xlane v49, v3;
	v50 =	vadd.s32 v2, v50;
	_ =	sdelay $0x1  }
0x46f: {  	s0 =	sld [smem:$0x72B];
	v60 =	vperm.xlane v49, v33;
	v51 =	vadd.s32 v2, v59;
	_ =	sdelay $0x1  }
0x470: {  	s10 =	sld [smem:$0x731];
	v61 =	vperm.xlane v49, v4;
	v52 =	vadd.s32 v2, v60  }
0x471: {  	[tilespmem:s0], [sflag:$0x1] =	stream.indirect_vreg.gather [hbm4b:s5+s2], $0x80, v50, vm0, $0xb8;
	[tilespmem:$0x10400] =	vst v63  }
0x472: {  	v63 =	vperm.xlane v49, v5;
	v62 =	vadd.s32 v2, v61;
	s0 =	sld [smem:$0x738]  }
0x473: {  	[tilespmem:s10], [sflag:$0x1] =	stream.indirect_vreg.gather [hbm4b:s5+s2], $0x80, v51, vm0, $0xb8;
	[tilespmem:$0x10400] =	vst v63  }
0x474: {  	v57 =	vperm.xlane v49, v27;
	v56 =	vadd.s32 v2, v63;
	s10 =	sld [smem:$0x739]  }
0x475: {  	[tilespmem:s0], [sflag:$0x1] =	stream.indirect_vreg.gather [hbm4b:s5+s2], $0x80, v52, vm0, $0xb8;
	[tilespmem:$0x10400] =	vst v63  }
0x476: {  	v58 =	vadd.s32 v2, v57;
	v59 =	vperm.xlane v49, v6;
	s0 =	sld [smem:$0x73A]  }
0x477: {  	[tilespmem:s10], [sflag:$0x1] =	stream.indirect_vreg.gather [hbm4b:s5+s2], $0x80, v62, vm0, $0xb8;
	[tilespmem:$0x10400] =	vst v63  }
0x478: {  	v61 =	vperm.xlane v49, v0;
	v60 =	vadd.s32 v2, v59;
	s10 =	sld [smem:$0x73B]  }
0x479: {  	[tilespmem:s0], [sflag:$0x1] =	stream.indirect_vreg.gather [hbm4b:s5+s2], $0x80, v56, vm0, $0xb8;
	[tilespmem:$0x10400] =	vst v63  }
0x47a: {  	v63 =	vperm.xlane v49, v7;
	v62 =	vadd.s32 v2, v61;
	s0 =	sld [smem:$0x73C]  }
0x47b: {  	[tilespmem:s10], [sflag:$0x1] =	stream.indirect_vreg.gather [hbm4b:s5+s2], $0x80, v58, vm0, $0xb8;
	[tilespmem:$0x10400] =	vst v63  }
0x47c: {  	v57 =	vperm.xlane v49, v8;
	v56 =	vadd.s32 v2, v63;
	s10 =	sld [smem:$0x73D]  }
0x47d: {  	[tilespmem:s0], [sflag:$0x1] =	stream.indirect_vreg.gather [hbm4b:s5+s2], $0x80, v60, vm0, $0xb8;
	[tilespmem:$0x10400] =	vst v63  }
0x47e: {  	v59 =	vperm.xlane v49, v10;
	v58 =	vadd.s32 v2, v57;
	s0 =	sld [smem:$0x73E]  }
0x47f: {  	[tilespmem:s10], [sflag:$0x1] =	stream.indirect_vreg.gather [hbm4b:s5+s2], $0x80, v62, vm0, $0xb8;
	[tilespmem:$0x10400] =	vst v63  }
0x480: {  	v61 =	vperm.xlane v49, v11;
	v60 =	vadd.s32 v2, v59;
	s10 =	sld [smem:$0x73F]  }
0x481: {  	[tilespmem:s0], [sflag:$0x1] =	stream.indirect_vreg.gather [hbm4b:s5+s2], $0x80, v56, vm0, $0xb8;
	[tilespmem:$0x10400] =	vst v63  }
0x482: {  	v63 =	vperm.xlane v49, v12;
	v62 =	vadd.s32 v2, v61;
	s0 =	sld [smem:$0x740]  }
0x483: {  	[tilespmem:s10], [sflag:$0x1] =	stream.indirect_vreg.gather [hbm4b:s5+s2], $0x80, v58, vm0, $0xb8;
	[tilespmem:$0x10400] =	vst v63  }
0x484: {  	v57 =	vperm.xlane v49, v13;
	v56 =	vadd.s32 v2, v63;
	s10 =	sld [smem:$0x741]  }
0x485: {  	[tilespmem:s0], [sflag:$0x1] =	stream.indirect_vreg.gather [hbm4b:s5+s2], $0x80, v60, vm0, $0xb8;
	[tilespmem:$0x10400] =	vst v63  }
0x486: {  	v59 =	vperm.xlane v49, v14;
	v58 =	vadd.s32 v2, v57;
	s0 =	sld [smem:$0x742]  }
0x487: {  	[tilespmem:s10], [sflag:$0x1] =	stream.indirect_vreg.gather [hbm4b:s5+s2], $0x80, v62, vm0, $0xb8;
	[tilespmem:$0x10400] =	vst v63  }
0x488: {  	v49 =	vperm.xlane v49, v39;
	v60 =	vadd.s32 v2, v59;
	s10 =	sld [smem:$0x743]  }
0x489: {  	[tilespmem:s0], [sflag:$0x1] =	stream.indirect_vreg.gather [hbm4b:s5+s2], $0x80, v56, vm0, $0xb8;
	[tilespmem:$0x10400] =	vst v63  }
0x48a: {  	v49 =	vadd.s32 v2, v49;
	s0 =	sld [smem:$0x744]  }
0x48b: {  	[tilespmem:s10], [sflag:$0x1] =	stream.indirect_vreg.gather [hbm4b:s5+s2], $0x80, v58, vm0, $0xb8;
	[tilespmem:$0x10400] =	vst v63  }
0x48c: {  	s10 =	sld [smem:$0x745]  }
0x48d: {  	[tilespmem:s0], [sflag:$0x1] =	stream.indirect_vreg.gather [hbm4b:s5+s2], $0x80, v60, vm0, $0xb8;
	[tilespmem:$0x10400] =	vst v63  }
0x48e: {  	_ = 	snop  }
0x48f: {  	[tilespmem:s10], [sflag:$0x1] =	stream.indirect_vreg.gather [hbm4b:s5+s2], $0x80, v49, vm0, $0xb8;
	[tilespmem:$0x10400] =	vst v63  }
0x490: {  	v49 =	vld [tilespmem:$0x110];
	_ =	sdelay $0x4  }
0x491: {  	v61 =	vshll.u32 v49, $0x7  }
0x492: {  	v49 =	vand.u32 $0x7, v49;
	v50 =	vand.u32 $0xFFFFFC00, v61  }
0x493: {  	v49 =	vor.u32 v49, v50  }
0x494: {  	v50 =	vperm.xlane v49, v1;
	_ =	sdelay $0x1  }
0x495: {  	v62 =	vperm.xlane v49, v3;
	v50 =	vadd.s32 v2, v50;
	_ =	sdelay $0x1  }
0x496: {  	s0 =	sld [smem:$0x72D];
	v63 =	vperm.xlane v49, v33;
	v51 =	vadd.s32 v2, v62;
	_ =	sdelay $0x1  }
0x497: {  	s10 =	sld [smem:$0x72E];
	v56 =	vperm.xlane v49, v4;
	v52 =	vadd.s32 v2, v63  }
0x498: {  	[tilespmem:s0], [sflag:$0x1] =	stream.indirect_vreg.gather [hbm4b:s5+s2], $0x80, v50, vm0, $0xb8;
	[tilespmem:$0x10400] =	vst v63  }
0x499: {  	v58 =	vperm.xlane v49, v5;
	v57 =	vadd.s32 v2, v56;
	s0 =	sld [smem:$0x72F]  }
0x49a: {  	[tilespmem:s10], [sflag:$0x1] =	stream.indirect_vreg.gather [hbm4b:s5+s2], $0x80, v51, vm0, $0xb8;
	[tilespmem:$0x10400] =	vst v63  }
0x49b: {  	v60 =	vperm.xlane v49, v27;
	v59 =	vadd.s32 v2, v58;
	s10 =	sld [smem:$0x730]  }
0x49c: {  	[tilespmem:s0], [sflag:$0x1] =	stream.indirect_vreg.gather [hbm4b:s5+s2], $0x80, v52, vm0, $0xb8;
	[tilespmem:$0x10400] =	vst v63  }
0x49d: {  	v61 =	vadd.s32 v2, v60;
	v62 =	vperm.xlane v49, v6;
	s0 =	sld [smem:$0x728]  }
0x49e: {  	[tilespmem:s10], [sflag:$0x1] =	stream.indirect_vreg.gather [hbm4b:s5+s2], $0x80, v57, vm0, $0xb8;
	[tilespmem:$0x10400] =	vst v63  }
0x49f: {  	v56 =	vperm.xlane v49, v0;
	v63 =	vadd.s32 v2, v62;
	s10 =	sld [smem:$0x729]  }
0x4a0: {  	[tilespmem:s0], [sflag:$0x1] =	stream.indirect_vreg.gather [hbm4b:s5+s2], $0x80, v59, vm0, $0xb8;
	[tilespmem:$0x10400] =	vst v63  }
0x4a1: {  	v58 =	vperm.xlane v49, v7;
	v57 =	vadd.s32 v2, v56;
	s0 =	sld [smem:$0x72A]  }
0x4a2: {  	[tilespmem:s10], [sflag:$0x1] =	stream.indirect_vreg.gather [hbm4b:s5+s2], $0x80, v61, vm0, $0xb8;
	[tilespmem:$0x10400] =	vst v63  }
0x4a3: {  	v60 =	vperm.xlane v49, v8;
	v59 =	vadd.s32 v2, v58;
	s10 =	sld [smem:$0x746]  }
0x4a4: {  	[tilespmem:s0], [sflag:$0x1] =	stream.indirect_vreg.gather [hbm4b:s5+s2], $0x80, v63, vm0, $0xb8;
	[tilespmem:$0x10400] =	vst v63  }
0x4a5: {  	v62 =	vperm.xlane v49, v10;
	v61 =	vadd.s32 v2, v60;
	s0 =	sld [smem:$0x747]  }
0x4a6: {  	[tilespmem:s10], [sflag:$0x1] =	stream.indirect_vreg.gather [hbm4b:s5+s2], $0x80, v57, vm0, $0xb8;
	[tilespmem:$0x10400] =	vst v63  }
0x4a7: {  	v56 =	vperm.xlane v49, v11;
	v63 =	vadd.s32 v2, v62;
	s10 =	sld [smem:$0x748]  }
0x4a8: {  	[tilespmem:s0], [sflag:$0x1] =	stream.indirect_vreg.gather [hbm4b:s5+s2], $0x80, v59, vm0, $0xb8;
	[tilespmem:$0x10400] =	vst v63  }
0x4a9: {  	v58 =	vperm.xlane v49, v12;
	v57 =	vadd.s32 v2, v56;
	s0 =	sld [smem:$0x749]  }
0x4aa: {  	[tilespmem:s10], [sflag:$0x1] =	stream.indirect_vreg.gather [hbm4b:s5+s2], $0x80, v61, vm0, $0xb8;
	[tilespmem:$0x10400] =	vst v63  }
0x4ab: {  	v60 =	vperm.xlane v49, v13;
	v59 =	vadd.s32 v2, v58;
	s10 =	sld [smem:$0x74A]  }
0x4ac: {  	[tilespmem:s0], [sflag:$0x1] =	stream.indirect_vreg.gather [hbm4b:s5+s2], $0x80, v63, vm0, $0xb8;
	[tilespmem:$0x10400] =	vst v63  }
0x4ad: {  	v62 =	vperm.xlane v49, v14;
	v61 =	vadd.s32 v2, v60;
	s0 =	sld [smem:$0x74B]  }
0x4ae: {  	[tilespmem:s10], [sflag:$0x1] =	stream.indirect_vreg.gather [hbm4b:s5+s2], $0x80, v57, vm0, $0xb8;
	[tilespmem:$0x10400] =	vst v63  }
0x4af: {  	v49 =	vperm.xlane v49, v39;
	v63 =	vadd.s32 v2, v62;
	s10 =	sld [smem:$0x74C]  }
0x4b0: {  	[tilespmem:s0], [sflag:$0x1] =	stream.indirect_vreg.gather [hbm4b:s5+s2], $0x80, v59, vm0, $0xb8;
	[tilespmem:$0x10400] =	vst v63  }
0x4b1: {  	v49 =	vadd.s32 v2, v49;
	s0 =	sld [smem:$0x74D]  }
0x4b2: {  	[tilespmem:s10], [sflag:$0x1] =	stream.indirect_vreg.gather [hbm4b:s5+s2], $0x80, v61, vm0, $0xb8;
	[tilespmem:$0x10400] =	vst v63  }
0x4b3: {  	s10 =	sld [smem:$0x74E]  }
0x4b4: {  	[tilespmem:s0], [sflag:$0x1] =	stream.indirect_vreg.gather [hbm4b:s5+s2], $0x80, v63, vm0, $0xb8;
	[tilespmem:$0x10400] =	vst v63  }
0x4b5: {  	_ = 	snop  }
0x4b6: {  	[tilespmem:s10], [sflag:$0x1] =	stream.indirect_vreg.gather [hbm4b:s5+s2], $0x80, v49, vm0, $0xb8;
	[tilespmem:$0x10400] =	vst v63  }
0x4b7: {  	v49 =	vld [tilespmem:$0x120];
	_ =	sdelay $0x4  }
0x4b8: {  	v55 =	vshll.u32 v49, $0x7  }
0x4b9: {  	v49 =	vand.u32 $0x7, v49;
	v50 =	vand.u32 $0xFFFFFC00, v55  }
0x4ba: {  	v49 =	vor.u32 v49, v50  }
0x4bb: {  	v50 =	vperm.xlane v49, v1;
	_ =	sdelay $0x1  }
0x4bc: {  	v56 =	vperm.xlane v49, v3;
	v50 =	vadd.s32 v2, v50;
	_ =	sdelay $0x1  }
0x4bd: {  	s0 =	sld [smem:$0x711];
	v57 =	vperm.xlane v49, v33;
	v51 =	vadd.s32 v2, v56;
	_ =	sdelay $0x1  }
0x4be: {  	s10 =	sld [smem:$0x74F];
	v58 =	vperm.xlane v49, v4;
	v52 =	vadd.s32 v2, v57  }
0x4bf: {  	[tilespmem:s0], [sflag:$0x1] =	stream.indirect_vreg.gather [hbm4b:s5+s2], $0x80, v50, vm0, $0xb8;
	[tilespmem:$0x10400] =	vst v63  }
0x4c0: {  	v60 =	vperm.xlane v49, v5;
	v59 =	vadd.s32 v2, v58;
	s0 =	sld [smem:$0x727]  }
0x4c1: {  	[tilespmem:s10], [sflag:$0x1] =	stream.indirect_vreg.gather [hbm4b:s5+s2], $0x80, v51, vm0, $0xb8;
	[tilespmem:$0x10400] =	vst v63  }
0x4c2: {  	v62 =	vperm.xlane v49, v27;
	v61 =	vadd.s32 v2, v60;
	s10 =	sld [smem:$0x726]  }
0x4c3: {  	[tilespmem:s0], [sflag:$0x1] =	stream.indirect_vreg.gather [hbm4b:s5+s2], $0x80, v52, vm0, $0xb8;
	[tilespmem:$0x10400] =	vst v63  }
0x4c4: {  	v63 =	vadd.s32 v2, v62;
	s0 =	sld [smem:$0x725]  }
0x4c5: {  	[tilespmem:s10], [sflag:$0x1] =	stream.indirect_vreg.gather [hbm4b:s5+s2], $0x80, v59, vm0, $0xb8;
	[tilespmem:$0x10400] =	vst v63  }
0x4c6: {  	v54 =	vperm.xlane v49, v6;
	s10 =	sld [smem:$0x724]  }
0x4c7: {  	[tilespmem:s0], [sflag:$0x1] =	stream.indirect_vreg.gather [hbm4b:s5+s2], $0x80, v61, vm0, $0xb8;
	[tilespmem:$0x10400] =	vst v63  }
0x4c8: {  	v55 =	vperm.xlane v49, v0;
	v50 =	vadd.s32 v2, v54  }
0x4c9: {  	[tilespmem:s10], [sflag:$0x1] =	stream.indirect_vreg.gather [hbm4b:s5+s2], $0x80, v63, vm0, $0xb8;
	[tilespmem:$0x10400] =	vst v63  }
0x4ca: {  	v56 =	vperm.xlane v49, v7;
	v51 =	vadd.s32 v2, v55;
	s0 =	sld [smem:$0x723];
	_ =	sdelay $0x1  }
0x4cb: {  	v57 =	vperm.xlane v49, v8;
	v52 =	vadd.s32 v2, v56;
	s10 =	sld [smem:$0x722]  }
0x4cc: {  	[tilespmem:s0], [sflag:$0x1] =	stream.indirect_vreg.gather [hbm4b:s5+s2], $0x80, v50, vm0, $0xb8;
	[tilespmem:$0x10400] =	vst v63  }
0x4cd: {  	v58 =	vadd.s32 v2, v57;
	v59 =	vperm.xlane v49, v10;
	s0 =	sld [smem:$0x721]  }
0x4ce: {  	[tilespmem:s10], [sflag:$0x1] =	stream.indirect_vreg.gather [hbm4b:s5+s2], $0x80, v51, vm0, $0xb8;
	[tilespmem:$0x10400] =	vst v63  }
0x4cf: {  	v60 =	vadd.s32 v2, v59;
	v61 =	vperm.xlane v49, v11;
	s10 =	sld [smem:$0x720]  }
0x4d0: {  	[tilespmem:s0], [sflag:$0x1] =	stream.indirect_vreg.gather [hbm4b:s5+s2], $0x80, v52, vm0, $0xb8;
	[tilespmem:$0x10400] =	vst v63  }
0x4d1: {  	v62 =	vadd.s32 v2, v61;
	v63 =	vperm.xlane v49, v12;
	s0 =	sld [smem:$0x71F]  }
0x4d2: {  	[tilespmem:s10], [sflag:$0x1] =	stream.indirect_vreg.gather [hbm4b:s5+s2], $0x80, v58, vm0, $0xb8;
	[tilespmem:$0x10400] =	vst v63  }
0x4d3: {  	v57 =	vperm.xlane v49, v13;
	v56 =	vadd.s32 v2, v63;
	s10 =	sld [smem:$0x71E]  }
0x4d4: {  	[tilespmem:s0], [sflag:$0x1] =	stream.indirect_vreg.gather [hbm4b:s5+s2], $0x80, v60, vm0, $0xb8;
	[tilespmem:$0x10400] =	vst v63  }
0x4d5: {  	v59 =	vperm.xlane v49, v14;
	v58 =	vadd.s32 v2, v57;
	s0 =	sld [smem:$0x71D]  }
0x4d6: {  	[tilespmem:s10], [sflag:$0x1] =	stream.indirect_vreg.gather [hbm4b:s5+s2], $0x80, v62, vm0, $0xb8;
	[tilespmem:$0x10400] =	vst v63  }
0x4d7: {  	v49 =	vperm.xlane v49, v39;
	v60 =	vadd.s32 v2, v59;
	s10 =	sld [smem:$0x71C]  }
0x4d8: {  	[tilespmem:s0], [sflag:$0x1] =	stream.indirect_vreg.gather [hbm4b:s5+s2], $0x80, v56, vm0, $0xb8;
	[tilespmem:$0x10400] =	vst v63  }
0x4d9: {  	v49 =	vadd.s32 v2, v49;
	s0 =	sld [smem:$0x71B]  }
0x4da: {  	[tilespmem:s10], [sflag:$0x1] =	stream.indirect_vreg.gather [hbm4b:s5+s2], $0x80, v58, vm0, $0xb8;
	[tilespmem:$0x10400] =	vst v63  }
0x4db: {  	s10 =	sld [smem:$0x71A]  }
0x4dc: {  	[tilespmem:s0], [sflag:$0x1] =	stream.indirect_vreg.gather [hbm4b:s5+s2], $0x80, v60, vm0, $0xb8;
	[tilespmem:$0x10400] =	vst v63  }
0x4dd: {  	_ = 	snop  }
0x4de: {  	[tilespmem:s10], [sflag:$0x1] =	stream.indirect_vreg.gather [hbm4b:s5+s2], $0x80, v49, vm0, $0xb8;
	[tilespmem:$0x10400] =	vst v63  }
0x4df: {  	v49 =	vld [tilespmem:$0x130];
	_ =	sdelay $0x4  }
0x4e0: {  	v61 =	vshll.u32 v49, $0x7  }
0x4e1: {  	v49 =	vand.u32 $0x7, v49;
	v50 =	vand.u32 $0xFFFFFC00, v61  }
0x4e2: {  	v49 =	vor.u32 v49, v50  }
0x4e3: {  	v50 =	vperm.xlane v49, v1;
	_ =	sdelay $0x1  }
0x4e4: {  	v62 =	vperm.xlane v49, v3;
	v50 =	vadd.s32 v2, v50;
	_ =	sdelay $0x1  }
0x4e5: {  	s0 =	sld [smem:$0x719];
	v63 =	vperm.xlane v49, v33;
	v51 =	vadd.s32 v2, v62;
	_ =	sdelay $0x1  }
0x4e6: {  	s10 =	sld [smem:$0x718];
	v56 =	vperm.xlane v49, v4;
	v52 =	vadd.s32 v2, v63  }
0x4e7: {  	[tilespmem:s0], [sflag:$0x1] =	stream.indirect_vreg.gather [hbm4b:s5+s2], $0x80, v50, vm0, $0xb8;
	[tilespmem:$0x10400] =	vst v63  }
0x4e8: {  	v58 =	vperm.xlane v49, v5;
	v57 =	vadd.s32 v2, v56;
	s0 =	sld [smem:$0x717]  }
0x4e9: {  	[tilespmem:s10], [sflag:$0x1] =	stream.indirect_vreg.gather [hbm4b:s5+s2], $0x80, v51, vm0, $0xb8;
	[tilespmem:$0x10400] =	vst v63  }
0x4ea: {  	v60 =	vperm.xlane v49, v27;
	v59 =	vadd.s32 v2, v58;
	s10 =	sld [smem:$0x716]  }
0x4eb: {  	[tilespmem:s0], [sflag:$0x1] =	stream.indirect_vreg.gather [hbm4b:s5+s2], $0x80, v52, vm0, $0xb8;
	[tilespmem:$0x10400] =	vst v63  }
0x4ec: {  	v61 =	vadd.s32 v2, v60;
	v62 =	vperm.xlane v49, v6;
	s0 =	sld [smem:$0x715]  }
0x4ed: {  	[tilespmem:s10], [sflag:$0x1] =	stream.indirect_vreg.gather [hbm4b:s5+s2], $0x80, v57, vm0, $0xb8;
	[tilespmem:$0x10400] =	vst v63  }
0x4ee: {  	v56 =	vperm.xlane v49, v0;
	v63 =	vadd.s32 v2, v62;
	s10 =	sld [smem:$0x714]  }
0x4ef: {  	[tilespmem:s0], [sflag:$0x1] =	stream.indirect_vreg.gather [hbm4b:s5+s2], $0x80, v59, vm0, $0xb8;
	[tilespmem:$0x10400] =	vst v63  }
0x4f0: {  	v58 =	vperm.xlane v49, v7;
	v57 =	vadd.s32 v2, v56;
	s0 =	sld [smem:$0x713]  }
0x4f1: {  	[tilespmem:s10], [sflag:$0x1] =	stream.indirect_vreg.gather [hbm4b:s5+s2], $0x80, v61, vm0, $0xb8;
	[tilespmem:$0x10400] =	vst v63  }
0x4f2: {  	v60 =	vperm.xlane v49, v8;
	v59 =	vadd.s32 v2, v58;
	s10 =	sld [smem:$0x750]  }
0x4f3: {  	[tilespmem:s0], [sflag:$0x1] =	stream.indirect_vreg.gather [hbm4b:s5+s2], $0x80, v63, vm0, $0xb8;
	[tilespmem:$0x10400] =	vst v63  }
0x4f4: {  	v62 =	vperm.xlane v49, v10;
	v61 =	vadd.s32 v2, v60;
	s0 =	sld [smem:$0x751]  }
0x4f5: {  	[tilespmem:s10], [sflag:$0x1] =	stream.indirect_vreg.gather [hbm4b:s5+s2], $0x80, v57, vm0, $0xb8;
	[tilespmem:$0x10400] =	vst v63  }
0x4f6: {  	v56 =	vperm.xlane v49, v11;
	v63 =	vadd.s32 v2, v62;
	s10 =	sld [smem:$0x752]  }
0x4f7: {  	[tilespmem:s0], [sflag:$0x1] =	stream.indirect_vreg.gather [hbm4b:s5+s2], $0x80, v59, vm0, $0xb8;
	[tilespmem:$0x10400] =	vst v63  }
0x4f8: {  	v58 =	vperm.xlane v49, v12;
	v57 =	vadd.s32 v2, v56;
	s0 =	sld [smem:$0x72C]  }
0x4f9: {  	[tilespmem:s10], [sflag:$0x1] =	stream.indirect_vreg.gather [hbm4b:s5+s2], $0x80, v61, vm0, $0xb8;
	[tilespmem:$0x10400] =	vst v63  }
0x4fa: {  	v60 =	vperm.xlane v49, v13;
	v59 =	vadd.s32 v2, v58;
	s10 =	sld [smem:$0x732]  }
0x4fb: {  	[tilespmem:s0], [sflag:$0x1] =	stream.indirect_vreg.gather [hbm4b:s5+s2], $0x80, v63, vm0, $0xb8;
	[tilespmem:$0x10400] =	vst v63  }
0x4fc: {  	v62 =	vperm.xlane v49, v14;
	v61 =	vadd.s32 v2, v60;
	s0 =	sld [smem:$0x733]  }
0x4fd: {  	[tilespmem:s10], [sflag:$0x1] =	stream.indirect_vreg.gather [hbm4b:s5+s2], $0x80, v57, vm0, $0xb8;
	[tilespmem:$0x10400] =	vst v63  }
0x4fe: {  	v49 =	vperm.xlane v49, v39;
	v63 =	vadd.s32 v2, v62;
	s10 =	sld [smem:$0x734]  }
0x4ff: {  	[tilespmem:s0], [sflag:$0x1] =	stream.indirect_vreg.gather [hbm4b:s5+s2], $0x80, v59, vm0, $0xb8;
	[tilespmem:$0x10400] =	vst v63  }
0x500: {  	v49 =	vadd.s32 v2, v49;
	s0 =	sld [smem:$0x735]  }
0x501: {  	[tilespmem:s10], [sflag:$0x1] =	stream.indirect_vreg.gather [hbm4b:s5+s2], $0x80, v61, vm0, $0xb8;
	[tilespmem:$0x10400] =	vst v63  }
0x502: {  	s10 =	sld [smem:$0x736]  }
0x503: {  	[tilespmem:s0], [sflag:$0x1] =	stream.indirect_vreg.gather [hbm4b:s5+s2], $0x80, v63, vm0, $0xb8;
	[tilespmem:$0x10400] =	vst v63  }
0x504: {  	_ = 	snop  }
0x505: {  	[tilespmem:s10], [sflag:$0x1] =	stream.indirect_vreg.gather [hbm4b:s5+s2], $0x80, v49, vm0, $0xb8;
	[tilespmem:$0x10400] =	vst v63  }
0x506: {  	v49 =	vld [tilespmem:$0x140];
	_ =	sdelay $0x4  }
0x507: {  	v55 =	vshll.u32 v49, $0x7  }
0x508: {  	v49 =	vand.u32 $0x7, v49;
	v50 =	vand.u32 $0xFFFFFC00, v55  }
0x509: {  	v49 =	vor.u32 v49, v50  }
0x50a: {  	v50 =	vperm.xlane v49, v1;
	_ =	sdelay $0x1  }
0x50b: {  	v56 =	vperm.xlane v49, v3;
	v50 =	vadd.s32 v2, v50;
	_ =	sdelay $0x1  }
0x50c: {  	s0 =	sld [smem:$0x737];
	v57 =	vperm.xlane v49, v33;
	v51 =	vadd.s32 v2, v56;
	_ =	sdelay $0x1  }
0x50d: {  	s10 =	sld [smem:$0x753];
	v58 =	vperm.xlane v49, v4;
	v52 =	vadd.s32 v2, v57  }
0x50e: {  	[tilespmem:s0], [sflag:$0x1] =	stream.indirect_vreg.gather [hbm4b:s5+s2], $0x80, v50, vm0, $0xb8;
	[tilespmem:$0x10400] =	vst v63  }
0x50f: {  	v60 =	vperm.xlane v49, v5;
	v59 =	vadd.s32 v2, v58;
	s0 =	sld [smem:$0x754]  }
0x510: {  	[tilespmem:s10], [sflag:$0x1] =	stream.indirect_vreg.gather [hbm4b:s5+s2], $0x80, v51, vm0, $0xb8;
	[tilespmem:$0x10400] =	vst v63  }
0x511: {  	v62 =	vperm.xlane v49, v27;
	v61 =	vadd.s32 v2, v60;
	s10 =	sld [smem:$0x755]  }
0x512: {  	[tilespmem:s0], [sflag:$0x1] =	stream.indirect_vreg.gather [hbm4b:s5+s2], $0x80, v52, vm0, $0xb8;
	[tilespmem:$0x10400] =	vst v63  }
0x513: {  	v63 =	vadd.s32 v2, v62;
	v56 =	vperm.xlane v49, v6;
	s0 =	sld [smem:$0x756]  }
0x514: {  	[tilespmem:s10], [sflag:$0x1] =	stream.indirect_vreg.gather [hbm4b:s5+s2], $0x80, v59, vm0, $0xb8;
	[tilespmem:$0x10400] =	vst v63  }
0x515: {  	v58 =	vperm.xlane v49, v0;
	v57 =	vadd.s32 v2, v56;
	s10 =	sld [smem:$0x757]  }
0x516: {  	[tilespmem:s0], [sflag:$0x1] =	stream.indirect_vreg.gather [hbm4b:s5+s2], $0x80, v61, vm0, $0xb8;
	[tilespmem:$0x10400] =	vst v63  }
0x517: {  	v60 =	vperm.xlane v49, v7;
	v59 =	vadd.s32 v2, v58;
	s0 =	sld [smem:$0x758]  }
0x518: {  	[tilespmem:s10], [sflag:$0x1] =	stream.indirect_vreg.gather [hbm4b:s5+s2], $0x80, v63, vm0, $0xb8;
	[tilespmem:$0x10400] =	vst v63  }
0x519: {  	v62 =	vperm.xlane v49, v8;
	v61 =	vadd.s32 v2, v60;
	s10 =	sld [smem:$0x759]  }
0x51a: {  	[tilespmem:s0], [sflag:$0x1] =	stream.indirect_vreg.gather [hbm4b:s5+s2], $0x80, v57, vm0, $0xb8;
	[tilespmem:$0x10400] =	vst v63  }
0x51b: {  	v56 =	vperm.xlane v49, v10;
	v63 =	vadd.s32 v2, v62;
	s0 =	sld [smem:$0x75A]  }
0x51c: {  	[tilespmem:s10], [sflag:$0x1] =	stream.indirect_vreg.gather [hbm4b:s5+s2], $0x80, v59, vm0, $0xb8;
	[tilespmem:$0x10400] =	vst v63  }
0x51d: {  	v58 =	vperm.xlane v49, v11;
	v57 =	vadd.s32 v2, v56;
	s10 =	sld [smem:$0x75B]  }
0x51e: {  	[tilespmem:s0], [sflag:$0x1] =	stream.indirect_vreg.gather [hbm4b:s5+s2], $0x80, v61, vm0, $0xb8;
	[tilespmem:$0x10400] =	vst v63  }
0x51f: {  	v60 =	vperm.xlane v49, v12;
	v59 =	vadd.s32 v2, v58;
	s0 =	sld [smem:$0x75C]  }
0x520: {  	[tilespmem:s10], [sflag:$0x1] =	stream.indirect_vreg.gather [hbm4b:s5+s2], $0x80, v63, vm0, $0xb8;
	[tilespmem:$0x10400] =	vst v63  }
0x521: {  	v62 =	vperm.xlane v49, v13;
	v61 =	vadd.s32 v2, v60;
	s10 =	sld [smem:$0x75D]  }
0x522: {  	[tilespmem:s0], [sflag:$0x1] =	stream.indirect_vreg.gather [hbm4b:s5+s2], $0x80, v57, vm0, $0xb8;
	[tilespmem:$0x10400] =	vst v63  }
0x523: {  	v56 =	vperm.xlane v49, v14;
	v63 =	vadd.s32 v2, v62;
	s0 =	sld [smem:$0x75E]  }
0x524: {  	[tilespmem:s10], [sflag:$0x1] =	stream.indirect_vreg.gather [hbm4b:s5+s2], $0x80, v59, vm0, $0xb8;
	[tilespmem:$0x10400] =	vst v63  }
0x525: {  	v49 =	vperm.xlane v49, v39;
	v57 =	vadd.s32 v2, v56;
	s10 =	sld [smem:$0x75F]  }
0x526: {  	[tilespmem:s0], [sflag:$0x1] =	stream.indirect_vreg.gather [hbm4b:s5+s2], $0x80, v61, vm0, $0xb8;
	[tilespmem:$0x10400] =	vst v63  }
0x527: {  	v49 =	vadd.s32 v2, v49;
	s0 =	sld [smem:$0x760]  }
0x528: {  	[tilespmem:s10], [sflag:$0x1] =	stream.indirect_vreg.gather [hbm4b:s5+s2], $0x80, v63, vm0, $0xb8;
	[tilespmem:$0x10400] =	vst v63  }
0x529: {  	s10 =	sld [smem:$0x761]  }
0x52a: {  	[tilespmem:s0], [sflag:$0x1] =	stream.indirect_vreg.gather [hbm4b:s5+s2], $0x80, v57, vm0, $0xb8;
	[tilespmem:$0x10400] =	vst v63  }
0x52b: {  	_ = 	snop  }
0x52c: {  	[tilespmem:s10], [sflag:$0x1] =	stream.indirect_vreg.gather [hbm4b:s5+s2], $0x80, v49, vm0, $0xb8;
	[tilespmem:$0x10400] =	vst v63  }
0x52d: {  	v49 =	vld [tilespmem:$0x150];
	_ =	sdelay $0x4  }
0x52e: {  	v58 =	vshll.u32 v49, $0x7  }
0x52f: {  	v49 =	vand.u32 $0x7, v49;
	v50 =	vand.u32 $0xFFFFFC00, v58  }
0x530: {  	v49 =	vor.u32 v49, v50  }
0x531: {  	v50 =	vperm.xlane v49, v1;
	_ =	sdelay $0x1  }
0x532: {  	v59 =	vperm.xlane v49, v3;
	v50 =	vadd.s32 v2, v50;
	_ =	sdelay $0x1  }
0x533: {  	s0 =	sld [smem:$0x762];
	v60 =	vperm.xlane v49, v33;
	v51 =	vadd.s32 v2, v59;
	_ =	sdelay $0x1  }
0x534: {  	s10 =	sld [smem:$0x763];
	v61 =	vperm.xlane v49, v4;
	v52 =	vadd.s32 v2, v60  }
0x535: {  	[tilespmem:s0], [sflag:$0x1] =	stream.indirect_vreg.gather [hbm4b:s5+s2], $0x80, v50, vm0, $0xb8;
	[tilespmem:$0x10400] =	vst v63  }
0x536: {  	v63 =	vperm.xlane v49, v5;
	v62 =	vadd.s32 v2, v61;
	s0 =	sld [smem:$0x764]  }
0x537: {  	[tilespmem:s10], [sflag:$0x1] =	stream.indirect_vreg.gather [hbm4b:s5+s2], $0x80, v51, vm0, $0xb8;
	[tilespmem:$0x10400] =	vst v63  }
0x538: {  	v57 =	vperm.xlane v49, v27;
	v56 =	vadd.s32 v2, v63;
	s10 =	sld [smem:$0x765]  }
0x539: {  	[tilespmem:s0], [sflag:$0x1] =	stream.indirect_vreg.gather [hbm4b:s5+s2], $0x80, v52, vm0, $0xb8;
	[tilespmem:$0x10400] =	vst v63  }
0x53a: {  	v58 =	vadd.s32 v2, v57;
	v59 =	vperm.xlane v49, v6;
	s0 =	sld [smem:$0x766]  }
0x53b: {  	[tilespmem:s10], [sflag:$0x1] =	stream.indirect_vreg.gather [hbm4b:s5+s2], $0x80, v62, vm0, $0xb8;
	[tilespmem:$0x10400] =	vst v63  }
0x53c: {  	v61 =	vperm.xlane v49, v0;
	v60 =	vadd.s32 v2, v59;
	s10 =	sld [smem:$0x767]  }
0x53d: {  	[tilespmem:s0], [sflag:$0x1] =	stream.indirect_vreg.gather [hbm4b:s5+s2], $0x80, v56, vm0, $0xb8;
	[tilespmem:$0x10400] =	vst v63  }
0x53e: {  	v63 =	vperm.xlane v49, v7;
	v62 =	vadd.s32 v2, v61;
	s0 =	sld [smem:$0x768]  }
0x53f: {  	[tilespmem:s10], [sflag:$0x1] =	stream.indirect_vreg.gather [hbm4b:s5+s2], $0x80, v58, vm0, $0xb8;
	[tilespmem:$0x10400] =	vst v63  }
0x540: {  	v57 =	vperm.xlane v49, v8;
	v56 =	vadd.s32 v2, v63;
	s10 =	sld [smem:$0x769]  }
0x541: {  	[tilespmem:s0], [sflag:$0x1] =	stream.indirect_vreg.gather [hbm4b:s5+s2], $0x80, v60, vm0, $0xb8;
	[tilespmem:$0x10400] =	vst v63  }
0x542: {  	v59 =	vperm.xlane v49, v10;
	v58 =	vadd.s32 v2, v57;
	s0 =	sld [smem:$0x76A]  }
0x543: {  	[tilespmem:s10], [sflag:$0x1] =	stream.indirect_vreg.gather [hbm4b:s5+s2], $0x80, v62, vm0, $0xb8;
	[tilespmem:$0x10400] =	vst v63  }
0x544: {  	v61 =	vperm.xlane v49, v11;
	v60 =	vadd.s32 v2, v59;
	s10 =	sld [smem:$0x76B]  }
0x545: {  	[tilespmem:s0], [sflag:$0x1] =	stream.indirect_vreg.gather [hbm4b:s5+s2], $0x80, v56, vm0, $0xb8;
	[tilespmem:$0x10400] =	vst v63  }
0x546: {  	v63 =	vperm.xlane v49, v12;
	v62 =	vadd.s32 v2, v61;
	s0 =	sld [smem:$0x76C]  }
0x547: {  	[tilespmem:s10], [sflag:$0x1] =	stream.indirect_vreg.gather [hbm4b:s5+s2], $0x80, v58, vm0, $0xb8;
	[tilespmem:$0x10400] =	vst v63  }
0x548: {  	v57 =	vperm.xlane v49, v13;
	v56 =	vadd.s32 v2, v63;
	s10 =	sld [smem:$0x76D]  }
0x549: {  	[tilespmem:s0], [sflag:$0x1] =	stream.indirect_vreg.gather [hbm4b:s5+s2], $0x80, v60, vm0, $0xb8;
	[tilespmem:$0x10400] =	vst v63  }
0x54a: {  	v59 =	vperm.xlane v49, v14;
	v58 =	vadd.s32 v2, v57;
	s0 =	sld [smem:$0x76E]  }
0x54b: {  	[tilespmem:s10], [sflag:$0x1] =	stream.indirect_vreg.gather [hbm4b:s5+s2], $0x80, v62, vm0, $0xb8;
	[tilespmem:$0x10400] =	vst v63  }
0x54c: {  	v49 =	vperm.xlane v49, v39;
	v60 =	vadd.s32 v2, v59;
	s10 =	sld [smem:$0x76F]  }
0x54d: {  	[tilespmem:s0], [sflag:$0x1] =	stream.indirect_vreg.gather [hbm4b:s5+s2], $0x80, v56, vm0, $0xb8;
	[tilespmem:$0x10400] =	vst v63  }
0x54e: {  	v49 =	vadd.s32 v2, v49;
	s0 =	sld [smem:$0x770]  }
0x54f: {  	[tilespmem:s10], [sflag:$0x1] =	stream.indirect_vreg.gather [hbm4b:s5+s2], $0x80, v58, vm0, $0xb8;
	[tilespmem:$0x10400] =	vst v63  }
0x550: {  	s10 =	sld [smem:$0x771]  }
0x551: {  	[tilespmem:s0], [sflag:$0x1] =	stream.indirect_vreg.gather [hbm4b:s5+s2], $0x80, v60, vm0, $0xb8;
	[tilespmem:$0x10400] =	vst v63  }
0x552: {  	_ = 	snop  }
0x553: {  	[tilespmem:s10], [sflag:$0x1] =	stream.indirect_vreg.gather [hbm4b:s5+s2], $0x80, v49, vm0, $0xb8;
	[tilespmem:$0x10400] =	vst v63  }
0x554: {  	v49 =	vld [tilespmem:$0x160];
	_ =	sdelay $0x4  }
0x555: {  	v61 =	vshll.u32 v49, $0x7  }
0x556: {  	v49 =	vand.u32 $0x7, v49;
	v50 =	vand.u32 $0xFFFFFC00, v61  }
0x557: {  	v49 =	vor.u32 v49, v50  }
0x558: {  	v50 =	vperm.xlane v49, v1;
	_ =	sdelay $0x1  }
0x559: {  	v62 =	vperm.xlane v49, v3;
	v50 =	vadd.s32 v2, v50;
	_ =	sdelay $0x1  }
0x55a: {  	s0 =	sld [smem:$0x772];
	v63 =	vperm.xlane v49, v33;
	v51 =	vadd.s32 v2, v62;
	_ =	sdelay $0x1  }
0x55b: {  	s10 =	sld [smem:$0x773];
	v56 =	vperm.xlane v49, v4;
	v52 =	vadd.s32 v2, v63  }
0x55c: {  	[tilespmem:s0], [sflag:$0x1] =	stream.indirect_vreg.gather [hbm4b:s5+s2], $0x80, v50, vm0, $0xb8;
	[tilespmem:$0x10400] =	vst v63  }
0x55d: {  	v58 =	vperm.xlane v49, v5;
	v57 =	vadd.s32 v2, v56;
	s0 =	sld [smem:$0x774]  }
0x55e: {  	[tilespmem:s10], [sflag:$0x1] =	stream.indirect_vreg.gather [hbm4b:s5+s2], $0x80, v51, vm0, $0xb8;
	[tilespmem:$0x10400] =	vst v63  }
0x55f: {  	v60 =	vperm.xlane v49, v27;
	v59 =	vadd.s32 v2, v58;
	s10 =	sld [smem:$0x775]  }
0x560: {  	[tilespmem:s0], [sflag:$0x1] =	stream.indirect_vreg.gather [hbm4b:s5+s2], $0x80, v52, vm0, $0xb8;
	[tilespmem:$0x10400] =	vst v63  }
0x561: {  	v61 =	vadd.s32 v2, v60;
	v62 =	vperm.xlane v49, v6;
	s0 =	sld [smem:$0x776]  }
0x562: {  	[tilespmem:s10], [sflag:$0x1] =	stream.indirect_vreg.gather [hbm4b:s5+s2], $0x80, v57, vm0, $0xb8;
	[tilespmem:$0x10400] =	vst v63  }
0x563: {  	v56 =	vperm.xlane v49, v0;
	v63 =	vadd.s32 v2, v62;
	s10 =	sld [smem:$0x777]  }
0x564: {  	[tilespmem:s0], [sflag:$0x1] =	stream.indirect_vreg.gather [hbm4b:s5+s2], $0x80, v59, vm0, $0xb8;
	[tilespmem:$0x10400] =	vst v63  }
0x565: {  	v58 =	vperm.xlane v49, v7;
	v57 =	vadd.s32 v2, v56;
	s0 =	sld [smem:$0x778]  }
0x566: {  	[tilespmem:s10], [sflag:$0x1] =	stream.indirect_vreg.gather [hbm4b:s5+s2], $0x80, v61, vm0, $0xb8;
	[tilespmem:$0x10400] =	vst v63  }
0x567: {  	v60 =	vperm.xlane v49, v8;
	v59 =	vadd.s32 v2, v58;
	s10 =	sld [smem:$0x779]  }
0x568: {  	[tilespmem:s0], [sflag:$0x1] =	stream.indirect_vreg.gather [hbm4b:s5+s2], $0x80, v63, vm0, $0xb8;
	[tilespmem:$0x10400] =	vst v63  }
0x569: {  	v62 =	vperm.xlane v49, v10;
	v61 =	vadd.s32 v2, v60;
	s0 =	sld [smem:$0x77A]  }
0x56a: {  	[tilespmem:s10], [sflag:$0x1] =	stream.indirect_vreg.gather [hbm4b:s5+s2], $0x80, v57, vm0, $0xb8;
	[tilespmem:$0x10400] =	vst v63  }
0x56b: {  	v56 =	vperm.xlane v49, v11;
	v63 =	vadd.s32 v2, v62;
	s10 =	sld [smem:$0x77B]  }
0x56c: {  	[tilespmem:s0], [sflag:$0x1] =	stream.indirect_vreg.gather [hbm4b:s5+s2], $0x80, v59, vm0, $0xb8;
	[tilespmem:$0x10400] =	vst v63  }
0x56d: {  	v58 =	vperm.xlane v49, v12;
	v57 =	vadd.s32 v2, v56;
	s0 =	sld [smem:$0x77C]  }
0x56e: {  	[tilespmem:s10], [sflag:$0x1] =	stream.indirect_vreg.gather [hbm4b:s5+s2], $0x80, v61, vm0, $0xb8;
	[tilespmem:$0x10400] =	vst v63  }
0x56f: {  	v60 =	vperm.xlane v49, v13;
	v59 =	vadd.s32 v2, v58;
	s10 =	sld [smem:$0x77D]  }
0x570: {  	[tilespmem:s0], [sflag:$0x1] =	stream.indirect_vreg.gather [hbm4b:s5+s2], $0x80, v63, vm0, $0xb8;
	[tilespmem:$0x10400] =	vst v63  }
0x571: {  	v62 =	vperm.xlane v49, v14;
	v61 =	vadd.s32 v2, v60;
	s0 =	sld [smem:$0x77E]  }
0x572: {  	[tilespmem:s10], [sflag:$0x1] =	stream.indirect_vreg.gather [hbm4b:s5+s2], $0x80, v57, vm0, $0xb8;
	[tilespmem:$0x10400] =	vst v63  }
0x573: {  	v49 =	vperm.xlane v49, v39;
	v63 =	vadd.s32 v2, v62;
	s10 =	sld [smem:$0x77F]  }
0x574: {  	[tilespmem:s0], [sflag:$0x1] =	stream.indirect_vreg.gather [hbm4b:s5+s2], $0x80, v59, vm0, $0xb8;
	[tilespmem:$0x10400] =	vst v63  }
0x575: {  	v49 =	vadd.s32 v2, v49;
	s0 =	sld [smem:$0x780]  }
0x576: {  	[tilespmem:s10], [sflag:$0x1] =	stream.indirect_vreg.gather [hbm4b:s5+s2], $0x80, v61, vm0, $0xb8;
	[tilespmem:$0x10400] =	vst v63  }
0x577: {  	s10 =	sld [smem:$0x781]  }
0x578: {  	[tilespmem:s0], [sflag:$0x1] =	stream.indirect_vreg.gather [hbm4b:s5+s2], $0x80, v63, vm0, $0xb8;
	[tilespmem:$0x10400] =	vst v63  }
0x579: {  	_ = 	snop  }
0x57a: {  	[tilespmem:s10], [sflag:$0x1] =	stream.indirect_vreg.gather [hbm4b:s5+s2], $0x80, v49, vm0, $0xb8;
	[tilespmem:$0x10400] =	vst v63  }
0x57b: {  	v49 =	vld [tilespmem:$0x170];
	_ =	sdelay $0x4  }
0x57c: {  	v55 =	vshll.u32 v49, $0x7  }
0x57d: {  	v49 =	vand.u32 $0x7, v49;
	v50 =	vand.u32 $0xFFFFFC00, v55  }
0x57e: {  	v49 =	vor.u32 v49, v50  }
0x57f: {  	v50 =	vperm.xlane v49, v1;
	_ =	sdelay $0x1  }
0x580: {  	v56 =	vperm.xlane v49, v3;
	v50 =	vadd.s32 v2, v50;
	_ =	sdelay $0x1  }
0x581: {  	s0 =	sld [smem:$0x782];
	v57 =	vperm.xlane v49, v33;
	v51 =	vadd.s32 v2, v56;
	_ =	sdelay $0x1  }
0x582: {  	s10 =	sld [smem:$0x783];
	v58 =	vperm.xlane v49, v4;
	v52 =	vadd.s32 v2, v57  }
0x583: {  	[tilespmem:s0], [sflag:$0x1] =	stream.indirect_vreg.gather [hbm4b:s5+s2], $0x80, v50, vm0, $0xb8;
	[tilespmem:$0x10400] =	vst v63  }
0x584: {  	v60 =	vperm.xlane v49, v5;
	v59 =	vadd.s32 v2, v58;
	s0 =	sld [smem:$0x784]  }
0x585: {  	[tilespmem:s10], [sflag:$0x1] =	stream.indirect_vreg.gather [hbm4b:s5+s2], $0x80, v51, vm0, $0xb8;
	[tilespmem:$0x10400] =	vst v63  }
0x586: {  	v62 =	vperm.xlane v49, v27;
	v61 =	vadd.s32 v2, v60;
	s10 =	sld [smem:$0x785]  }
0x587: {  	[tilespmem:s0], [sflag:$0x1] =	stream.indirect_vreg.gather [hbm4b:s5+s2], $0x80, v52, vm0, $0xb8;
	[tilespmem:$0x10400] =	vst v63  }
0x588: {  	v63 =	vadd.s32 v2, v62;
	v56 =	vperm.xlane v49, v6;
	s0 =	sld [smem:$0x786]  }
0x589: {  	[tilespmem:s10], [sflag:$0x1] =	stream.indirect_vreg.gather [hbm4b:s5+s2], $0x80, v59, vm0, $0xb8;
	[tilespmem:$0x10400] =	vst v63  }
0x58a: {  	v58 =	vperm.xlane v49, v0;
	v57 =	vadd.s32 v2, v56;
	s10 =	sld [smem:$0x787]  }
0x58b: {  	[tilespmem:s0], [sflag:$0x1] =	stream.indirect_vreg.gather [hbm4b:s5+s2], $0x80, v61, vm0, $0xb8;
	[tilespmem:$0x10400] =	vst v63  }
0x58c: {  	v60 =	vperm.xlane v49, v7;
	v59 =	vadd.s32 v2, v58;
	s0 =	sld [smem:$0x788]  }
0x58d: {  	[tilespmem:s10], [sflag:$0x1] =	stream.indirect_vreg.gather [hbm4b:s5+s2], $0x80, v63, vm0, $0xb8;
	[tilespmem:$0x10400] =	vst v63  }
0x58e: {  	v62 =	vperm.xlane v49, v8;
	v61 =	vadd.s32 v2, v60;
	s10 =	sld [smem:$0x789]  }
0x58f: {  	[tilespmem:s0], [sflag:$0x1] =	stream.indirect_vreg.gather [hbm4b:s5+s2], $0x80, v57, vm0, $0xb8;
	[tilespmem:$0x10400] =	vst v63  }
0x590: {  	v56 =	vperm.xlane v49, v10;
	v63 =	vadd.s32 v2, v62;
	s0 =	sld [smem:$0x78A]  }
0x591: {  	[tilespmem:s10], [sflag:$0x1] =	stream.indirect_vreg.gather [hbm4b:s5+s2], $0x80, v59, vm0, $0xb8;
	[tilespmem:$0x10400] =	vst v63  }
0x592: {  	v58 =	vperm.xlane v49, v11;
	v57 =	vadd.s32 v2, v56;
	s10 =	sld [smem:$0x78B]  }
0x593: {  	[tilespmem:s0], [sflag:$0x1] =	stream.indirect_vreg.gather [hbm4b:s5+s2], $0x80, v61, vm0, $0xb8;
	[tilespmem:$0x10400] =	vst v63  }
0x594: {  	v60 =	vperm.xlane v49, v12;
	v59 =	vadd.s32 v2, v58;
	s0 =	sld [smem:$0x78C]  }
0x595: {  	[tilespmem:s10], [sflag:$0x1] =	stream.indirect_vreg.gather [hbm4b:s5+s2], $0x80, v63, vm0, $0xb8;
	[tilespmem:$0x10400] =	vst v63  }
0x596: {  	v62 =	vperm.xlane v49, v13;
	v61 =	vadd.s32 v2, v60;
	s10 =	sld [smem:$0x78D]  }
0x597: {  	[tilespmem:s0], [sflag:$0x1] =	stream.indirect_vreg.gather [hbm4b:s5+s2], $0x80, v57, vm0, $0xb8;
	[tilespmem:$0x10400] =	vst v63  }
0x598: {  	v56 =	vperm.xlane v49, v14;
	v63 =	vadd.s32 v2, v62;
	s0 =	sld [smem:$0x78E]  }
0x599: {  	[tilespmem:s10], [sflag:$0x1] =	stream.indirect_vreg.gather [hbm4b:s5+s2], $0x80, v59, vm0, $0xb8;
	[tilespmem:$0x10400] =	vst v63  }
0x59a: {  	v49 =	vperm.xlane v49, v39;
	v57 =	vadd.s32 v2, v56;
	s10 =	sld [smem:$0x78F]  }
0x59b: {  	[tilespmem:s0], [sflag:$0x1] =	stream.indirect_vreg.gather [hbm4b:s5+s2], $0x80, v61, vm0, $0xb8;
	[tilespmem:$0x10400] =	vst v63  }
0x59c: {  	v49 =	vadd.s32 v2, v49;
	s0 =	sld [smem:$0x790]  }
0x59d: {  	[tilespmem:s10], [sflag:$0x1] =	stream.indirect_vreg.gather [hbm4b:s5+s2], $0x80, v63, vm0, $0xb8;
	[tilespmem:$0x10400] =	vst v63  }
0x59e: {  	s10 =	sld [smem:$0x791]  }
0x59f: {  	[tilespmem:s0], [sflag:$0x1] =	stream.indirect_vreg.gather [hbm4b:s5+s2], $0x80, v57, vm0, $0xb8;
	[tilespmem:$0x10400] =	vst v63  }
0x5a0: {  	_ = 	snop  }
0x5a1: {  	[tilespmem:s10], [sflag:$0x1] =	stream.indirect_vreg.gather [hbm4b:s5+s2], $0x80, v49, vm0, $0xb8;
	[tilespmem:$0x10400] =	vst v63  }
0x5a2: {  	v49 =	vld [tilespmem:$0x180];
	_ =	sdelay $0x4  }
0x5a3: {  	v58 =	vshll.u32 v49, $0x7  }
0x5a4: {  	v49 =	vand.u32 $0x7, v49;
	v50 =	vand.u32 $0xFFFFFC00, v58  }
0x5a5: {  	v49 =	vor.u32 v49, v50  }
0x5a6: {  	v50 =	vperm.xlane v49, v1;
	_ =	sdelay $0x1  }
0x5a7: {  	v59 =	vperm.xlane v49, v3;
	v50 =	vadd.s32 v2, v50;
	_ =	sdelay $0x1  }
0x5a8: {  	s0 =	sld [smem:$0x792];
	v60 =	vperm.xlane v49, v33;
	v51 =	vadd.s32 v2, v59;
	_ =	sdelay $0x1  }
0x5a9: {  	s10 =	sld [smem:$0x793];
	v61 =	vperm.xlane v49, v4;
	v52 =	vadd.s32 v2, v60  }
0x5aa: {  	[tilespmem:s0], [sflag:$0x1] =	stream.indirect_vreg.gather [hbm4b:s6+s2], $0x80, v50, vm0, $0xb8;
	[tilespmem:$0x10400] =	vst v63  }
0x5ab: {  	v63 =	vperm.xlane v49, v5;
	v62 =	vadd.s32 v2, v61;
	s0 =	sld [smem:$0x794]  }
0x5ac: {  	[tilespmem:s10], [sflag:$0x1] =	stream.indirect_vreg.gather [hbm4b:s6+s2], $0x80, v51, vm0, $0xb8;
	[tilespmem:$0x10400] =	vst v63  }
0x5ad: {  	v57 =	vperm.xlane v49, v27;
	v56 =	vadd.s32 v2, v63;
	s10 =	sld [smem:$0x795]  }
0x5ae: {  	[tilespmem:s0], [sflag:$0x1] =	stream.indirect_vreg.gather [hbm4b:s6+s2], $0x80, v52, vm0, $0xb8;
	[tilespmem:$0x10400] =	vst v63  }
0x5af: {  	v58 =	vadd.s32 v2, v57;
	v59 =	vperm.xlane v49, v6;
	s0 =	sld [smem:$0x796]  }
0x5b0: {  	[tilespmem:s10], [sflag:$0x1] =	stream.indirect_vreg.gather [hbm4b:s6+s2], $0x80, v62, vm0, $0xb8;
	[tilespmem:$0x10400] =	vst v63  }
0x5b1: {  	v61 =	vperm.xlane v49, v0;
	v60 =	vadd.s32 v2, v59;
	s10 =	sld [smem:$0x797]  }
0x5b2: {  	[tilespmem:s0], [sflag:$0x1] =	stream.indirect_vreg.gather [hbm4b:s6+s2], $0x80, v56, vm0, $0xb8;
	[tilespmem:$0x10400] =	vst v63  }
0x5b3: {  	v63 =	vperm.xlane v49, v7;
	v62 =	vadd.s32 v2, v61;
	s0 =	sld [smem:$0x798]  }
0x5b4: {  	[tilespmem:s10], [sflag:$0x1] =	stream.indirect_vreg.gather [hbm4b:s6+s2], $0x80, v58, vm0, $0xb8;
	[tilespmem:$0x10400] =	vst v63  }
0x5b5: {  	v57 =	vperm.xlane v49, v8;
	v56 =	vadd.s32 v2, v63;
	s10 =	sld [smem:$0x799]  }
0x5b6: {  	[tilespmem:s0], [sflag:$0x1] =	stream.indirect_vreg.gather [hbm4b:s6+s2], $0x80, v60, vm0, $0xb8;
	[tilespmem:$0x10400] =	vst v63  }
0x5b7: {  	v59 =	vperm.xlane v49, v10;
	v58 =	vadd.s32 v2, v57;
	s0 =	sld [smem:$0x79A]  }
0x5b8: {  	[tilespmem:s10], [sflag:$0x1] =	stream.indirect_vreg.gather [hbm4b:s6+s2], $0x80, v62, vm0, $0xb8;
	[tilespmem:$0x10400] =	vst v63  }
0x5b9: {  	v61 =	vperm.xlane v49, v11;
	v60 =	vadd.s32 v2, v59;
	s10 =	sld [smem:$0x79B]  }
0x5ba: {  	[tilespmem:s0], [sflag:$0x1] =	stream.indirect_vreg.gather [hbm4b:s6+s2], $0x80, v56, vm0, $0xb8;
	[tilespmem:$0x10400] =	vst v63  }
0x5bb: {  	v63 =	vperm.xlane v49, v12;
	v62 =	vadd.s32 v2, v61;
	s0 =	sld [smem:$0x79C]  }
0x5bc: {  	[tilespmem:s10], [sflag:$0x1] =	stream.indirect_vreg.gather [hbm4b:s6+s2], $0x80, v58, vm0, $0xb8;
	[tilespmem:$0x10400] =	vst v63  }
0x5bd: {  	v57 =	vperm.xlane v49, v13;
	v56 =	vadd.s32 v2, v63;
	s10 =	sld [smem:$0x79D]  }
0x5be: {  	[tilespmem:s0], [sflag:$0x1] =	stream.indirect_vreg.gather [hbm4b:s6+s2], $0x80, v60, vm0, $0xb8;
	[tilespmem:$0x10400] =	vst v63  }
0x5bf: {  	v59 =	vperm.xlane v49, v14;
	v58 =	vadd.s32 v2, v57;
	s0 =	sld [smem:$0x79E]  }
0x5c0: {  	[tilespmem:s10], [sflag:$0x1] =	stream.indirect_vreg.gather [hbm4b:s6+s2], $0x80, v62, vm0, $0xb8;
	[tilespmem:$0x10400] =	vst v63  }
0x5c1: {  	v49 =	vperm.xlane v49, v39;
	v60 =	vadd.s32 v2, v59;
	s10 =	sld [smem:$0x79F]  }
0x5c2: {  	[tilespmem:s0], [sflag:$0x1] =	stream.indirect_vreg.gather [hbm4b:s6+s2], $0x80, v56, vm0, $0xb8;
	[tilespmem:$0x10400] =	vst v63  }
0x5c3: {  	v49 =	vadd.s32 v2, v49;
	s0 =	sld [smem:$0x7A0]  }
0x5c4: {  	[tilespmem:s10], [sflag:$0x1] =	stream.indirect_vreg.gather [hbm4b:s6+s2], $0x80, v58, vm0, $0xb8;
	[tilespmem:$0x10400] =	vst v63  }
0x5c5: {  	s10 =	sld [smem:$0x7A1]  }
0x5c6: {  	[tilespmem:s0], [sflag:$0x1] =	stream.indirect_vreg.gather [hbm4b:s6+s2], $0x80, v60, vm0, $0xb8;
	[tilespmem:$0x10400] =	vst v63  }
0x5c7: {  	_ = 	snop  }
0x5c8: {  	[tilespmem:s10], [sflag:$0x1] =	stream.indirect_vreg.gather [hbm4b:s6+s2], $0x80, v49, vm0, $0xb8;
	[tilespmem:$0x10400] =	vst v63  }
0x5c9: {  	v49 =	vld [tilespmem:$0x190];
	_ =	sdelay $0x4  }
0x5ca: {  	v61 =	vshll.u32 v49, $0x7  }
0x5cb: {  	v49 =	vand.u32 $0x7, v49;
	v50 =	vand.u32 $0xFFFFFC00, v61  }
0x5cc: {  	v49 =	vor.u32 v49, v50  }
0x5cd: {  	v50 =	vperm.xlane v49, v1;
	_ =	sdelay $0x1  }
0x5ce: {  	v62 =	vperm.xlane v49, v3;
	v50 =	vadd.s32 v2, v50;
	_ =	sdelay $0x1  }
0x5cf: {  	s0 =	sld [smem:$0x7A2];
	v63 =	vperm.xlane v49, v33;
	v51 =	vadd.s32 v2, v62;
	_ =	sdelay $0x1  }
0x5d0: {  	s10 =	sld [smem:$0x7A3];
	v56 =	vperm.xlane v49, v4;
	v52 =	vadd.s32 v2, v63  }
0x5d1: {  	[tilespmem:s0], [sflag:$0x1] =	stream.indirect_vreg.gather [hbm4b:s6+s2], $0x80, v50, vm0, $0xb8;
	[tilespmem:$0x10400] =	vst v63  }
0x5d2: {  	v58 =	vperm.xlane v49, v5;
	v57 =	vadd.s32 v2, v56;
	s0 =	sld [smem:$0x7A4]  }
0x5d3: {  	[tilespmem:s10], [sflag:$0x1] =	stream.indirect_vreg.gather [hbm4b:s6+s2], $0x80, v51, vm0, $0xb8;
	[tilespmem:$0x10400] =	vst v63  }
0x5d4: {  	v60 =	vperm.xlane v49, v27;
	v59 =	vadd.s32 v2, v58;
	s10 =	sld [smem:$0x7A5]  }
0x5d5: {  	[tilespmem:s0], [sflag:$0x1] =	stream.indirect_vreg.gather [hbm4b:s6+s2], $0x80, v52, vm0, $0xb8;
	[tilespmem:$0x10400] =	vst v63  }
0x5d6: {  	v61 =	vadd.s32 v2, v60;
	v62 =	vperm.xlane v49, v6;
	s0 =	sld [smem:$0x7A6]  }
0x5d7: {  	[tilespmem:s10], [sflag:$0x1] =	stream.indirect_vreg.gather [hbm4b:s6+s2], $0x80, v57, vm0, $0xb8;
	[tilespmem:$0x10400] =	vst v63  }
0x5d8: {  	v56 =	vperm.xlane v49, v0;
	v63 =	vadd.s32 v2, v62;
	s10 =	sld [smem:$0x7A7]  }
0x5d9: {  	[tilespmem:s0], [sflag:$0x1] =	stream.indirect_vreg.gather [hbm4b:s6+s2], $0x80, v59, vm0, $0xb8;
	[tilespmem:$0x10400] =	vst v63  }
0x5da: {  	v58 =	vperm.xlane v49, v7;
	v57 =	vadd.s32 v2, v56;
	s0 =	sld [smem:$0x7A8]  }
0x5db: {  	[tilespmem:s10], [sflag:$0x1] =	stream.indirect_vreg.gather [hbm4b:s6+s2], $0x80, v61, vm0, $0xb8;
	[tilespmem:$0x10400] =	vst v63  }
0x5dc: {  	v60 =	vperm.xlane v49, v8;
	v59 =	vadd.s32 v2, v58;
	s10 =	sld [smem:$0x7A9]  }
0x5dd: {  	[tilespmem:s0], [sflag:$0x1] =	stream.indirect_vreg.gather [hbm4b:s6+s2], $0x80, v63, vm0, $0xb8;
	[tilespmem:$0x10400] =	vst v63  }
0x5de: {  	v62 =	vperm.xlane v49, v10;
	v61 =	vadd.s32 v2, v60;
	s0 =	sld [smem:$0x7AA]  }
0x5df: {  	[tilespmem:s10], [sflag:$0x1] =	stream.indirect_vreg.gather [hbm4b:s6+s2], $0x80, v57, vm0, $0xb8;
	[tilespmem:$0x10400] =	vst v63  }
0x5e0: {  	v56 =	vperm.xlane v49, v11;
	v63 =	vadd.s32 v2, v62;
	s10 =	sld [smem:$0x7AB]  }
0x5e1: {  	[tilespmem:s0], [sflag:$0x1] =	stream.indirect_vreg.gather [hbm4b:s6+s2], $0x80, v59, vm0, $0xb8;
	[tilespmem:$0x10400] =	vst v63  }
0x5e2: {  	v58 =	vperm.xlane v49, v12;
	v57 =	vadd.s32 v2, v56;
	s0 =	sld [smem:$0x7AC]  }
0x5e3: {  	[tilespmem:s10], [sflag:$0x1] =	stream.indirect_vreg.gather [hbm4b:s6+s2], $0x80, v61, vm0, $0xb8;
	[tilespmem:$0x10400] =	vst v63  }
0x5e4: {  	v60 =	vperm.xlane v49, v13;
	v59 =	vadd.s32 v2, v58;
	s10 =	sld [smem:$0x7AD]  }
0x5e5: {  	[tilespmem:s0], [sflag:$0x1] =	stream.indirect_vreg.gather [hbm4b:s6+s2], $0x80, v63, vm0, $0xb8;
	[tilespmem:$0x10400] =	vst v63  }
0x5e6: {  	v62 =	vperm.xlane v49, v14;
	v61 =	vadd.s32 v2, v60;
	s0 =	sld [smem:$0x7AE]  }
0x5e7: {  	[tilespmem:s10], [sflag:$0x1] =	stream.indirect_vreg.gather [hbm4b:s6+s2], $0x80, v57, vm0, $0xb8;
	[tilespmem:$0x10400] =	vst v63  }
0x5e8: {  	v49 =	vperm.xlane v49, v39;
	v63 =	vadd.s32 v2, v62;
	s10 =	sld [smem:$0x7AF]  }
0x5e9: {  	[tilespmem:s0], [sflag:$0x1] =	stream.indirect_vreg.gather [hbm4b:s6+s2], $0x80, v59, vm0, $0xb8;
	[tilespmem:$0x10400] =	vst v63  }
0x5ea: {  	v49 =	vadd.s32 v2, v49;
	s0 =	sld [smem:$0x7B0]  }
0x5eb: {  	[tilespmem:s10], [sflag:$0x1] =	stream.indirect_vreg.gather [hbm4b:s6+s2], $0x80, v61, vm0, $0xb8;
	[tilespmem:$0x10400] =	vst v63  }
0x5ec: {  	s10 =	sld [smem:$0x7B1]  }
0x5ed: {  	[tilespmem:s0], [sflag:$0x1] =	stream.indirect_vreg.gather [hbm4b:s6+s2], $0x80, v63, vm0, $0xb8;
	[tilespmem:$0x10400] =	vst v63  }
0x5ee: {  	_ = 	snop  }
0x5ef: {  	[tilespmem:s10], [sflag:$0x1] =	stream.indirect_vreg.gather [hbm4b:s6+s2], $0x80, v49, vm0, $0xb8;
	[tilespmem:$0x10400] =	vst v63  }
0x5f0: {  	v49 =	vld [tilespmem:$0x1A0];
	_ =	sdelay $0x4  }
0x5f1: {  	v55 =	vshll.u32 v49, $0x7  }
0x5f2: {  	v49 =	vand.u32 $0x7, v49;
	v50 =	vand.u32 $0xFFFFFC00, v55  }
0x5f3: {  	v49 =	vor.u32 v49, v50  }
0x5f4: {  	v50 =	vperm.xlane v49, v1;
	_ =	sdelay $0x1  }
0x5f5: {  	v56 =	vperm.xlane v49, v3;
	v50 =	vadd.s32 v2, v50;
	_ =	sdelay $0x1  }
0x5f6: {  	s0 =	sld [smem:$0x7B2];
	v57 =	vperm.xlane v49, v33;
	v51 =	vadd.s32 v2, v56;
	_ =	sdelay $0x1  }
0x5f7: {  	s10 =	sld [smem:$0x7B3];
	v58 =	vperm.xlane v49, v4;
	v52 =	vadd.s32 v2, v57  }
0x5f8: {  	[tilespmem:s0], [sflag:$0x1] =	stream.indirect_vreg.gather [hbm4b:s6+s2], $0x80, v50, vm0, $0xb8;
	[tilespmem:$0x10400] =	vst v63  }
0x5f9: {  	v60 =	vperm.xlane v49, v5;
	v59 =	vadd.s32 v2, v58;
	s0 =	sld [smem:$0x7B4]  }
0x5fa: {  	[tilespmem:s10], [sflag:$0x1] =	stream.indirect_vreg.gather [hbm4b:s6+s2], $0x80, v51, vm0, $0xb8;
	[tilespmem:$0x10400] =	vst v63  }
0x5fb: {  	v62 =	vperm.xlane v49, v27;
	v61 =	vadd.s32 v2, v60;
	s10 =	sld [smem:$0x7B5]  }
0x5fc: {  	[tilespmem:s0], [sflag:$0x1] =	stream.indirect_vreg.gather [hbm4b:s6+s2], $0x80, v52, vm0, $0xb8;
	[tilespmem:$0x10400] =	vst v63  }
0x5fd: {  	v63 =	vadd.s32 v2, v62;
	v56 =	vperm.xlane v49, v6;
	s0 =	sld [smem:$0x7B6]  }
0x5fe: {  	[tilespmem:s10], [sflag:$0x1] =	stream.indirect_vreg.gather [hbm4b:s6+s2], $0x80, v59, vm0, $0xb8;
	[tilespmem:$0x10400] =	vst v63  }
0x5ff: {  	v58 =	vperm.xlane v49, v0;
	v57 =	vadd.s32 v2, v56;
	s10 =	sld [smem:$0x7B7]  }
0x600: {  	[tilespmem:s0], [sflag:$0x1] =	stream.indirect_vreg.gather [hbm4b:s6+s2], $0x80, v61, vm0, $0xb8;
	[tilespmem:$0x10400] =	vst v63  }
0x601: {  	v60 =	vperm.xlane v49, v7;
	v59 =	vadd.s32 v2, v58;
	s0 =	sld [smem:$0x7B8]  }
0x602: {  	[tilespmem:s10], [sflag:$0x1] =	stream.indirect_vreg.gather [hbm4b:s6+s2], $0x80, v63, vm0, $0xb8;
	[tilespmem:$0x10400] =	vst v63  }
0x603: {  	v62 =	vperm.xlane v49, v8;
	v61 =	vadd.s32 v2, v60;
	s10 =	sld [smem:$0x7B9]  }
0x604: {  	[tilespmem:s0], [sflag:$0x1] =	stream.indirect_vreg.gather [hbm4b:s6+s2], $0x80, v57, vm0, $0xb8;
	[tilespmem:$0x10400] =	vst v63  }
0x605: {  	v56 =	vperm.xlane v49, v10;
	v63 =	vadd.s32 v2, v62;
	s0 =	sld [smem:$0x7BA]  }
0x606: {  	[tilespmem:s10], [sflag:$0x1] =	stream.indirect_vreg.gather [hbm4b:s6+s2], $0x80, v59, vm0, $0xb8;
	[tilespmem:$0x10400] =	vst v63  }
0x607: {  	v58 =	vperm.xlane v49, v11;
	v57 =	vadd.s32 v2, v56;
	s10 =	sld [smem:$0x7BB]  }
0x608: {  	[tilespmem:s0], [sflag:$0x1] =	stream.indirect_vreg.gather [hbm4b:s6+s2], $0x80, v61, vm0, $0xb8;
	[tilespmem:$0x10400] =	vst v63  }
0x609: {  	v60 =	vperm.xlane v49, v12;
	v59 =	vadd.s32 v2, v58;
	s0 =	sld [smem:$0x7BC]  }
0x60a: {  	[tilespmem:s10], [sflag:$0x1] =	stream.indirect_vreg.gather [hbm4b:s6+s2], $0x80, v63, vm0, $0xb8;
	[tilespmem:$0x10400] =	vst v63  }
0x60b: {  	v62 =	vperm.xlane v49, v13;
	v61 =	vadd.s32 v2, v60;
	s10 =	sld [smem:$0x7BD]  }
0x60c: {  	[tilespmem:s0], [sflag:$0x1] =	stream.indirect_vreg.gather [hbm4b:s6+s2], $0x80, v57, vm0, $0xb8;
	[tilespmem:$0x10400] =	vst v63  }
0x60d: {  	v56 =	vperm.xlane v49, v14;
	v63 =	vadd.s32 v2, v62;
	s0 =	sld [smem:$0x7BE]  }
0x60e: {  	[tilespmem:s10], [sflag:$0x1] =	stream.indirect_vreg.gather [hbm4b:s6+s2], $0x80, v59, vm0, $0xb8;
	[tilespmem:$0x10400] =	vst v63  }
0x60f: {  	v49 =	vperm.xlane v49, v39;
	v57 =	vadd.s32 v2, v56;
	s10 =	sld [smem:$0x7BF]  }
0x610: {  	[tilespmem:s0], [sflag:$0x1] =	stream.indirect_vreg.gather [hbm4b:s6+s2], $0x80, v61, vm0, $0xb8;
	[tilespmem:$0x10400] =	vst v63  }
0x611: {  	v49 =	vadd.s32 v2, v49;
	s0 =	sld [smem:$0x7C0]  }
0x612: {  	[tilespmem:s10], [sflag:$0x1] =	stream.indirect_vreg.gather [hbm4b:s6+s2], $0x80, v63, vm0, $0xb8;
	[tilespmem:$0x10400] =	vst v63  }
0x613: {  	s10 =	sld [smem:$0x7C1]  }
0x614: {  	[tilespmem:s0], [sflag:$0x1] =	stream.indirect_vreg.gather [hbm4b:s6+s2], $0x80, v57, vm0, $0xb8;
	[tilespmem:$0x10400] =	vst v63  }
0x615: {  	_ = 	snop  }
0x616: {  	[tilespmem:s10], [sflag:$0x1] =	stream.indirect_vreg.gather [hbm4b:s6+s2], $0x80, v49, vm0, $0xb8;
	[tilespmem:$0x10400] =	vst v63  }
0x617: {  	v49 =	vld [tilespmem:$0x1B0];
	_ =	sdelay $0x4  }
0x618: {  	v58 =	vshll.u32 v49, $0x7  }
0x619: {  	v49 =	vand.u32 $0x7, v49;
	v50 =	vand.u32 $0xFFFFFC00, v58  }
0x61a: {  	v49 =	vor.u32 v49, v50  }
0x61b: {  	v50 =	vperm.xlane v49, v1;
	_ =	sdelay $0x1  }
0x61c: {  	v59 =	vperm.xlane v49, v3;
	v50 =	vadd.s32 v2, v50;
	_ =	sdelay $0x1  }
0x61d: {  	s0 =	sld [smem:$0x7C2];
	v60 =	vperm.xlane v49, v33;
	v51 =	vadd.s32 v2, v59;
	_ =	sdelay $0x1  }
0x61e: {  	s10 =	sld [smem:$0x7C3];
	v61 =	vperm.xlane v49, v4;
	v52 =	vadd.s32 v2, v60  }
0x61f: {  	[tilespmem:s0], [sflag:$0x1] =	stream.indirect_vreg.gather [hbm4b:s6+s2], $0x80, v50, vm0, $0xb8;
	[tilespmem:$0x10400] =	vst v63  }
0x620: {  	v63 =	vperm.xlane v49, v5;
	v62 =	vadd.s32 v2, v61;
	s0 =	sld [smem:$0x7C4]  }
0x621: {  	[tilespmem:s10], [sflag:$0x1] =	stream.indirect_vreg.gather [hbm4b:s6+s2], $0x80, v51, vm0, $0xb8;
	[tilespmem:$0x10400] =	vst v63  }
0x622: {  	v57 =	vperm.xlane v49, v27;
	v56 =	vadd.s32 v2, v63;
	s10 =	sld [smem:$0x7C5]  }
0x623: {  	[tilespmem:s0], [sflag:$0x1] =	stream.indirect_vreg.gather [hbm4b:s6+s2], $0x80, v52, vm0, $0xb8;
	[tilespmem:$0x10400] =	vst v63  }
0x624: {  	v58 =	vadd.s32 v2, v57;
	v59 =	vperm.xlane v49, v6;
	s0 =	sld [smem:$0x7C6]  }
0x625: {  	[tilespmem:s10], [sflag:$0x1] =	stream.indirect_vreg.gather [hbm4b:s6+s2], $0x80, v62, vm0, $0xb8;
	[tilespmem:$0x10400] =	vst v63  }
0x626: {  	v61 =	vperm.xlane v49, v0;
	v60 =	vadd.s32 v2, v59;
	s10 =	sld [smem:$0x7C7]  }
0x627: {  	[tilespmem:s0], [sflag:$0x1] =	stream.indirect_vreg.gather [hbm4b:s6+s2], $0x80, v56, vm0, $0xb8;
	[tilespmem:$0x10400] =	vst v63  }
0x628: {  	v63 =	vperm.xlane v49, v7;
	v62 =	vadd.s32 v2, v61;
	s0 =	sld [smem:$0x7C8]  }
0x629: {  	[tilespmem:s10], [sflag:$0x1] =	stream.indirect_vreg.gather [hbm4b:s6+s2], $0x80, v58, vm0, $0xb8;
	[tilespmem:$0x10400] =	vst v63  }
0x62a: {  	v57 =	vperm.xlane v49, v8;
	v56 =	vadd.s32 v2, v63;
	s10 =	sld [smem:$0x7C9]  }
0x62b: {  	[tilespmem:s0], [sflag:$0x1] =	stream.indirect_vreg.gather [hbm4b:s6+s2], $0x80, v60, vm0, $0xb8;
	[tilespmem:$0x10400] =	vst v63  }
0x62c: {  	v59 =	vperm.xlane v49, v10;
	v58 =	vadd.s32 v2, v57;
	s0 =	sld [smem:$0x7CA]  }
0x62d: {  	[tilespmem:s10], [sflag:$0x1] =	stream.indirect_vreg.gather [hbm4b:s6+s2], $0x80, v62, vm0, $0xb8;
	[tilespmem:$0x10400] =	vst v63  }
0x62e: {  	v61 =	vperm.xlane v49, v11;
	v60 =	vadd.s32 v2, v59;
	s10 =	sld [smem:$0x7CB]  }
0x62f: {  	[tilespmem:s0], [sflag:$0x1] =	stream.indirect_vreg.gather [hbm4b:s6+s2], $0x80, v56, vm0, $0xb8;
	[tilespmem:$0x10400] =	vst v63  }
0x630: {  	v63 =	vperm.xlane v49, v12;
	v62 =	vadd.s32 v2, v61;
	s0 =	sld [smem:$0x7CC]  }
0x631: {  	[tilespmem:s10], [sflag:$0x1] =	stream.indirect_vreg.gather [hbm4b:s6+s2], $0x80, v58, vm0, $0xb8;
	[tilespmem:$0x10400] =	vst v63  }
0x632: {  	v57 =	vperm.xlane v49, v13;
	v56 =	vadd.s32 v2, v63;
	s10 =	sld [smem:$0x7CD]  }
0x633: {  	[tilespmem:s0], [sflag:$0x1] =	stream.indirect_vreg.gather [hbm4b:s6+s2], $0x80, v60, vm0, $0xb8;
	[tilespmem:$0x10400] =	vst v63  }
0x634: {  	v59 =	vperm.xlane v49, v14;
	v58 =	vadd.s32 v2, v57;
	s0 =	sld [smem:$0x7CE]  }
0x635: {  	[tilespmem:s10], [sflag:$0x1] =	stream.indirect_vreg.gather [hbm4b:s6+s2], $0x80, v62, vm0, $0xb8;
	[tilespmem:$0x10400] =	vst v63  }
0x636: {  	v49 =	vperm.xlane v49, v39;
	v60 =	vadd.s32 v2, v59;
	s10 =	sld [smem:$0x7CF]  }
0x637: {  	[tilespmem:s0], [sflag:$0x1] =	stream.indirect_vreg.gather [hbm4b:s6+s2], $0x80, v56, vm0, $0xb8;
	[tilespmem:$0x10400] =	vst v63  }
0x638: {  	v49 =	vadd.s32 v2, v49;
	s0 =	sld [smem:$0x7D0]  }
0x639: {  	[tilespmem:s10], [sflag:$0x1] =	stream.indirect_vreg.gather [hbm4b:s6+s2], $0x80, v58, vm0, $0xb8;
	[tilespmem:$0x10400] =	vst v63  }
0x63a: {  	s10 =	sld [smem:$0x7D1]  }
0x63b: {  	[tilespmem:s0], [sflag:$0x1] =	stream.indirect_vreg.gather [hbm4b:s6+s2], $0x80, v60, vm0, $0xb8;
	[tilespmem:$0x10400] =	vst v63  }
0x63c: {  	_ = 	snop  }
0x63d: {  	[tilespmem:s10], [sflag:$0x1] =	stream.indirect_vreg.gather [hbm4b:s6+s2], $0x80, v49, vm0, $0xb8;
	[tilespmem:$0x10400] =	vst v63  }
0x63e: {  	v49 =	vld [tilespmem:$0x1C0];
	_ =	sdelay $0x4  }
0x63f: {  	v61 =	vshll.u32 v49, $0x7  }
0x640: {  	v49 =	vand.u32 $0x7, v49;
	v50 =	vand.u32 $0xFFFFFC00, v61  }
0x641: {  	v49 =	vor.u32 v49, v50  }
0x642: {  	v50 =	vperm.xlane v49, v1;
	_ =	sdelay $0x1  }
0x643: {  	v62 =	vperm.xlane v49, v3;
	v50 =	vadd.s32 v2, v50;
	_ =	sdelay $0x1  }
0x644: {  	s0 =	sld [smem:$0x7D2];
	v63 =	vperm.xlane v49, v33;
	v51 =	vadd.s32 v2, v62;
	_ =	sdelay $0x1  }
0x645: {  	s10 =	sld [smem:$0x7D3];
	v56 =	vperm.xlane v49, v4;
	v52 =	vadd.s32 v2, v63  }
0x646: {  	[tilespmem:s0], [sflag:$0x1] =	stream.indirect_vreg.gather [hbm4b:s6+s2], $0x80, v50, vm0, $0xb8;
	[tilespmem:$0x10400] =	vst v63  }
0x647: {  	v58 =	vperm.xlane v49, v5;
	v57 =	vadd.s32 v2, v56;
	s0 =	sld [smem:$0x7D4]  }
0x648: {  	[tilespmem:s10], [sflag:$0x1] =	stream.indirect_vreg.gather [hbm4b:s6+s2], $0x80, v51, vm0, $0xb8;
	[tilespmem:$0x10400] =	vst v63  }
0x649: {  	v60 =	vperm.xlane v49, v27;
	v59 =	vadd.s32 v2, v58;
	s10 =	sld [smem:$0x7D5]  }
0x64a: {  	[tilespmem:s0], [sflag:$0x1] =	stream.indirect_vreg.gather [hbm4b:s6+s2], $0x80, v52, vm0, $0xb8;
	[tilespmem:$0x10400] =	vst v63  }
0x64b: {  	v61 =	vadd.s32 v2, v60;
	v62 =	vperm.xlane v49, v6;
	s0 =	sld [smem:$0x7D6]  }
0x64c: {  	[tilespmem:s10], [sflag:$0x1] =	stream.indirect_vreg.gather [hbm4b:s6+s2], $0x80, v57, vm0, $0xb8;
	[tilespmem:$0x10400] =	vst v63  }
0x64d: {  	v56 =	vperm.xlane v49, v0;
	v63 =	vadd.s32 v2, v62;
	s10 =	sld [smem:$0x7D7]  }
0x64e: {  	[tilespmem:s0], [sflag:$0x1] =	stream.indirect_vreg.gather [hbm4b:s6+s2], $0x80, v59, vm0, $0xb8;
	[tilespmem:$0x10400] =	vst v63  }
0x64f: {  	v58 =	vperm.xlane v49, v7;
	v57 =	vadd.s32 v2, v56;
	s0 =	sld [smem:$0x7D8]  }
0x650: {  	[tilespmem:s10], [sflag:$0x1] =	stream.indirect_vreg.gather [hbm4b:s6+s2], $0x80, v61, vm0, $0xb8;
	[tilespmem:$0x10400] =	vst v63  }
0x651: {  	v60 =	vperm.xlane v49, v8;
	v59 =	vadd.s32 v2, v58;
	s10 =	sld [smem:$0x7D9]  }
0x652: {  	[tilespmem:s0], [sflag:$0x1] =	stream.indirect_vreg.gather [hbm4b:s6+s2], $0x80, v63, vm0, $0xb8;
	[tilespmem:$0x10400] =	vst v63  }
0x653: {  	v62 =	vperm.xlane v49, v10;
	v61 =	vadd.s32 v2, v60;
	s0 =	sld [smem:$0x7DA]  }
0x654: {  	[tilespmem:s10], [sflag:$0x1] =	stream.indirect_vreg.gather [hbm4b:s6+s2], $0x80, v57, vm0, $0xb8;
	[tilespmem:$0x10400] =	vst v63  }
0x655: {  	v56 =	vperm.xlane v49, v11;
	v63 =	vadd.s32 v2, v62;
	s10 =	sld [smem:$0x7DB]  }
0x656: {  	[tilespmem:s0], [sflag:$0x1] =	stream.indirect_vreg.gather [hbm4b:s6+s2], $0x80, v59, vm0, $0xb8;
	[tilespmem:$0x10400] =	vst v63  }
0x657: {  	v58 =	vperm.xlane v49, v12;
	v57 =	vadd.s32 v2, v56;
	s0 =	sld [smem:$0x7DC]  }
0x658: {  	[tilespmem:s10], [sflag:$0x1] =	stream.indirect_vreg.gather [hbm4b:s6+s2], $0x80, v61, vm0, $0xb8;
	[tilespmem:$0x10400] =	vst v63  }
0x659: {  	v60 =	vperm.xlane v49, v13;
	v59 =	vadd.s32 v2, v58;
	s10 =	sld [smem:$0x7DD]  }
0x65a: {  	[tilespmem:s0], [sflag:$0x1] =	stream.indirect_vreg.gather [hbm4b:s6+s2], $0x80, v63, vm0, $0xb8;
	[tilespmem:$0x10400] =	vst v63  }
0x65b: {  	v62 =	vperm.xlane v49, v14;
	v61 =	vadd.s32 v2, v60;
	s0 =	sld [smem:$0x7DE]  }
0x65c: {  	[tilespmem:s10], [sflag:$0x1] =	stream.indirect_vreg.gather [hbm4b:s6+s2], $0x80, v57, vm0, $0xb8;
	[tilespmem:$0x10400] =	vst v63  }
0x65d: {  	v49 =	vperm.xlane v49, v39;
	v63 =	vadd.s32 v2, v62;
	s10 =	sld [smem:$0x7DF]  }
0x65e: {  	[tilespmem:s0], [sflag:$0x1] =	stream.indirect_vreg.gather [hbm4b:s6+s2], $0x80, v59, vm0, $0xb8;
	[tilespmem:$0x10400] =	vst v63  }
0x65f: {  	v49 =	vadd.s32 v2, v49;
	s0 =	sld [smem:$0x7E0]  }
0x660: {  	[tilespmem:s10], [sflag:$0x1] =	stream.indirect_vreg.gather [hbm4b:s6+s2], $0x80, v61, vm0, $0xb8;
	[tilespmem:$0x10400] =	vst v63  }
0x661: {  	s10 =	sld [smem:$0x7E1]  }
0x662: {  	[tilespmem:s0], [sflag:$0x1] =	stream.indirect_vreg.gather [hbm4b:s6+s2], $0x80, v63, vm0, $0xb8;
	[tilespmem:$0x10400] =	vst v63  }
0x663: {  	_ = 	snop  }
0x664: {  	[tilespmem:s10], [sflag:$0x1] =	stream.indirect_vreg.gather [hbm4b:s6+s2], $0x80, v49, vm0, $0xb8;
	[tilespmem:$0x10400] =	vst v63  }
0x665: {  	v49 =	vld [tilespmem:$0x1D0];
	_ =	sdelay $0x4  }
0x666: {  	v54 =	vshll.u32 v49, $0x7  }
0x667: {  	v49 =	vand.u32 $0x7, v49;
	v50 =	vand.u32 $0xFFFFFC00, v54  }
0x668: {  	v49 =	vor.u32 v49, v50  }
0x669: {  	v50 =	vperm.xlane v49, v1;
	_ =	sdelay $0x1  }
0x66a: {  	v55 =	vperm.xlane v49, v3;
	v50 =	vadd.s32 v2, v50;
	_ =	sdelay $0x1  }
0x66b: {  	s0 =	sld [smem:$0x7E2];
	v56 =	vperm.xlane v49, v33;
	v51 =	vadd.s32 v2, v55;
	_ =	sdelay $0x1  }
0x66c: {  	s10 =	sld [smem:$0x7E3];
	v57 =	vperm.xlane v49, v4;
	v52 =	vadd.s32 v2, v56  }
0x66d: {  	[tilespmem:s0], [sflag:$0x1] =	stream.indirect_vreg.gather [hbm4b:s6+s2], $0x80, v50, vm0, $0xb8;
	[tilespmem:$0x10400] =	vst v63  }
0x66e: {  	v59 =	vperm.xlane v49, v5;
	v58 =	vadd.s32 v2, v57;
	s0 =	sld [smem:$0x7E4]  }
0x66f: {  	[tilespmem:s10], [sflag:$0x1] =	stream.indirect_vreg.gather [hbm4b:s6+s2], $0x80, v51, vm0, $0xb8;
	[tilespmem:$0x10400] =	vst v63  }
0x670: {  	v61 =	vperm.xlane v49, v27;
	v60 =	vadd.s32 v2, v59;
	s10 =	sld [smem:$0x7E5]  }
0x671: {  	[tilespmem:s0], [sflag:$0x1] =	stream.indirect_vreg.gather [hbm4b:s6+s2], $0x80, v52, vm0, $0xb8;
	[tilespmem:$0x10400] =	vst v63  }
0x672: {  	v63 =	vperm.xlane v49, v6;
	v62 =	vadd.s32 v2, v61;
	s0 =	sld [smem:$0x7E6]  }
0x673: {  	[tilespmem:s10], [sflag:$0x1] =	stream.indirect_vreg.gather [hbm4b:s6+s2], $0x80, v58, vm0, $0xb8;
	[tilespmem:$0x10400] =	vst v63  }
0x674: {  	v56 =	vadd.s32 v2, v63;
	v57 =	vperm.xlane v49, v0;
	s10 =	sld [smem:$0x7E7]  }
0x675: {  	[tilespmem:s0], [sflag:$0x1] =	stream.indirect_vreg.gather [hbm4b:s6+s2], $0x80, v60, vm0, $0xb8;
	[tilespmem:$0x10400] =	vst v63  }
0x676: {  	v59 =	vperm.xlane v49, v7;
	v58 =	vadd.s32 v2, v57;
	s0 =	sld [smem:$0x7E8]  }
0x677: {  	[tilespmem:s10], [sflag:$0x1] =	stream.indirect_vreg.gather [hbm4b:s6+s2], $0x80, v62, vm0, $0xb8;
	[tilespmem:$0x10400] =	vst v63  }
0x678: {  	v61 =	vperm.xlane v49, v8;
	v60 =	vadd.s32 v2, v59;
	s10 =	sld [smem:$0x7E9]  }
0x679: {  	[tilespmem:s0], [sflag:$0x1] =	stream.indirect_vreg.gather [hbm4b:s6+s2], $0x80, v56, vm0, $0xb8;
	[tilespmem:$0x10400] =	vst v63  }
0x67a: {  	v63 =	vperm.xlane v49, v10;
	v62 =	vadd.s32 v2, v61;
	s0 =	sld [smem:$0x7EA]  }
0x67b: {  	[tilespmem:s10], [sflag:$0x1] =	stream.indirect_vreg.gather [hbm4b:s6+s2], $0x80, v58, vm0, $0xb8;
	[tilespmem:$0x10400] =	vst v63  }
0x67c: {  	v57 =	vperm.xlane v49, v11;
	v56 =	vadd.s32 v2, v63;
	s10 =	sld [smem:$0x7EB]  }
0x67d: {  	[tilespmem:s0], [sflag:$0x1] =	stream.indirect_vreg.gather [hbm4b:s6+s2], $0x80, v60, vm0, $0xb8;
	[tilespmem:$0x10400] =	vst v63  }
0x67e: {  	v59 =	vperm.xlane v49, v12;
	v58 =	vadd.s32 v2, v57;
	s0 =	sld [smem:$0x7EC]  }
0x67f: {  	[tilespmem:s10], [sflag:$0x1] =	stream.indirect_vreg.gather [hbm4b:s6+s2], $0x80, v62, vm0, $0xb8;
	[tilespmem:$0x10400] =	vst v63  }
0x680: {  	v61 =	vperm.xlane v49, v13;
	v60 =	vadd.s32 v2, v59;
	s10 =	sld [smem:$0x7ED]  }
0x681: {  	[tilespmem:s0], [sflag:$0x1] =	stream.indirect_vreg.gather [hbm4b:s6+s2], $0x80, v56, vm0, $0xb8;
	[tilespmem:$0x10400] =	vst v63  }
0x682: {  	v63 =	vperm.xlane v49, v14;
	v62 =	vadd.s32 v2, v61;
	s0 =	sld [smem:$0x7EE]  }
0x683: {  	[tilespmem:s10], [sflag:$0x1] =	stream.indirect_vreg.gather [hbm4b:s6+s2], $0x80, v58, vm0, $0xb8;
	[tilespmem:$0x10400] =	vst v63  }
0x684: {  	v49 =	vperm.xlane v49, v39;
	v56 =	vadd.s32 v2, v63;
	s10 =	sld [smem:$0x7EF]  }
0x685: {  	[tilespmem:s0], [sflag:$0x1] =	stream.indirect_vreg.gather [hbm4b:s6+s2], $0x80, v60, vm0, $0xb8;
	[tilespmem:$0x10400] =	vst v63  }
0x686: {  	v49 =	vadd.s32 v2, v49;
	s0 =	sld [smem:$0x7F0]  }
0x687: {  	[tilespmem:s10], [sflag:$0x1] =	stream.indirect_vreg.gather [hbm4b:s6+s2], $0x80, v62, vm0, $0xb8;
	[tilespmem:$0x10400] =	vst v63  }
0x688: {  	s10 =	sld [smem:$0x7F1]  }
0x689: {  	[tilespmem:s0], [sflag:$0x1] =	stream.indirect_vreg.gather [hbm4b:s6+s2], $0x80, v56, vm0, $0xb8;
	[tilespmem:$0x10400] =	vst v63  }
0x68a: {  	_ = 	snop  }
0x68b: {  	[tilespmem:s10], [sflag:$0x1] =	stream.indirect_vreg.gather [hbm4b:s6+s2], $0x80, v49, vm0, $0xb8;
	[tilespmem:$0x10400] =	vst v63  }
0x68c: {  	v49 =	vld [tilespmem:$0x1E0];
	_ =	sdelay $0x4  }
0x68d: {  	v57 =	vshll.u32 v49, $0x7  }
0x68e: {  	v49 =	vand.u32 $0x7, v49;
	v50 =	vand.u32 $0xFFFFFC00, v57  }
0x68f: {  	v49 =	vor.u32 v49, v50  }
0x690: {  	v50 =	vperm.xlane v49, v1;
	_ =	sdelay $0x1  }
0x691: {  	v58 =	vperm.xlane v49, v3;
	v50 =	vadd.s32 v2, v50;
	_ =	sdelay $0x1  }
0x692: {  	s0 =	sld [smem:$0x7F2];
	v59 =	vperm.xlane v49, v33;
	v51 =	vadd.s32 v2, v58;
	_ =	sdelay $0x1  }
0x693: {  	s10 =	sld [smem:$0x7F3];
	v60 =	vperm.xlane v49, v4;
	v52 =	vadd.s32 v2, v59  }
0x694: {  	[tilespmem:s0], [sflag:$0x1] =	stream.indirect_vreg.gather [hbm4b:s6+s2], $0x80, v50, vm0, $0xb8;
	[tilespmem:$0x10400] =	vst v63  }
0x695: {  	v62 =	vperm.xlane v49, v5;
	v61 =	vadd.s32 v2, v60;
	s0 =	sld [smem:$0x7F4]  }
0x696: {  	[tilespmem:s10], [sflag:$0x1] =	stream.indirect_vreg.gather [hbm4b:s6+s2], $0x80, v51, vm0, $0xb8;
	[tilespmem:$0x10400] =	vst v63  }
0x697: {  	v56 =	vperm.xlane v49, v27;
	v63 =	vadd.s32 v2, v62;
	s10 =	sld [smem:$0x7F5]  }
0x698: {  	[tilespmem:s0], [sflag:$0x1] =	stream.indirect_vreg.gather [hbm4b:s6+s2], $0x80, v52, vm0, $0xb8;
	[tilespmem:$0x10400] =	vst v63  }
0x699: {  	v57 =	vadd.s32 v2, v56;
	v58 =	vperm.xlane v49, v6;
	s0 =	sld [smem:$0x7F6]  }
0x69a: {  	[tilespmem:s10], [sflag:$0x1] =	stream.indirect_vreg.gather [hbm4b:s6+s2], $0x80, v61, vm0, $0xb8;
	[tilespmem:$0x10400] =	vst v63  }
0x69b: {  	v60 =	vperm.xlane v49, v0;
	v59 =	vadd.s32 v2, v58;
	s10 =	sld [smem:$0x7F7]  }
0x69c: {  	[tilespmem:s0], [sflag:$0x1] =	stream.indirect_vreg.gather [hbm4b:s6+s2], $0x80, v63, vm0, $0xb8;
	[tilespmem:$0x10400] =	vst v63  }
0x69d: {  	v62 =	vperm.xlane v49, v7;
	v61 =	vadd.s32 v2, v60;
	s0 =	sld [smem:$0x7F8]  }
0x69e: {  	[tilespmem:s10], [sflag:$0x1] =	stream.indirect_vreg.gather [hbm4b:s6+s2], $0x80, v57, vm0, $0xb8;
	[tilespmem:$0x10400] =	vst v63  }
0x69f: {  	v56 =	vperm.xlane v49, v8;
	v63 =	vadd.s32 v2, v62;
	s10 =	sld [smem:$0x7F9]  }
0x6a0: {  	[tilespmem:s0], [sflag:$0x1] =	stream.indirect_vreg.gather [hbm4b:s6+s2], $0x80, v59, vm0, $0xb8;
	[tilespmem:$0x10400] =	vst v63  }
0x6a1: {  	v58 =	vperm.xlane v49, v10;
	v57 =	vadd.s32 v2, v56;
	s0 =	sld [smem:$0x7FA]  }
0x6a2: {  	[tilespmem:s10], [sflag:$0x1] =	stream.indirect_vreg.gather [hbm4b:s6+s2], $0x80, v61, vm0, $0xb8;
	[tilespmem:$0x10400] =	vst v63  }
0x6a3: {  	v60 =	vperm.xlane v49, v11;
	v59 =	vadd.s32 v2, v58;
	s10 =	sld [smem:$0x7FB]  }
0x6a4: {  	[tilespmem:s0], [sflag:$0x1] =	stream.indirect_vreg.gather [hbm4b:s6+s2], $0x80, v63, vm0, $0xb8;
	[tilespmem:$0x10400] =	vst v63  }
0x6a5: {  	v62 =	vperm.xlane v49, v12;
	v61 =	vadd.s32 v2, v60;
	s0 =	sld [smem:$0x7FC]  }
0x6a6: {  	[tilespmem:s10], [sflag:$0x1] =	stream.indirect_vreg.gather [hbm4b:s6+s2], $0x80, v57, vm0, $0xb8;
	[tilespmem:$0x10400] =	vst v63  }
0x6a7: {  	v56 =	vperm.xlane v49, v13;
	v63 =	vadd.s32 v2, v62;
	s10 =	sld [smem:$0x7FD]  }
0x6a8: {  	[tilespmem:s0], [sflag:$0x1] =	stream.indirect_vreg.gather [hbm4b:s6+s2], $0x80, v59, vm0, $0xb8;
	[tilespmem:$0x10400] =	vst v63  }
0x6a9: {  	v58 =	vperm.xlane v49, v14;
	v57 =	vadd.s32 v2, v56  }
0x6aa: {  	[tilespmem:s10], [sflag:$0x1] =	stream.indirect_vreg.gather [hbm4b:s6+s2], $0x80, v61, vm0, $0xb8;
	[tilespmem:$0x10400] =	vst v63  }
0x6ab: {  	v49 =	vperm.xlane v49, v39;
	v59 =	vadd.s32 v2, v58  }
0x6ac: {  	[tilespmem:s26], [sflag:$0x1] =	stream.indirect_vreg.gather [hbm4b:s6+s2], $0x80, v63, vm0, $0xb8;
	[tilespmem:$0x10400] =	vst v63  }
0x6ad: {  	v49 =	vadd.s32 v2, v49  }
0x6ae: {  	[tilespmem:s28], [sflag:$0x1] =	stream.indirect_vreg.gather [hbm4b:s6+s2], $0x80, v57, vm0, $0xb8;
	[tilespmem:$0x10400] =	vst v63  }
0x6af: {  	_ = 	snop  }
0x6b0: {  	[tilespmem:s29], [sflag:$0x1] =	stream.indirect_vreg.gather [hbm4b:s6+s2], $0x80, v59, vm0, $0xb8;
	[tilespmem:$0x10400] =	vst v63  }
0x6b1: {  	_ = 	snop  }
0x6b2: {  	[tilespmem:s14], [sflag:$0x1] =	stream.indirect_vreg.gather [hbm4b:s6+s2], $0x80, v49, vm0, $0xb8;
	[tilespmem:$0x10400] =	vst v63  }
0x6b3: {  	v49 =	vld [tilespmem:$0x1F0];
	_ =	sdelay $0x4  }
0x6b4: {  	v60 =	vshll.u32 v49, $0x7  }
0x6b5: {  	v49 =	vand.u32 $0x7, v49;
	v50 =	vand.u32 $0xFFFFFC00, v60  }
0x6b6: {  	v49 =	vor.u32 v49, v50  }
0x6b7: {  	v50 =	vperm.xlane v49, v1;
	_ =	sdelay $0x1  }
0x6b8: {  	v61 =	vperm.xlane v49, v3;
	v50 =	vadd.s32 v2, v50;
	_ =	sdelay $0x1  }
0x6b9: {  	v62 =	vperm.xlane v49, v33;
	v51 =	vadd.s32 v2, v61;
	_ =	sdelay $0x1  }
0x6ba: {  	v63 =	vperm.xlane v49, v4;
	v52 =	vadd.s32 v2, v62  }
0x6bb: {  	[tilespmem:s21], [sflag:$0x1] =	stream.indirect_vreg.gather [hbm4b:s6+s2], $0x80, v50, vm0, $0xb8;
	[tilespmem:$0x10400] =	vst v63  }
0x6bc: {  	v57 =	vperm.xlane v49, v5;
	v56 =	vadd.s32 v2, v63  }
0x6bd: {  	[tilespmem:s22], [sflag:$0x1] =	stream.indirect_vreg.gather [hbm4b:s6+s2], $0x80, v51, vm0, $0xb8;
	[tilespmem:$0x10400] =	vst v63  }
0x6be: {  	v59 =	vperm.xlane v49, v27;
	v58 =	vadd.s32 v2, v57  }
0x6bf: {  	[tilespmem:s23], [sflag:$0x1] =	stream.indirect_vreg.gather [hbm4b:s6+s2], $0x80, v52, vm0, $0xb8;
	[tilespmem:$0x10400] =	vst v63  }
0x6c0: {  	v60 =	vadd.s32 v2, v59;
	v61 =	vperm.xlane v49, v6  }
0x6c1: {  	[tilespmem:s25], [sflag:$0x1] =	stream.indirect_vreg.gather [hbm4b:s6+s2], $0x80, v56, vm0, $0xb8;
	[tilespmem:$0x10400] =	vst v63  }
0x6c2: {  	v63 =	vperm.xlane v49, v0;
	v62 =	vadd.s32 v2, v61  }
0x6c3: {  	[tilespmem:s24], [sflag:$0x1] =	stream.indirect_vreg.gather [hbm4b:s6+s2], $0x80, v58, vm0, $0xb8;
	[tilespmem:$0x10400] =	vst v63  }
0x6c4: {  	s10 =	simm.s32 $0xFC80;
	v57 =	vperm.xlane v49, v7;
	v56 =	vadd.s32 v2, v63  }
0x6c5: {  	[tilespmem:s10], [sflag:$0x1] =	stream.indirect_vreg.gather [hbm4b:s6+s2], $0x80, v60, vm0, $0xb8;
	[tilespmem:$0x10400] =	vst v63  }
0x6c6: {  	v59 =	vperm.xlane v49, v8;
	v58 =	vadd.s32 v2, v57  }
0x6c7: {  	[tilespmem:s20], [sflag:$0x1] =	stream.indirect_vreg.gather [hbm4b:s6+s2], $0x80, v62, vm0, $0xb8;
	[tilespmem:$0x10400] =	vst v63  }
0x6c8: {  	v61 =	vperm.xlane v49, v10;
	v60 =	vadd.s32 v2, v59  }
0x6c9: {  	[tilespmem:s16], [sflag:$0x1] =	stream.indirect_vreg.gather [hbm4b:s6+s2], $0x80, v56, vm0, $0xb8;
	[tilespmem:$0x10400] =	vst v63  }
0x6ca: {  	v63 =	vperm.xlane v49, v11;
	v62 =	vadd.s32 v2, v61  }
0x6cb: {  	[tilespmem:s18], [sflag:$0x1] =	stream.indirect_vreg.gather [hbm4b:s6+s2], $0x80, v58, vm0, $0xb8;
	[tilespmem:$0x10400] =	vst v63  }
0x6cc: {  	v57 =	vperm.xlane v49, v12;
	v56 =	vadd.s32 v2, v63  }
0x6cd: {  	[tilespmem:s19], [sflag:$0x1] =	stream.indirect_vreg.gather [hbm4b:s6+s2], $0x80, v60, vm0, $0xb8;
	[tilespmem:$0x10400] =	vst v63  }
0x6ce: {  	v59 =	vperm.xlane v49, v13;
	v58 =	vadd.s32 v2, v57  }
0x6cf: {  	[tilespmem:s17], [sflag:$0x1] =	stream.indirect_vreg.gather [hbm4b:s6+s2], $0x80, v62, vm0, $0xb8;
	[tilespmem:$0x10400] =	vst v63  }
0x6d0: {  	v61 =	vperm.xlane v49, v14;
	v60 =	vadd.s32 v2, v59  }
0x6d1: {  	[tilespmem:s15], [sflag:$0x1] =	stream.indirect_vreg.gather [hbm4b:s6+s2], $0x80, v56, vm0, $0xb8;
	[tilespmem:$0x10400] =	vst v63  }
0x6d2: {  	v49 =	vperm.xlane v49, v39;
	v62 =	vadd.s32 v2, v61  }
0x6d3: {  	[tilespmem:s11], [sflag:$0x1] =	stream.indirect_vreg.gather [hbm4b:s6+s2], $0x80, v58, vm0, $0xb8;
	[tilespmem:$0x10400] =	vst v63  }
0x6d4: {  	v49 =	vadd.s32 v2, v49  }
0x6d5: {  	[tilespmem:s12], [sflag:$0x1] =	stream.indirect_vreg.gather [hbm4b:s6+s2], $0x80, v60, vm0, $0xb8;
	[tilespmem:$0x10400] =	vst v63  }
0x6d6: {  	_ = 	snop  }
0x6d7: {  	[tilespmem:s13], [sflag:$0x1] =	stream.indirect_vreg.gather [hbm4b:s6+s2], $0x80, v62, vm0, $0xb8;
	[tilespmem:$0x10400] =	vst v63  }
0x6d8: {  	_ = 	snop  }
0x6d9: {  	[tilespmem:s30], [sflag:$0x1] =	stream.indirect_vreg.gather [hbm4b:s6+s2], $0x80, v49, vm0, $0xb8;
	[tilespmem:$0x10400] =	vst v63  }
0x6da: {  	_ =	swait.ge [sflag:s31], $0x10000  }
0x6db: {  	[sflag:s31] =	ssyncset.done $0x0  }
0x6dc: {  	[sflag:s31] =	ssyncadd.s32 $0xFFFF0000  }
0x6dd: {  	v63 =	vld.idx.msk [tilespmem:v9+s9+$0x0], $0xffff;
	_ =	sdelay $0x4  }
0x6de: {  	[tilespmem:$0x10200] =	vst v63  }
0x6df: {  	v49 =	vld.idx.msk [tilespmem:v15+s9+$0x0], $0xffff;
	_ =	sdelay $0x4  }
0x6e0: {  	[tilespmem:$0x10210] =	vst v49  }
0x6e1: {  	v49 =	vld.idx.msk [tilespmem:v16+s9+$0x0], $0xffff;
	_ =	sdelay $0x4  }
0x6e2: {  	[tilespmem:$0x10220] =	vst v49  }
0x6e3: {  	v49 =	vld.idx.msk [tilespmem:v17+s9+$0x0], $0xffff;
	_ =	sdelay $0x4  }
0x6e4: {  	[tilespmem:$0x10230] =	vst v49  }
0x6e5: {  	v49 =	vld.idx.msk [tilespmem:v18+s9+$0x0], $0xffff;
	_ =	sdelay $0x4  }
0x6e6: {  	[tilespmem:$0x10240] =	vst v49  }
0x6e7: {  	v49 =	vld.idx.msk [tilespmem:v19+s9+$0x0], $0xffff;
	_ =	sdelay $0x4  }
0x6e8: {  	[tilespmem:$0x10250] =	vst v49  }
0x6e9: {  	v49 =	vld.idx.msk [tilespmem:v20+s9+$0x0], $0xffff;
	_ =	sdelay $0x4  }
0x6ea: {  	[tilespmem:$0x10260] =	vst v49  }
0x6eb: {  	v49 =	vld.idx.msk [tilespmem:v21+s9+$0x0], $0xffff;
	_ =	sdelay $0x4  }
0x6ec: {  	[tilespmem:$0x10270] =	vst v49  }
0x6ed: {  	v49 =	vld.idx.msk [tilespmem:v22+s9+$0x0], $0xffff;
	_ =	sdelay $0x4  }
0x6ee: {  	[tilespmem:$0x10280] =	vst v49  }
0x6ef: {  	v49 =	vld.idx.msk [tilespmem:v23+s9+$0x0], $0xffff;
	_ =	sdelay $0x4  }
0x6f0: {  	[tilespmem:$0x10290] =	vst v49  }
0x6f1: {  	v49 =	vld.idx.msk [tilespmem:v24+s9+$0x0], $0xffff;
	_ =	sdelay $0x4  }
0x6f2: {  	[tilespmem:$0x102A0] =	vst v49  }
0x6f3: {  	v49 =	vld.idx.msk [tilespmem:v25+s9+$0x0], $0xffff;
	_ =	sdelay $0x4  }
0x6f4: {  	[tilespmem:$0x102B0] =	vst v49  }
0x6f5: {  	v49 =	vld.idx.msk [tilespmem:v26+s9+$0x0], $0xffff;
	_ =	sdelay $0x4  }
0x6f6: {  	[tilespmem:$0x102C0] =	vst v49  }
0x6f7: {  	v49 =	vld.idx.msk [tilespmem:v28+s9+$0x0], $0xffff;
	_ =	sdelay $0x4  }
0x6f8: {  	[tilespmem:$0x102D0] =	vst v49  }
0x6f9: {  	v49 =	vld.idx.msk [tilespmem:v29+s9+$0x0], $0xffff;
	_ =	sdelay $0x4  }
0x6fa: {  	[tilespmem:$0x102E0] =	vst v49  }
0x6fb: {  	v49 =	vld.idx.msk [tilespmem:v30+s9+$0x0], $0xffff;
	_ =	sdelay $0x4  }
0x6fc: {  	[tilespmem:$0x102F0] =	vst v49  }
0x6fd: {  	v49 =	vld.idx.msk [tilespmem:v31+s9+$0x0], $0xffff;
	_ =	sdelay $0x4  }
0x6fe: {  	[tilespmem:$0x10300] =	vst v49  }
0x6ff: {  	v49 =	vld.idx.msk [tilespmem:v32+s9+$0x0], $0xffff;
	_ =	sdelay $0x4  }
0x700: {  	[tilespmem:$0x10310] =	vst v49  }
0x701: {  	v49 =	vld.idx.msk [tilespmem:v34+s9+$0x0], $0xffff;
	_ =	sdelay $0x4  }
0x702: {  	[tilespmem:$0x10320] =	vst v49  }
0x703: {  	v49 =	vld.idx.msk [tilespmem:v35+s9+$0x0], $0xffff;
	_ =	sdelay $0x4  }
0x704: {  	[tilespmem:$0x10330] =	vst v49  }
0x705: {  	v49 =	vld.idx.msk [tilespmem:v36+s9+$0x0], $0xffff;
	_ =	sdelay $0x4  }
0x706: {  	[tilespmem:$0x10340] =	vst v49  }
0x707: {  	v49 =	vld.idx.msk [tilespmem:v37+s9+$0x0], $0xffff;
	_ =	sdelay $0x4  }
0x708: {  	[tilespmem:$0x10350] =	vst v49  }
0x709: {  	v49 =	vld.idx.msk [tilespmem:v38+s9+$0x0], $0xffff;
	_ =	sdelay $0x4  }
0x70a: {  	[tilespmem:$0x10360] =	vst v49  }
0x70b: {  	v49 =	vld.idx.msk [tilespmem:v40+s9+$0x0], $0xffff;
	_ =	sdelay $0x4  }
0x70c: {  	[tilespmem:$0x10370] =	vst v49  }
0x70d: {  	v49 =	vld.idx.msk [tilespmem:v41+s9+$0x0], $0xffff;
	_ =	sdelay $0x4  }
0x70e: {  	[tilespmem:$0x10380] =	vst v49  }
0x70f: {  	v49 =	vld.idx.msk [tilespmem:v42+s9+$0x0], $0xffff;
	_ =	sdelay $0x4  }
0x710: {  	[tilespmem:$0x10390] =	vst v49  }
0x711: {  	v49 =	vld.idx.msk [tilespmem:v43+s9+$0x0], $0xffff;
	_ =	sdelay $0x4  }
0x712: {  	[tilespmem:$0x103A0] =	vst v49  }
0x713: {  	v49 =	vld.idx.msk [tilespmem:v44+s9+$0x0], $0xffff;
	_ =	sdelay $0x4  }
0x714: {  	[tilespmem:$0x103B0] =	vst v49  }
0x715: {  	v49 =	vld.idx.msk [tilespmem:v45+s9+$0x0], $0xffff;
	_ =	sdelay $0x4  }
0x716: {  	[tilespmem:$0x103C0] =	vst v49  }
0x717: {  	v49 =	vld.idx.msk [tilespmem:v46+s9+$0x0], $0xffff;
	_ =	sdelay $0x4  }
0x718: {  	[tilespmem:$0x103D0] =	vst v49  }
0x719: {  	v49 =	vld.idx.msk [tilespmem:v47+s9+$0x0], $0xffff;
	_ =	sdelay $0x4  }
0x71a: {  	[tilespmem:$0x103E0] =	vst v49  }
0x71b: {  	v49 =	vld.idx.msk [tilespmem:v48+s9+$0x0], $0xffff;
	_ =	sdelay $0x3  }
0x71c: {  	p0 =	sne.s32 s7, $0x1  }
.Ltmp0:
0x71d: {  	s10 =	rddreg [dreg:$0x5];
	[tilespmem:$0x103F0] =	vst v49;
	(pc) =	sbr.rel @p0 .LBB2_1-.Ltmp0, $4  }
0x71e: {  	[hbm4b:s10+s2] =	stream.linear.scatter [tilespmem:s1], [sflag:$0x2], $0x200, $0x38;
	[tilespmem:$0x10400] =	vst v63  }
0x71f: {  	_ =	swait.ge [sflag:s8], $0x200  }
0x720: {  	[sflag:s8] =	ssyncset.done $0x0  }
0x721: {  	s7 =	sadd.s32 $0xFFFFFFFF, s7;
	[sflag:s8] =	ssyncadd.s32 $0xFFFFFE00  }
0x722: {  	_ =	sfence.sel $0x180000  }
0x723: {  	[bflag:$0x0] =	sbarrier.arrive $0xFFFF  }
0x724: {  	_ =	strace $0x90000047  }
0x725: {  	s0 =	stileid.u32;
	[bflag:$0x2] =	sbarrier.arrive $0xFFFF  }
0x726: {  	p0 =	sne.s32 s0, $0x0;
	s0 =	rddreg [dreg:$0x3]  }
0x727: {  	s0 =	sadd.s32 @!p0 $0x100000, s0  }
0x728: {  	[sflag:s0] =	ssyncadd.tile.s32 @!p0 $0x1;
	_ =	shalt  }
.Lfunc_end2:
_tile_overlayer_lowered:
.L_overlay_start_2:
0x729: {  	(tag) =	ssettag $0x2  }
0x72a: {  	s0 =	rddreg [dreg:$0x0];
	s2 =	stileid.u32  }
0x72b: {  	s1 =	rddreg [dreg:$0x1];
	p0 =	sne.s32 s2, $0x0  }
0x72c: {  	s3 =	rddreg [dreg:$0x2];
	[bflag:$0x3] =	sbarrier.arrive $0xFFFF;
	s2 =	simm.s32 @!p0 $0x1C02  }
0x72d: {  	[timem:s3], [sflag:s2] =	dma.local @!p0 [hbm:s0], s1  }
0x72e: {  	s0 =	simm.s32 @!p0 $0x2  }
0x72f: {  	_ =	swait.ge @!p0 [sflag:s0], s1  }
0x730: {  	s1 =	ssub.s32 @!p0 $0x0, s1;
	[sflag:s0] =	ssyncset.done @!p0 $0x0  }
0x731: {  	[sflag:s0] =	ssyncadd.s32 @!p0 s1  }
0x732: {  	[bflag:$0x3] =	sbarrier.arrive $0xFFFF  }
0x733: {  	_ =	shalt  }

</sc_bundles>
